<compile_context>
chip_gen: v7x
topology: tpu7x:2x2x1
jax: 0.10.2.dev20260603
libtpu: 0.0.44.dev20260713+nightly
codegen_flags: <defaults>
</compile_context>

<pallas_src>
import functools

import jax
import jax.numpy as jnp
from jax import lax
from jax.experimental import pallas as pl
from jax.experimental.pallas import tpu as pltpu
from jax.experimental.pallas import tpu_sc as plsc

N = 10000
E = 320000
D = 128
G = 512
T = 41

NC = 2
NS = 16
NW = NC * NS

NP = 10240
EPT = E // NW
KE = 80
CE = 128
KG = 8
NG = KE // KG
EPT_PAD = KE * CE
ROWS_PT = NP // NW
KB = 5
CB = 64
GP = 768
GROWS_PT = GP // NS
NROWS = NP // NS

_f32 = jnp.float32
_i32 = jnp.int32

_MESH = plsc.VectorSubcoreMesh(core_axis_name="c", subcore_axis_name="s",
                               num_cores=NC, num_subcores=NS)


def _zero_rows(ref, rows, width):
    z = jnp.zeros((16,), _f32)

    def body(i, carry):
        for t in range(width // 16):
            ref[i, pl.ds(t * 16, 16)] = z
        return carry

    lax.fori_loop(0, rows, body, 0)


@functools.partial(
    pl.kernel,
    out_type=jax.ShapeDtypeStruct((NC, NP, D), _f32),
    mesh=_MESH,
    scratch_types=[
        pltpu.VMEM((KE, CE), _i32),
        pltpu.VMEM((CE, D), _f32),
        pltpu.VMEM_SHARED((NP, D), _f32),
    ],
)
def _sc_deg(dstw_hbm, deg_out, dst_v, ones_v, deg_sh):
    c = lax.axis_index("c")
    s = lax.axis_index("s")
    wid = c * NS + s

    _zero_rows(ones_v, CE, D)
    for k in range(NROWS // CE):
        pltpu.sync_copy(ones_v, deg_sh.at[pl.ds(s * NROWS + k * CE, CE)])

    one = jnp.ones((16,), _f32)

    def fill(i, carry):
        for t in range(D // 16):
            ones_v[i, pl.ds(t * 16, 16)] = one
        return carry

    lax.fori_loop(0, CE, fill, 0)
    plsc.subcore_barrier()

    pltpu.sync_copy(dstw_hbm.at[wid], dst_v)

    def body(j, carry):
        pltpu.sync_copy(ones_v, deg_sh.at[dst_v.at[j]], add=True)
        return carry

    lax.fori_loop(0, KE, body, 0)
    plsc.subcore_barrier()
    pltpu.sync_copy(deg_sh.at[pl.ds(s * NROWS, NROWS)],
                    deg_out.at[c, pl.ds(s * NROWS, NROWS)])


@functools.partial(
    pl.kernel,
    out_type=jax.ShapeDtypeStruct((NC, NP, D), _f32),
    mesh=_MESH,
    scratch_types=[
        pltpu.VMEM((KG, CE), _i32),
        pltpu.VMEM((KG, CE), _i32),
        pltpu.VMEM((CE, D), _f32),
        pltpu.VMEM((CE, D), _f32),
        pltpu.VMEM_SHARED((NP, D), _f32),
        pltpu.SemaphoreType.DMA,
        pltpu.SemaphoreType.DMA,
    ],
)
def _sc_msg(hs_hbm, srcw_hbm, dstw_hbm, parts_out,
            src_v, dst_v, buf0, buf1, agg_sh, sem0, sem1):
    c = lax.axis_index("c")
    s = lax.axis_index("s")
    wid = c * NS + s
    rows = NP // NS

    _zero_rows(buf0, CE, D)
    for k in range(rows // CE):
        pltpu.sync_copy(buf0, agg_sh.at[pl.ds(s * rows + k * CE, CE)])
    plsc.subcore_barrier()

    def group(g, carry):
        pltpu.sync_copy(srcw_hbm.at[wid, pl.ds(g * KG, KG)], src_v)
        pltpu.sync_copy(dstw_hbm.at[wid, pl.ds(g * KG, KG)], dst_v)
        pltpu.async_copy(hs_hbm.at[src_v.at[0]], buf0, sem0)
        for j in range(KG):
            buf_a, sem_a = (buf0, sem0) if j % 2 == 0 else (buf1, sem1)
            buf_b, sem_b = (buf1, sem1) if j % 2 == 0 else (buf0, sem0)
            if j + 1 < KG:
                pltpu.async_copy(hs_hbm.at[src_v.at[j + 1]], buf_b, sem_b)
            pltpu.make_async_copy(hs_hbm.at[src_v.at[j]], buf_a, sem_a).wait()
            pltpu.sync_copy(buf_a, agg_sh.at[dst_v.at[j]], add=True)
        return carry

    lax.fori_loop(0, NG, group, 0)

    plsc.subcore_barrier()
    pltpu.sync_copy(agg_sh.at[pl.ds(s * rows, rows)],
                    parts_out.at[c, pl.ds(s * rows, rows)])


@functools.partial(
    pl.kernel,
    out_type=[
        jax.ShapeDtypeStruct((NC, GP, D), _f32),
        jax.ShapeDtypeStruct((NC, GP, D), _f32),
    ],
    mesh=_MESH,
    scratch_types=[
        pltpu.VMEM((ROWS_PT, D), _f32),
        pltpu.VMEM((KB, CB), _i32),
        pltpu.VMEM((CB, D), _f32),
        pltpu.VMEM_SHARED((GP, D), _f32),
        pltpu.VMEM_SHARED((GP, D), _f32),
    ],
)
def _sc_pool(h2_hbm, batchw_hbm, pool_out, cnt_out,
             rows_v, bidx_v, ones_v, pool_sh, cnt_sh):
    c = lax.axis_index("c")
    s = lax.axis_index("s")
    wid = c * NS + s

    _zero_rows(ones_v, CB, D)
    pltpu.sync_copy(ones_v.at[pl.ds(0, GROWS_PT)],
                    pool_sh.at[pl.ds(s * GROWS_PT, GROWS_PT)])
    pltpu.sync_copy(ones_v.at[pl.ds(0, GROWS_PT)],
                    cnt_sh.at[pl.ds(s * GROWS_PT, GROWS_PT)])

    one = jnp.ones((16,), _f32)

    def fill(i, carry):
        for t in range(D // 16):
            ones_v[i, pl.ds(t * 16, 16)] = one
        return carry

    lax.fori_loop(0, CB, fill, 0)
    plsc.subcore_barrier()

    pltpu.sync_copy(h2_hbm.at[pl.ds(wid * ROWS_PT, ROWS_PT)], rows_v)
    pltpu.sync_copy(batchw_hbm.at[wid], bidx_v)

    def body(j, carry):
        pltpu.sync_copy(rows_v.at[pl.ds(j * CB, CB)],
                        pool_sh.at[bidx_v.at[j]], add=True)
        pltpu.sync_copy(ones_v, cnt_sh.at[bidx_v.at[j]], add=True)
        return carry

    lax.fori_loop(0, KB, body, 0)
    plsc.subcore_barrier()
    pltpu.sync_copy(pool_sh.at[pl.ds(s * GROWS_PT, GROWS_PT)],
                    pool_out.at[c, pl.ds(s * GROWS_PT, GROWS_PT)])
    pltpu.sync_copy(cnt_sh.at[pl.ds(s * GROWS_PT, GROWS_PT)],
                    cnt_out.at[c, pl.ds(s * GROWS_PT, GROWS_PT)])


BB = 1024


def _dinv_block(d0_ref, d1_ref):
    deg = d0_ref[:, 0:1] + d1_ref[:, 0:1] + 1.0
    return lax.rsqrt(jnp.maximum(deg, 1.0))


def _tc_hs1_body(x_ref, w_ref, d0_ref, d1_ref, o_ref):
    dinv = _dinv_block(d0_ref, d1_ref)
    h = jnp.dot(x_ref[...], w_ref[...], preferred_element_type=_f32)
    o_ref[...] = h * dinv


def _tc_layer_body(p0_ref, p1_ref, hs_ref, d0_ref, d1_ref, b_ref, w_ref,
                   o_ref):
    dinv = _dinv_block(d0_ref, d1_ref)
    h = dinv * (p0_ref[...] + p1_ref[...] + hs_ref[...]) + b_ref[...]
    h = jnp.maximum(h, 0.0)
    o_ref[...] = jnp.dot(h, w_ref[...], preferred_element_type=_f32) * dinv


def _tc_last_body(p0_ref, p1_ref, hs_ref, d0_ref, d1_ref, b_ref, o_ref):
    dinv = _dinv_block(d0_ref, d1_ref)
    h = dinv * (p0_ref[...] + p1_ref[...] + hs_ref[...]) + b_ref[...]
    o_ref[...] = jnp.maximum(h, 0.0)


def _tc_pred_body(pp0_ref, pp1_ref, c0_ref, c1_ref, wp_ref, bp_ref, oh_ref,
                  probs_ref, loss_ref):
    cnt = c0_ref[:, 0:1] + c1_ref[:, 0:1]
    pooled = (pp0_ref[...] + pp1_ref[...]) / jnp.maximum(cnt, 1.0)
    logits = jnp.dot(pooled, wp_ref[...], preferred_element_type=_f32)
    logits = logits + bp_ref[...]
    col = lax.broadcasted_iota(_i32, (G, D), 1)
    valid = col < T
    masked = jnp.where(valid, logits, -3e38)
    m = jnp.max(masked, axis=1, keepdims=True)
    ex = jnp.where(valid, jnp.exp(logits - m), 0.0)
    ssum = jnp.sum(ex, axis=1, keepdims=True)
    probs_ref[...] = ex / ssum
    logp = logits - m - jnp.log(ssum)
    picked = jnp.where(oh_ref[...] > 0.0, logp, 0.0)
    loss_ref[...] = -jnp.sum(picked, axis=(0, 1), keepdims=True) / G


def _row_blocked(width):
    return pl.BlockSpec((BB, width), lambda i: (i, 0))


def _whole(shape):
    return pl.BlockSpec(shape, lambda i: (0,) * len(shape))


_hs1_call = pl.pallas_call(
    _tc_hs1_body,
    out_shape=jax.ShapeDtypeStruct((NP, D), _f32),
    grid=(NP // BB,),
    in_specs=[_row_blocked(D), _whole((D, D)), _row_blocked(D),
              _row_blocked(D)],
    out_specs=_row_blocked(D),
)

_layer_call = pl.pallas_call(
    _tc_layer_body,
    out_shape=jax.ShapeDtypeStruct((NP, D), _f32),
    grid=(NP // BB,),
    in_specs=[_row_blocked(D), _row_blocked(D), _row_blocked(D),
              _row_blocked(D), _row_blocked(D), _whole((1, D)),
              _whole((D, D))],
    out_specs=_row_blocked(D),
)

_last_call = pl.pallas_call(
    _tc_last_body,
    out_shape=jax.ShapeDtypeStruct((NP, D), _f32),
    grid=(NP // BB,),
    in_specs=[_row_blocked(D), _row_blocked(D), _row_blocked(D),
              _row_blocked(D), _row_blocked(D), _whole((1, D))],
    out_specs=_row_blocked(D),
)

_pred_call = pl.pallas_call(
    _tc_pred_body,
    out_shape=[
        jax.ShapeDtypeStruct((G, D), _f32),
        jax.ShapeDtypeStruct((1, 1), _f32),
    ],
)


def kernel(x, edge_index, batch, targets, W1, b1, W2, b2, Wp, bp):
    src = edge_index[0]
    dst = edge_index[1]
    pad_e = NW * EPT_PAD - E
    pidx = jnp.arange(pad_e, dtype=_i32)
    srcw = jnp.concatenate([src, pidx % N]).reshape(NW, KE, CE)
    dstw = jnp.concatenate([dst, N + pidx % (NP - N)]).reshape(
        NW, KE, CE)
    batchw = jnp.concatenate(
        [batch.astype(_i32), jnp.full((NP - N,), G, _i32)]).reshape(
            NW, KB, CB)
    x_pad = jnp.concatenate([x, jnp.zeros((NP - N, D), _f32)])
    wp_pad = jnp.zeros((D, D), _f32).at[:, :T].set(Wp)
    bp_pad = jnp.zeros((1, D), _f32).at[0, :T].set(bp)
    onehot = jax.nn.one_hot(targets, D, dtype=_f32)

    deg = _sc_deg(dstw)
    d0 = deg[0]
    d1 = deg[1]

    hs1 = _hs1_call(x_pad, W1, d0, d1)
    parts1 = _sc_msg(hs1, srcw, dstw)
    hs2 = _layer_call(parts1[0], parts1[1], hs1, d0, d1,
                      b1.reshape(1, D), W2)
    parts2 = _sc_msg(hs2, srcw, dstw)
    h2 = _last_call(parts2[0], parts2[1], hs2, d0, d1, b2.reshape(1, D))

    pool, cnt = _sc_pool(h2, batchw)
    probs_pad, loss = _pred_call(pool[0, :G], pool[1, :G], cnt[0, :G],
                                 cnt[1, :G], wp_pad, bp_pad, onehot)
    return probs_pad[:, :T], loss[0, 0]

# --- scband reference (transcript-rebuilt; emitter-appended) ---
"""Pipeline reference for scband-gasttac-model-33028298506319 (READ-ONLY COPY).

The authoritative reference and input builder live on the scoring server;
editing this copy changes nothing except your own understanding.
"""

import jax, jax.numpy as jnp
import numpy as np

N = 10000
E = 320000
D = 128
G = 512
T = 41


def setup_inputs(seed: int = 0) -> dict:
    key = jax.random.key(seed)
    ks = jax.random.split(key, 10)
    x = jax.random.normal(ks[0], (N, D), dtype=jnp.float32)
    edge_index = jax.random.randint(ks[1], (2, E), 0, N, dtype=jnp.int32)
    batch = jnp.sort(jax.random.randint(ks[2], (N,), 0, G, dtype=jnp.int32))
    targets = jax.random.randint(ks[3], (G,), 0, T, dtype=jnp.int32)
    W1 = jax.random.normal(ks[4], (D, D), dtype=jnp.float32) * 0.05
    b1 = jnp.zeros((D,), dtype=jnp.float32)
    W2 = jax.random.normal(ks[5], (D, D), dtype=jnp.float32) * 0.05
    b2 = jnp.zeros((D,), dtype=jnp.float32)
    Wp = jax.random.normal(ks[6], (D, T), dtype=jnp.float32) * 0.05
    bp = jnp.zeros((T,), dtype=jnp.float32)
    return {"x": x, "edge_index": edge_index, "batch": batch, "targets": targets,
            "W1": W1, "b1": b1, "W2": W2, "b2": b2, "Wp": Wp, "bp": bp}


def reference(x, edge_index, batch, targets, W1, b1, W2, b2, Wp, bp):
    # GCNEmbedder: two GCNConv layers with symmetric normalization + self loops
    src = edge_index[0]
    dst = edge_index[1]
    loop = jnp.arange(N, dtype=src.dtype)
    src_a = jnp.concatenate([src, loop])
    dst_a = jnp.concatenate([dst, loop])
    deg = jnp.zeros((N,), dtype=jnp.float32).at[dst_a].add(1.0)
    dinv = 1.0 / jnp.sqrt(jnp.maximum(deg, 1.0))
    norm = dinv[src_a] * dinv[dst_a]

    def gcn_conv(h, W, b):
        h = h @ W
        msg = h[src_a] * norm[:, None]
        agg = jnp.zeros((N, h.shape[1]), dtype=h.dtype).at[dst_a].add(msg)
        return agg + b

    h = jax.nn.relu(gcn_conv(x, W1, b1))
    h = jax.nn.relu(gcn_conv(h, W2, b2))
    # global mean pooling per AST (graph) in the batch
    sums = jax.ops.segment_sum(h, batch, num_segments=G)
    counts = jax.ops.segment_sum(jnp.ones((N,), dtype=jnp.float32), batch, num_segments=G)
    pooled = sums / jnp.maximum(counts, 1.0)[:, None]
    # linear tactic predictor
    logits = pooled @ Wp + bp
    # cross-entropy loss against tactic targets
    logp = jax.nn.log_softmax(logits, axis=1)
    loss = -jnp.mean(jnp.take_along_axis(logp, targets[:, None].astype(jnp.int32), axis=1))
    probs = jax.nn.softmax(logits, axis=1)
    return (probs, loss)

if __name__ == "__main__":
    import jax
    _d = setup_inputs()
    print(jax.jit(kernel)(*tuple(_d.values())))

</pallas_src>

<mosaic_0001>
#map = affine_map<(d0, d1) -> (0, 0, 0)>
module attributes {stable_mosaic.version = 14 : i64} {
  func.func @_sc_deg(%arg0: i32, %arg1: i32, %arg2: memref<32x80x128xi32, #tpu.memory_space<hbm>>, %arg3: memref<2x10240x128xf32, #tpu.memory_space<hbm>>, %arg4: memref<80x128xi32, #tpu.memory_space<vmem>>, %arg5: memref<128x128xf32, #tpu.memory_space<vmem>>, %arg6: memref<10240x128xf32, #tpu.memory_space<vmem_shared>>) attributes {dimension_semantics = [#tpu.dimension_semantics<core_parallel>, #tpu.dimension_semantics<subcore_parallel>], iteration_bounds = array<i64: 2, 16>, scalar_prefetch = 0 : i64, scratch_operands = 3 : i64, tpu.core_type = #tpu.core_type<sc_vector_subcore>, window_params = [{transform_indices = #map}, {transform_indices = #map}]} {
    %mul3A = arith.constant 16 : i32
    %mul3A_0 = arith.muli %arg0, %mul3A : i32
    %add3A = arith.addi %mul3A_0, %arg1 : i32
    %broadcast_in_dim3A = arith.constant 0.000000e+00 : f32
    %broadcast_in_dim3A_1 = vector.broadcast %broadcast_in_dim3A : f32 to vector<16xf32>
    %scan3A = arith.constant 0 : i32
    %scan3A_2 = arith.constant 0 : i32
    %scan3A_3 = arith.constant 128 : i32
    %scan3A_4 = arith.addi %scan3A_2, %scan3A_3 : i32
    %scan3A_5 = arith.constant 1 : i32
    scf.for %scan3A_46 = %scan3A_2 to %scan3A_4 step %scan3A_5  : i32 {
      %swap3A = arith.index_cast %scan3A_46 : i32 to index
      %swap3A_47 = arith.constant 0 : index
      %swap3A_48 = tpu.vector_load %arg5[%swap3A, %swap3A_47] {strides = array<i32>} : memref<128x128xf32, #tpu.memory_space<vmem>>, vector<1x16xf32>,
      %swap3A_49 = vector.shape_cast %swap3A_48 : vector<1x16xf32> to vector<16xf32>
      %swap3A_50 = vector.shape_cast %broadcast_in_dim3A_1 : vector<16xf32> to vector<1x16xf32>
      tpu.vector_store %arg5[%swap3A, %swap3A_47], %swap3A_50 {strides = array<i32>} : memref<128x128xf32, #tpu.memory_space<vmem>>, vector<1x16xf32>,
      %swap3A_51 = arith.index_cast %scan3A_46 : i32 to index
      %swap3A_52 = arith.constant 16 : index
      %swap3A_53 = tpu.vector_load %arg5[%swap3A_51, %swap3A_52] {strides = array<i32>} : memref<128x128xf32, #tpu.memory_space<vmem>>, vector<1x16xf32>,
      %swap3A_54 = vector.shape_cast %swap3A_53 : vector<1x16xf32> to vector<16xf32>
      %swap3A_55 = vector.shape_cast %broadcast_in_dim3A_1 : vector<16xf32> to vector<1x16xf32>
      tpu.vector_store %arg5[%swap3A_51, %swap3A_52], %swap3A_55 {strides = array<i32>} : memref<128x128xf32, #tpu.memory_space<vmem>>, vector<1x16xf32>,
      %swap3A_56 = arith.index_cast %scan3A_46 : i32 to index
      %swap3A_57 = arith.constant 32 : index
      %swap3A_58 = tpu.vector_load %arg5[%swap3A_56, %swap3A_57] {strides = array<i32>} : memref<128x128xf32, #tpu.memory_space<vmem>>, vector<1x16xf32>,
      %swap3A_59 = vector.shape_cast %swap3A_58 : vector<1x16xf32> to vector<16xf32>
      %swap3A_60 = vector.shape_cast %broadcast_in_dim3A_1 : vector<16xf32> to vector<1x16xf32>
      tpu.vector_store %arg5[%swap3A_56, %swap3A_57], %swap3A_60 {strides = array<i32>} : memref<128x128xf32, #tpu.memory_space<vmem>>, vector<1x16xf32>,
      %swap3A_61 = arith.index_cast %scan3A_46 : i32 to index
      %swap3A_62 = arith.constant 48 : index
      %swap3A_63 = tpu.vector_load %arg5[%swap3A_61, %swap3A_62] {strides = array<i32>} : memref<128x128xf32, #tpu.memory_space<vmem>>, vector<1x16xf32>,
      %swap3A_64 = vector.shape_cast %swap3A_63 : vector<1x16xf32> to vector<16xf32>
      %swap3A_65 = vector.shape_cast %broadcast_in_dim3A_1 : vector<16xf32> to vector<1x16xf32>
      tpu.vector_store %arg5[%swap3A_61, %swap3A_62], %swap3A_65 {strides = array<i32>} : memref<128x128xf32, #tpu.memory_space<vmem>>, vector<1x16xf32>,
      %swap3A_66 = arith.index_cast %scan3A_46 : i32 to index
      %swap3A_67 = arith.constant 64 : index
      %swap3A_68 = tpu.vector_load %arg5[%swap3A_66, %swap3A_67] {strides = array<i32>} : memref<128x128xf32, #tpu.memory_space<vmem>>, vector<1x16xf32>,
      %swap3A_69 = vector.shape_cast %swap3A_68 : vector<1x16xf32> to vector<16xf32>
      %swap3A_70 = vector.shape_cast %broadcast_in_dim3A_1 : vector<16xf32> to vector<1x16xf32>
      tpu.vector_store %arg5[%swap3A_66, %swap3A_67], %swap3A_70 {strides = array<i32>} : memref<128x128xf32, #tpu.memory_space<vmem>>, vector<1x16xf32>,
      %swap3A_71 = arith.index_cast %scan3A_46 : i32 to index
      %swap3A_72 = arith.constant 80 : index
      %swap3A_73 = tpu.vector_load %arg5[%swap3A_71, %swap3A_72] {strides = array<i32>} : memref<128x128xf32, #tpu.memory_space<vmem>>, vector<1x16xf32>,
      %swap3A_74 = vector.shape_cast %swap3A_73 : vector<1x16xf32> to vector<16xf32>
      %swap3A_75 = vector.shape_cast %broadcast_in_dim3A_1 : vector<16xf32> to vector<1x16xf32>
      tpu.vector_store %arg5[%swap3A_71, %swap3A_72], %swap3A_75 {strides = array<i32>} : memref<128x128xf32, #tpu.memory_space<vmem>>, vector<1x16xf32>,
      %swap3A_76 = arith.index_cast %scan3A_46 : i32 to index
      %swap3A_77 = arith.constant 96 : index
      %swap3A_78 = tpu.vector_load %arg5[%swap3A_76, %swap3A_77] {strides = array<i32>} : memref<128x128xf32, #tpu.memory_space<vmem>>, vector<1x16xf32>,
      %swap3A_79 = vector.shape_cast %swap3A_78 : vector<1x16xf32> to vector<16xf32>
      %swap3A_80 = vector.shape_cast %broadcast_in_dim3A_1 : vector<16xf32> to vector<1x16xf32>
      tpu.vector_store %arg5[%swap3A_76, %swap3A_77], %swap3A_80 {strides = array<i32>} : memref<128x128xf32, #tpu.memory_space<vmem>>, vector<1x16xf32>,
      %swap3A_81 = arith.index_cast %scan3A_46 : i32 to index
      %swap3A_82 = arith.constant 112 : index
      %swap3A_83 = tpu.vector_load %arg5[%swap3A_81, %swap3A_82] {strides = array<i32>} : memref<128x128xf32, #tpu.memory_space<vmem>>, vector<1x16xf32>,
      %swap3A_84 = vector.shape_cast %swap3A_83 : vector<1x16xf32> to vector<16xf32>
      %swap3A_85 = vector.shape_cast %broadcast_in_dim3A_1 : vector<16xf32> to vector<1x16xf32>
      tpu.vector_store %arg5[%swap3A_81, %swap3A_82], %swap3A_85 {strides = array<i32>} : memref<128x128xf32, #tpu.memory_space<vmem>>, vector<1x16xf32>,
    }
    %scan3A_6 = arith.constant 128 : i32
    %mul3A_7 = arith.constant 640 : i32
    %mul3A_8 = arith.muli %arg1, %mul3A_7 : i32
    %add3A_9 = arith.constant 0 : i32
    %add3A_10 = arith.addi %mul3A_8, %add3A_9 : i32
    "tpu.region"() ({
      %run_scoped3A = tpu.sem_alloc : memref<!tpu.dma_semaphore, #tpu.memory_space<semaphore_mem>>
      %dma_start3A = arith.constant 0 : i32
      %dma_start3A_46 = tpu.memref_slice %arg6[%add3A_10, %dma_start3A] : memref<10240x128xf32, #tpu.memory_space<vmem_shared>> -> memref<128x128xf32, #tpu.memory_space<vmem_shared>>
      %dma_start3A_47 = arith.constant 0 : i32
      %dma_start3A_48 = tpu.memref_slice %arg6[%add3A_10, %dma_start3A_47] : memref<10240x128xf32, #tpu.memory_space<vmem_shared>> -> memref<128x128xf32, #tpu.memory_space<vmem_shared>>
      tpu.enqueue_dma source(%arg5 : memref<128x128xf32, #tpu.memory_space<vmem>>) target(%dma_start3A_48 : memref<128x128xf32, #tpu.memory_space<vmem_shared>>) target_semaphore(%run_scoped3A : memref<!tpu.dma_semaphore, #tpu.memory_space<semaphore_mem>>)
      %dma_wait3A = arith.constant 0 : i32
      %dma_wait3A_49 = tpu.memref_slice %arg6[%add3A_10, %dma_wait3A] : memref<10240x128xf32, #tpu.memory_space<vmem_shared>> -> memref<128x128xf32, #tpu.memory_space<vmem_shared>>
      %dma_wait3A_50 = arith.constant 0 : i32
      %dma_wait3A_51 = tpu.memref_slice %arg6[%add3A_10, %dma_wait3A_50] : memref<10240x128xf32, #tpu.memory_space<vmem_shared>> -> memref<128x128xf32, #tpu.memory_space<vmem_shared>>
      tpu.wait_dma2 semaphore(%run_scoped3A : memref<!tpu.dma_semaphore, #tpu.memory_space<semaphore_mem>>) src(%arg5 : memref<128x128xf32, #tpu.memory_space<vmem>>) dst(%dma_wait3A_51 : memref<128x128xf32, #tpu.memory_space<vmem_shared>>)
      tpu.yield
    }) : () -> ()
    %mul3A_11 = arith.constant 640 : i32
    %mul3A_12 = arith.muli %arg1, %mul3A_11 : i32
    %add3A_13 = arith.constant 128 : i32
    %add3A_14 = arith.addi %mul3A_12, %add3A_13 : i32
    "tpu.region"() ({
      %run_scoped3A = tpu.sem_alloc : memref<!tpu.dma_semaphore, #tpu.memory_space<semaphore_mem>>
      %dma_start3A = arith.constant 0 : i32
      %dma_start3A_46 = tpu.memref_slice %arg6[%add3A_14, %dma_start3A] : memref<10240x128xf32, #tpu.memory_space<vmem_shared>> -> memref<128x128xf32, #tpu.memory_space<vmem_shared>>
      %dma_start3A_47 = arith.constant 0 : i32
      %dma_start3A_48 = tpu.memref_slice %arg6[%add3A_14, %dma_start3A_47] : memref<10240x128xf32, #tpu.memory_space<vmem_shared>> -> memref<128x128xf32, #tpu.memory_space<vmem_shared>>
      tpu.enqueue_dma source(%arg5 : memref<128x128xf32, #tpu.memory_space<vmem>>) target(%dma_start3A_48 : memref<128x128xf32, #tpu.memory_space<vmem_shared>>) target_semaphore(%run_scoped3A : memref<!tpu.dma_semaphore, #tpu.memory_space<semaphore_mem>>)
      %dma_wait3A = arith.constant 0 : i32
      %dma_wait3A_49 = tpu.memref_slice %arg6[%add3A_14, %dma_wait3A] : memref<10240x128xf32, #tpu.memory_space<vmem_shared>> -> memref<128x128xf32, #tpu.memory_space<vmem_shared>>
      %dma_wait3A_50 = arith.constant 0 : i32
      %dma_wait3A_51 = tpu.memref_slice %arg6[%add3A_14, %dma_wait3A_50] : memref<10240x128xf32, #tpu.memory_space<vmem_shared>> -> memref<128x128xf32, #tpu.memory_space<vmem_shared>>
      tpu.wait_dma2 semaphore(%run_scoped3A : memref<!tpu.dma_semaphore, #tpu.memory_space<semaphore_mem>>) src(%arg5 : memref<128x128xf32, #tpu.memory_space<vmem>>) dst(%dma_wait3A_51 : memref<128x128xf32, #tpu.memory_space<vmem_shared>>)
      tpu.yield
    }) : () -> ()
    %mul3A_15 = arith.constant 640 : i32
    %mul3A_16 = arith.muli %arg1, %mul3A_15 : i32
    %add3A_17 = arith.constant 256 : i32
    %add3A_18 = arith.addi %mul3A_16, %add3A_17 : i32
    "tpu.region"() ({
      %run_scoped3A = tpu.sem_alloc : memref<!tpu.dma_semaphore, #tpu.memory_space<semaphore_mem>>
      %dma_start3A = arith.constant 0 : i32
      %dma_start3A_46 = tpu.memref_slice %arg6[%add3A_18, %dma_start3A] : memref<10240x128xf32, #tpu.memory_space<vmem_shared>> -> memref<128x128xf32, #tpu.memory_space<vmem_shared>>
      %dma_start3A_47 = arith.constant 0 : i32
      %dma_start3A_48 = tpu.memref_slice %arg6[%add3A_18, %dma_start3A_47] : memref<10240x128xf32, #tpu.memory_space<vmem_shared>> -> memref<128x128xf32, #tpu.memory_space<vmem_shared>>
      tpu.enqueue_dma source(%arg5 : memref<128x128xf32, #tpu.memory_space<vmem>>) target(%dma_start3A_48 : memref<128x128xf32, #tpu.memory_space<vmem_shared>>) target_semaphore(%run_scoped3A : memref<!tpu.dma_semaphore, #tpu.memory_space<semaphore_mem>>)
      %dma_wait3A = arith.constant 0 : i32
      %dma_wait3A_49 = tpu.memref_slice %arg6[%add3A_18, %dma_wait3A] : memref<10240x128xf32, #tpu.memory_space<vmem_shared>> -> memref<128x128xf32, #tpu.memory_space<vmem_shared>>
      %dma_wait3A_50 = arith.constant 0 : i32
      %dma_wait3A_51 = tpu.memref_slice %arg6[%add3A_18, %dma_wait3A_50] : memref<10240x128xf32, #tpu.memory_space<vmem_shared>> -> memref<128x128xf32, #tpu.memory_space<vmem_shared>>
      tpu.wait_dma2 semaphore(%run_scoped3A : memref<!tpu.dma_semaphore, #tpu.memory_space<semaphore_mem>>) src(%arg5 : memref<128x128xf32, #tpu.memory_space<vmem>>) dst(%dma_wait3A_51 : memref<128x128xf32, #tpu.memory_space<vmem_shared>>)
      tpu.yield
    }) : () -> ()
    %mul3A_19 = arith.constant 640 : i32
    %mul3A_20 = arith.muli %arg1, %mul3A_19 : i32
    %add3A_21 = arith.constant 384 : i32
    %add3A_22 = arith.addi %mul3A_20, %add3A_21 : i32
    "tpu.region"() ({
      %run_scoped3A = tpu.sem_alloc : memref<!tpu.dma_semaphore, #tpu.memory_space<semaphore_mem>>
      %dma_start3A = arith.constant 0 : i32
      %dma_start3A_46 = tpu.memref_slice %arg6[%add3A_22, %dma_start3A] : memref<10240x128xf32, #tpu.memory_space<vmem_shared>> -> memref<128x128xf32, #tpu.memory_space<vmem_shared>>
      %dma_start3A_47 = arith.constant 0 : i32
      %dma_start3A_48 = tpu.memref_slice %arg6[%add3A_22, %dma_start3A_47] : memref<10240x128xf32, #tpu.memory_space<vmem_shared>> -> memref<128x128xf32, #tpu.memory_space<vmem_shared>>
      tpu.enqueue_dma source(%arg5 : memref<128x128xf32, #tpu.memory_space<vmem>>) target(%dma_start3A_48 : memref<128x128xf32, #tpu.memory_space<vmem_shared>>) target_semaphore(%run_scoped3A : memref<!tpu.dma_semaphore, #tpu.memory_space<semaphore_mem>>)
      %dma_wait3A = arith.constant 0 : i32
      %dma_wait3A_49 = tpu.memref_slice %arg6[%add3A_22, %dma_wait3A] : memref<10240x128xf32, #tpu.memory_space<vmem_shared>> -> memref<128x128xf32, #tpu.memory_space<vmem_shared>>
      %dma_wait3A_50 = arith.constant 0 : i32
      %dma_wait3A_51 = tpu.memref_slice %arg6[%add3A_22, %dma_wait3A_50] : memref<10240x128xf32, #tpu.memory_space<vmem_shared>> -> memref<128x128xf32, #tpu.memory_space<vmem_shared>>
      tpu.wait_dma2 semaphore(%run_scoped3A : memref<!tpu.dma_semaphore, #tpu.memory_space<semaphore_mem>>) src(%arg5 : memref<128x128xf32, #tpu.memory_space<vmem>>) dst(%dma_wait3A_51 : memref<128x128xf32, #tpu.memory_space<vmem_shared>>)
      tpu.yield
    }) : () -> ()
    %mul3A_23 = arith.constant 640 : i32
    %mul3A_24 = arith.muli %arg1, %mul3A_23 : i32
    %add3A_25 = arith.constant 512 : i32
    %add3A_26 = arith.addi %mul3A_24, %add3A_25 : i32
    "tpu.region"() ({
      %run_scoped3A = tpu.sem_alloc : memref<!tpu.dma_semaphore, #tpu.memory_space<semaphore_mem>>
      %dma_start3A = arith.constant 0 : i32
      %dma_start3A_46 = tpu.memref_slice %arg6[%add3A_26, %dma_start3A] : memref<10240x128xf32, #tpu.memory_space<vmem_shared>> -> memref<128x128xf32, #tpu.memory_space<vmem_shared>>
      %dma_start3A_47 = arith.constant 0 : i32
      %dma_start3A_48 = tpu.memref_slice %arg6[%add3A_26, %dma_start3A_47] : memref<10240x128xf32, #tpu.memory_space<vmem_shared>> -> memref<128x128xf32, #tpu.memory_space<vmem_shared>>
      tpu.enqueue_dma source(%arg5 : memref<128x128xf32, #tpu.memory_space<vmem>>) target(%dma_start3A_48 : memref<128x128xf32, #tpu.memory_space<vmem_shared>>) target_semaphore(%run_scoped3A : memref<!tpu.dma_semaphore, #tpu.memory_space<semaphore_mem>>)
      %dma_wait3A = arith.constant 0 : i32
      %dma_wait3A_49 = tpu.memref_slice %arg6[%add3A_26, %dma_wait3A] : memref<10240x128xf32, #tpu.memory_space<vmem_shared>> -> memref<128x128xf32, #tpu.memory_space<vmem_shared>>
      %dma_wait3A_50 = arith.constant 0 : i32
      %dma_wait3A_51 = tpu.memref_slice %arg6[%add3A_26, %dma_wait3A_50] : memref<10240x128xf32, #tpu.memory_space<vmem_shared>> -> memref<128x128xf32, #tpu.memory_space<vmem_shared>>
      tpu.wait_dma2 semaphore(%run_scoped3A : memref<!tpu.dma_semaphore, #tpu.memory_space<semaphore_mem>>) src(%arg5 : memref<128x128xf32, #tpu.memory_space<vmem>>) dst(%dma_wait3A_51 : memref<128x128xf32, #tpu.memory_space<vmem_shared>>)
      tpu.yield
    }) : () -> ()
    %broadcast_in_dim3A_27 = arith.constant 1.000000e+00 : f32
    %broadcast_in_dim3A_28 = vector.broadcast %broadcast_in_dim3A_27 : f32 to vector<16xf32>
    %scan3A_29 = arith.constant 0 : i32
    %scan3A_30 = arith.constant 0 : i32
    %scan3A_31 = arith.constant 128 : i32
    %scan3A_32 = arith.addi %scan3A_30, %scan3A_31 : i32
    %scan3A_33 = arith.constant 1 : i32
    scf.for %scan3A_46 = %scan3A_30 to %scan3A_32 step %scan3A_33  : i32 {
      %swap3A = arith.index_cast %scan3A_46 : i32 to index
      %swap3A_47 = arith.constant 0 : index
      %swap3A_48 = tpu.vector_load %arg5[%swap3A, %swap3A_47] {strides = array<i32>} : memref<128x128xf32, #tpu.memory_space<vmem>>, vector<1x16xf32>,
      %swap3A_49 = vector.shape_cast %swap3A_48 : vector<1x16xf32> to vector<16xf32>
      %swap3A_50 = vector.shape_cast %broadcast_in_dim3A_28 : vector<16xf32> to vector<1x16xf32>
      tpu.vector_store %arg5[%swap3A, %swap3A_47], %swap3A_50 {strides = array<i32>} : memref<128x128xf32, #tpu.memory_space<vmem>>, vector<1x16xf32>,
      %swap3A_51 = arith.index_cast %scan3A_46 : i32 to index
      %swap3A_52 = arith.constant 16 : index
      %swap3A_53 = tpu.vector_load %arg5[%swap3A_51, %swap3A_52] {strides = array<i32>} : memref<128x128xf32, #tpu.memory_space<vmem>>, vector<1x16xf32>,
      %swap3A_54 = vector.shape_cast %swap3A_53 : vector<1x16xf32> to vector<16xf32>
      %swap3A_55 = vector.shape_cast %broadcast_in_dim3A_28 : vector<16xf32> to vector<1x16xf32>
      tpu.vector_store %arg5[%swap3A_51, %swap3A_52], %swap3A_55 {strides = array<i32>} : memref<128x128xf32, #tpu.memory_space<vmem>>, vector<1x16xf32>,
      %swap3A_56 = arith.index_cast %scan3A_46 : i32 to index
      %swap3A_57 = arith.constant 32 : index
      %swap3A_58 = tpu.vector_load %arg5[%swap3A_56, %swap3A_57] {strides = array<i32>} : memref<128x128xf32, #tpu.memory_space<vmem>>, vector<1x16xf32>,
      %swap3A_59 = vector.shape_cast %swap3A_58 : vector<1x16xf32> to vector<16xf32>
      %swap3A_60 = vector.shape_cast %broadcast_in_dim3A_28 : vector<16xf32> to vector<1x16xf32>
      tpu.vector_store %arg5[%swap3A_56, %swap3A_57], %swap3A_60 {strides = array<i32>} : memref<128x128xf32, #tpu.memory_space<vmem>>, vector<1x16xf32>,
      %swap3A_61 = arith.index_cast %scan3A_46 : i32 to index
      %swap3A_62 = arith.constant 48 : index
      %swap3A_63 = tpu.vector_load %arg5[%swap3A_61, %swap3A_62] {strides = array<i32>} : memref<128x128xf32, #tpu.memory_space<vmem>>, vector<1x16xf32>,
      %swap3A_64 = vector.shape_cast %swap3A_63 : vector<1x16xf32> to vector<16xf32>
      %swap3A_65 = vector.shape_cast %broadcast_in_dim3A_28 : vector<16xf32> to vector<1x16xf32>
      tpu.vector_store %arg5[%swap3A_61, %swap3A_62], %swap3A_65 {strides = array<i32>} : memref<128x128xf32, #tpu.memory_space<vmem>>, vector<1x16xf32>,
      %swap3A_66 = arith.index_cast %scan3A_46 : i32 to index
      %swap3A_67 = arith.constant 64 : index
      %swap3A_68 = tpu.vector_load %arg5[%swap3A_66, %swap3A_67] {strides = array<i32>} : memref<128x128xf32, #tpu.memory_space<vmem>>, vector<1x16xf32>,
      %swap3A_69 = vector.shape_cast %swap3A_68 : vector<1x16xf32> to vector<16xf32>
      %swap3A_70 = vector.shape_cast %broadcast_in_dim3A_28 : vector<16xf32> to vector<1x16xf32>
      tpu.vector_store %arg5[%swap3A_66, %swap3A_67], %swap3A_70 {strides = array<i32>} : memref<128x128xf32, #tpu.memory_space<vmem>>, vector<1x16xf32>,
      %swap3A_71 = arith.index_cast %scan3A_46 : i32 to index
      %swap3A_72 = arith.constant 80 : index
      %swap3A_73 = tpu.vector_load %arg5[%swap3A_71, %swap3A_72] {strides = array<i32>} : memref<128x128xf32, #tpu.memory_space<vmem>>, vector<1x16xf32>,
      %swap3A_74 = vector.shape_cast %swap3A_73 : vector<1x16xf32> to vector<16xf32>
      %swap3A_75 = vector.shape_cast %broadcast_in_dim3A_28 : vector<16xf32> to vector<1x16xf32>
      tpu.vector_store %arg5[%swap3A_71, %swap3A_72], %swap3A_75 {strides = array<i32>} : memref<128x128xf32, #tpu.memory_space<vmem>>, vector<1x16xf32>,
      %swap3A_76 = arith.index_cast %scan3A_46 : i32 to index
      %swap3A_77 = arith.constant 96 : index
      %swap3A_78 = tpu.vector_load %arg5[%swap3A_76, %swap3A_77] {strides = array<i32>} : memref<128x128xf32, #tpu.memory_space<vmem>>, vector<1x16xf32>,
      %swap3A_79 = vector.shape_cast %swap3A_78 : vector<1x16xf32> to vector<16xf32>
      %swap3A_80 = vector.shape_cast %broadcast_in_dim3A_28 : vector<16xf32> to vector<1x16xf32>
      tpu.vector_store %arg5[%swap3A_76, %swap3A_77], %swap3A_80 {strides = array<i32>} : memref<128x128xf32, #tpu.memory_space<vmem>>, vector<1x16xf32>,
      %swap3A_81 = arith.index_cast %scan3A_46 : i32 to index
      %swap3A_82 = arith.constant 112 : index
      %swap3A_83 = tpu.vector_load %arg5[%swap3A_81, %swap3A_82] {strides = array<i32>} : memref<128x128xf32, #tpu.memory_space<vmem>>, vector<1x16xf32>,
      %swap3A_84 = vector.shape_cast %swap3A_83 : vector<1x16xf32> to vector<16xf32>
      %swap3A_85 = vector.shape_cast %broadcast_in_dim3A_28 : vector<16xf32> to vector<1x16xf32>
      tpu.vector_store %arg5[%swap3A_81, %swap3A_82], %swap3A_85 {strides = array<i32>} : memref<128x128xf32, #tpu.memory_space<vmem>>, vector<1x16xf32>,
    }
    %scan3A_34 = arith.constant 128 : i32
    %barrier3A = arith.constant 0 : index
    tpu.barrier barrier_id(%barrier3A)
    "tpu.region"() ({
      %run_scoped3A = tpu.sem_alloc : memref<!tpu.dma_semaphore, #tpu.memory_space<semaphore_mem>>
      %dma_start3A = arith.constant 0 : i32
      %dma_start3A_46 = arith.constant 0 : i32
      %dma_start3A_47 = tpu.memref_slice %arg2[%add3A, %dma_start3A, %dma_start3A_46] : memref<32x80x128xi32, #tpu.memory_space<hbm>> -> memref<1x80x128xi32, #tpu.memory_space<hbm>>
      %dma_start3A_48 = tpu.memref_squeeze %dma_start3A_47 : memref<1x80x128xi32, #tpu.memory_space<hbm>> -> memref<80x128xi32, #tpu.memory_space<hbm>>
      %dma_start3A_49 = arith.constant 0 : i32
      %dma_start3A_50 = arith.constant 0 : i32
      %dma_start3A_51 = tpu.memref_slice %arg2[%add3A, %dma_start3A_49, %dma_start3A_50] : memref<32x80x128xi32, #tpu.memory_space<hbm>> -> memref<1x80x128xi32, #tpu.memory_space<hbm>>
      %dma_start3A_52 = tpu.memref_squeeze %dma_start3A_51 : memref<1x80x128xi32, #tpu.memory_space<hbm>> -> memref<80x128xi32, #tpu.memory_space<hbm>>
      tpu.enqueue_dma source(%dma_start3A_52 : memref<80x128xi32, #tpu.memory_space<hbm>>) target(%arg4 : memref<80x128xi32, #tpu.memory_space<vmem>>) target_semaphore(%run_scoped3A : memref<!tpu.dma_semaphore, #tpu.memory_space<semaphore_mem>>)
      %dma_wait3A = arith.constant 0 : i32
      %dma_wait3A_53 = arith.constant 0 : i32
      %dma_wait3A_54 = tpu.memref_slice %arg2[%add3A, %dma_wait3A, %dma_wait3A_53] : memref<32x80x128xi32, #tpu.memory_space<hbm>> -> memref<1x80x128xi32, #tpu.memory_space<hbm>>
      %dma_wait3A_55 = tpu.memref_squeeze %dma_wait3A_54 : memref<1x80x128xi32, #tpu.memory_space<hbm>> -> memref<80x128xi32, #tpu.memory_space<hbm>>
      %dma_wait3A_56 = arith.constant 0 : i32
      %dma_wait3A_57 = arith.constant 0 : i32
      %dma_wait3A_58 = tpu.memref_slice %arg2[%add3A, %dma_wait3A_56, %dma_wait3A_57] : memref<32x80x128xi32, #tpu.memory_space<hbm>> -> memref<1x80x128xi32, #tpu.memory_space<hbm>>
      %dma_wait3A_59 = tpu.memref_squeeze %dma_wait3A_58 : memref<1x80x128xi32, #tpu.memory_space<hbm>> -> memref<80x128xi32, #tpu.memory_space<hbm>>
      tpu.wait_dma2 semaphore(%run_scoped3A : memref<!tpu.dma_semaphore, #tpu.memory_space<semaphore_mem>>) src(%dma_wait3A_59 : memref<80x128xi32, #tpu.memory_space<hbm>>) dst(%arg4 : memref<80x128xi32, #tpu.memory_space<vmem>>)
      tpu.yield
    }) : () -> ()
    %scan3A_35 = arith.constant 0 : i32
    %scan3A_36 = arith.constant 0 : i32
    %scan3A_37 = arith.constant 80 : i32
    %scan3A_38 = arith.addi %scan3A_36, %scan3A_37 : i32
    %scan3A_39 = arith.constant 1 : i32
    scf.for %scan3A_46 = %scan3A_36 to %scan3A_38 step %scan3A_39  : i32 {
      "tpu.region"() ({
        %run_scoped3A = tpu.sem_alloc : memref<!tpu.dma_semaphore, #tpu.memory_space<semaphore_mem>>
        %dma_start3A = arith.constant 0 : i32
        %dma_start3A_47 = tpu.memref_slice %arg4[%scan3A_46, %dma_start3A] : memref<80x128xi32, #tpu.memory_space<vmem>> -> memref<1x128xi32, #tpu.memory_space<vmem>>
        %dma_start3A_48 = tpu.memref_squeeze %dma_start3A_47 : memref<1x128xi32, #tpu.memory_space<vmem>> -> memref<128xi32, #tpu.memory_space<vmem>>
        %dma_start3A_49 = arith.constant 0 : i32
        %dma_start3A_50 = arith.constant 0 : i32
        %dma_start3A_51 = tpu.memref_slice %arg6[%dma_start3A_49, %dma_start3A_50] : memref<10240x128xf32, #tpu.memory_space<vmem_shared>> -> memref<10240x128xf32, #tpu.memory_space<vmem_shared>>
        tpu.enqueue_indirect_dma source(%arg5 : memref<128x128xf32, #tpu.memory_space<vmem>>) target(%dma_start3A_51 : memref<10240x128xf32, #tpu.memory_space<vmem_shared>>) offsets(%dma_start3A_48 : memref<128xi32, #tpu.memory_space<vmem>>) semaphore(%run_scoped3A : memref<!tpu.dma_semaphore, #tpu.memory_space<semaphore_mem>>) {add = true}
        %dma_wait3A = arith.constant 0 : i32
        %dma_wait3A_52 = tpu.memref_slice %arg4[%scan3A_46, %dma_wait3A] : memref<80x128xi32, #tpu.memory_space<vmem>> -> memref<1x128xi32, #tpu.memory_space<vmem>>
        %dma_wait3A_53 = tpu.memref_squeeze %dma_wait3A_52 : memref<1x128xi32, #tpu.memory_space<vmem>> -> memref<128xi32, #tpu.memory_space<vmem>>
        %dma_wait3A_54 = arith.constant 0 : i32
        %dma_wait3A_55 = arith.constant 0 : i32
        %dma_wait3A_56 = tpu.memref_slice %arg6[%dma_wait3A_54, %dma_wait3A_55] : memref<10240x128xf32, #tpu.memory_space<vmem_shared>> -> memref<10240x128xf32, #tpu.memory_space<vmem_shared>>
        tpu.wait_indirect_dma semaphore(%run_scoped3A : memref<!tpu.dma_semaphore, #tpu.memory_space<semaphore_mem>>) src(%arg5 : memref<128x128xf32, #tpu.memory_space<vmem>>) dst(%dma_wait3A_56 : memref<10240x128xf32, #tpu.memory_space<vmem_shared>>)
        tpu.yield
      }) : () -> ()
    }
    %scan3A_40 = arith.constant 80 : i32
    %barrier3A_41 = arith.constant 0 : index
    tpu.barrier barrier_id(%barrier3A_41)
    %mul3A_42 = arith.constant 640 : i32
    %mul3A_43 = arith.muli %arg1, %mul3A_42 : i32
    %mul3A_44 = arith.constant 640 : i32
    %mul3A_45 = arith.muli %arg1, %mul3A_44 : i32
    "tpu.region"() ({
      %run_scoped3A = tpu.sem_alloc : memref<!tpu.dma_semaphore, #tpu.memory_space<semaphore_mem>>
      %dma_start3A = arith.constant 0 : i32
      %dma_start3A_46 = tpu.memref_slice %arg3[%arg0, %mul3A_45, %dma_start3A] : memref<2x10240x128xf32, #tpu.memory_space<hbm>> -> memref<1x640x128xf32, #tpu.memory_space<hbm>>
      %dma_start3A_47 = tpu.memref_squeeze %dma_start3A_46 : memref<1x640x128xf32, #tpu.memory_space<hbm>> -> memref<640x128xf32, #tpu.memory_space<hbm>>
      %dma_start3A_48 = arith.constant 0 : i32
      %dma_start3A_49 = tpu.memref_slice %arg6[%mul3A_43, %dma_start3A_48] : memref<10240x128xf32, #tpu.memory_space<vmem_shared>> -> memref<640x128xf32, #tpu.memory_space<vmem_shared>>
      tpu.enqueue_dma source(%dma_start3A_49 : memref<640x128xf32, #tpu.memory_space<vmem_shared>>) target(%dma_start3A_47 : memref<640x128xf32, #tpu.memory_space<hbm>>) target_semaphore(%run_scoped3A : memref<!tpu.dma_semaphore, #tpu.memory_space<semaphore_mem>>)
      %dma_wait3A = arith.constant 0 : i32
      %dma_wait3A_50 = tpu.memref_slice %arg3[%arg0, %mul3A_45, %dma_wait3A] : memref<2x10240x128xf32, #tpu.memory_space<hbm>> -> memref<1x640x128xf32, #tpu.memory_space<hbm>>
      %dma_wait3A_51 = tpu.memref_squeeze %dma_wait3A_50 : memref<1x640x128xf32, #tpu.memory_space<hbm>> -> memref<640x128xf32, #tpu.memory_space<hbm>>
      %dma_wait3A_52 = arith.constant 0 : i32
      %dma_wait3A_53 = tpu.memref_slice %arg6[%mul3A_43, %dma_wait3A_52] : memref<10240x128xf32, #tpu.memory_space<vmem_shared>> -> memref<640x128xf32, #tpu.memory_space<vmem_shared>>
      tpu.wait_dma2 semaphore(%run_scoped3A : memref<!tpu.dma_semaphore, #tpu.memory_space<semaphore_mem>>) src(%dma_wait3A_53 : memref<640x128xf32, #tpu.memory_space<vmem_shared>>) dst(%dma_wait3A_51 : memref<640x128xf32, #tpu.memory_space<hbm>>)
      tpu.yield
    }) : () -> ()
    return
  }
}

#map = affine_map<(d0, d1) -> (0, 0)>
#map1 = affine_map<(d0, d1) -> (0, 0, 0)>
module attributes {stable_mosaic.version = 14 : i64} {
  func.func @_sc_msg(%arg0: i32, %arg1: i32, %arg2: memref<10240x128xf32, #tpu.memory_space<hbm>>, %arg3: memref<32x80x128xi32, #tpu.memory_space<hbm>>, %arg4: memref<32x80x128xi32, #tpu.memory_space<hbm>>, %arg5: memref<2x10240x128xf32, #tpu.memory_space<hbm>>, %arg6: memref<8x128xi32, #tpu.memory_space<vmem>>, %arg7: memref<8x128xi32, #tpu.memory_space<vmem>>, %arg8: memref<128x128xf32, #tpu.memory_space<vmem>>, %arg9: memref<128x128xf32, #tpu.memory_space<vmem>>, %arg10: memref<10240x128xf32, #tpu.memory_space<vmem_shared>>, %arg11: memref<!tpu.dma_semaphore, #tpu.memory_space<semaphore_mem>>, %arg12: memref<!tpu.dma_semaphore, #tpu.memory_space<semaphore_mem>>) attributes {dimension_semantics = [#tpu.dimension_semantics<core_parallel>, #tpu.dimension_semantics<subcore_parallel>], iteration_bounds = array<i64: 2, 16>, scalar_prefetch = 0 : i64, scratch_operands = 7 : i64, tpu.core_type = #tpu.core_type<sc_vector_subcore>, window_params = [{transform_indices = #map}, {transform_indices = #map1}, {transform_indices = #map1}, {transform_indices = #map1}]} {
    %mul3A = arith.constant 16 : i32
    %mul3A_0 = arith.muli %arg0, %mul3A : i32
    %add3A = arith.addi %mul3A_0, %arg1 : i32
    %broadcast_in_dim3A = arith.constant 0.000000e+00 : f32
    %broadcast_in_dim3A_1 = vector.broadcast %broadcast_in_dim3A : f32 to vector<16xf32>
    %scan3A = arith.constant 0 : i32
    %scan3A_2 = arith.constant 0 : i32
    %scan3A_3 = arith.constant 128 : i32
    %scan3A_4 = arith.addi %scan3A_2, %scan3A_3 : i32
    %scan3A_5 = arith.constant 1 : i32
    scf.for %scan3A_38 = %scan3A_2 to %scan3A_4 step %scan3A_5  : i32 {
      %swap3A = arith.index_cast %scan3A_38 : i32 to index
      %swap3A_39 = arith.constant 0 : index
      %swap3A_40 = tpu.vector_load %arg8[%swap3A, %swap3A_39] {strides = array<i32>} : memref<128x128xf32, #tpu.memory_space<vmem>>, vector<1x16xf32>,
      %swap3A_41 = vector.shape_cast %swap3A_40 : vector<1x16xf32> to vector<16xf32>
      %swap3A_42 = vector.shape_cast %broadcast_in_dim3A_1 : vector<16xf32> to vector<1x16xf32>
      tpu.vector_store %arg8[%swap3A, %swap3A_39], %swap3A_42 {strides = array<i32>} : memref<128x128xf32, #tpu.memory_space<vmem>>, vector<1x16xf32>,
      %swap3A_43 = arith.index_cast %scan3A_38 : i32 to index
      %swap3A_44 = arith.constant 16 : index
      %swap3A_45 = tpu.vector_load %arg8[%swap3A_43, %swap3A_44] {strides = array<i32>} : memref<128x128xf32, #tpu.memory_space<vmem>>, vector<1x16xf32>,
      %swap3A_46 = vector.shape_cast %swap3A_45 : vector<1x16xf32> to vector<16xf32>
      %swap3A_47 = vector.shape_cast %broadcast_in_dim3A_1 : vector<16xf32> to vector<1x16xf32>
      tpu.vector_store %arg8[%swap3A_43, %swap3A_44], %swap3A_47 {strides = array<i32>} : memref<128x128xf32, #tpu.memory_space<vmem>>, vector<1x16xf32>,
      %swap3A_48 = arith.index_cast %scan3A_38 : i32 to index
      %swap3A_49 = arith.constant 32 : index
      %swap3A_50 = tpu.vector_load %arg8[%swap3A_48, %swap3A_49] {strides = array<i32>} : memref<128x128xf32, #tpu.memory_space<vmem>>, vector<1x16xf32>,
      %swap3A_51 = vector.shape_cast %swap3A_50 : vector<1x16xf32> to vector<16xf32>
      %swap3A_52 = vector.shape_cast %broadcast_in_dim3A_1 : vector<16xf32> to vector<1x16xf32>
      tpu.vector_store %arg8[%swap3A_48, %swap3A_49], %swap3A_52 {strides = array<i32>} : memref<128x128xf32, #tpu.memory_space<vmem>>, vector<1x16xf32>,
      %swap3A_53 = arith.index_cast %scan3A_38 : i32 to index
      %swap3A_54 = arith.constant 48 : index
      %swap3A_55 = tpu.vector_load %arg8[%swap3A_53, %swap3A_54] {strides = array<i32>} : memref<128x128xf32, #tpu.memory_space<vmem>>, vector<1x16xf32>,
      %swap3A_56 = vector.shape_cast %swap3A_55 : vector<1x16xf32> to vector<16xf32>
      %swap3A_57 = vector.shape_cast %broadcast_in_dim3A_1 : vector<16xf32> to vector<1x16xf32>
      tpu.vector_store %arg8[%swap3A_53, %swap3A_54], %swap3A_57 {strides = array<i32>} : memref<128x128xf32, #tpu.memory_space<vmem>>, vector<1x16xf32>,
      %swap3A_58 = arith.index_cast %scan3A_38 : i32 to index
      %swap3A_59 = arith.constant 64 : index
      %swap3A_60 = tpu.vector_load %arg8[%swap3A_58, %swap3A_59] {strides = array<i32>} : memref<128x128xf32, #tpu.memory_space<vmem>>, vector<1x16xf32>,
      %swap3A_61 = vector.shape_cast %swap3A_60 : vector<1x16xf32> to vector<16xf32>
      %swap3A_62 = vector.shape_cast %broadcast_in_dim3A_1 : vector<16xf32> to vector<1x16xf32>
      tpu.vector_store %arg8[%swap3A_58, %swap3A_59], %swap3A_62 {strides = array<i32>} : memref<128x128xf32, #tpu.memory_space<vmem>>, vector<1x16xf32>,
      %swap3A_63 = arith.index_cast %scan3A_38 : i32 to index
      %swap3A_64 = arith.constant 80 : index
      %swap3A_65 = tpu.vector_load %arg8[%swap3A_63, %swap3A_64] {strides = array<i32>} : memref<128x128xf32, #tpu.memory_space<vmem>>, vector<1x16xf32>,
      %swap3A_66 = vector.shape_cast %swap3A_65 : vector<1x16xf32> to vector<16xf32>
      %swap3A_67 = vector.shape_cast %broadcast_in_dim3A_1 : vector<16xf32> to vector<1x16xf32>
      tpu.vector_store %arg8[%swap3A_63, %swap3A_64], %swap3A_67 {strides = array<i32>} : memref<128x128xf32, #tpu.memory_space<vmem>>, vector<1x16xf32>,
      %swap3A_68 = arith.index_cast %scan3A_38 : i32 to index
      %swap3A_69 = arith.constant 96 : index
      %swap3A_70 = tpu.vector_load %arg8[%swap3A_68, %swap3A_69] {strides = array<i32>} : memref<128x128xf32, #tpu.memory_space<vmem>>, vector<1x16xf32>,
      %swap3A_71 = vector.shape_cast %swap3A_70 : vector<1x16xf32> to vector<16xf32>
      %swap3A_72 = vector.shape_cast %broadcast_in_dim3A_1 : vector<16xf32> to vector<1x16xf32>
      tpu.vector_store %arg8[%swap3A_68, %swap3A_69], %swap3A_72 {strides = array<i32>} : memref<128x128xf32, #tpu.memory_space<vmem>>, vector<1x16xf32>,
      %swap3A_73 = arith.index_cast %scan3A_38 : i32 to index
      %swap3A_74 = arith.constant 112 : index
      %swap3A_75 = tpu.vector_load %arg8[%swap3A_73, %swap3A_74] {strides = array<i32>} : memref<128x128xf32, #tpu.memory_space<vmem>>, vector<1x16xf32>,
      %swap3A_76 = vector.shape_cast %swap3A_75 : vector<1x16xf32> to vector<16xf32>
      %swap3A_77 = vector.shape_cast %broadcast_in_dim3A_1 : vector<16xf32> to vector<1x16xf32>
      tpu.vector_store %arg8[%swap3A_73, %swap3A_74], %swap3A_77 {strides = array<i32>} : memref<128x128xf32, #tpu.memory_space<vmem>>, vector<1x16xf32>,
    }
    %scan3A_6 = arith.constant 128 : i32
    %mul3A_7 = arith.constant 640 : i32
    %mul3A_8 = arith.muli %arg1, %mul3A_7 : i32
    %add3A_9 = arith.constant 0 : i32
    %add3A_10 = arith.addi %mul3A_8, %add3A_9 : i32
    "tpu.region"() ({
      %run_scoped3A = tpu.sem_alloc : memref<!tpu.dma_semaphore, #tpu.memory_space<semaphore_mem>>
      %dma_start3A = arith.constant 0 : i32
      %dma_start3A_38 = tpu.memref_slice %arg10[%add3A_10, %dma_start3A] : memref<10240x128xf32, #tpu.memory_space<vmem_shared>> -> memref<128x128xf32, #tpu.memory_space<vmem_shared>>
      %dma_start3A_39 = arith.constant 0 : i32
      %dma_start3A_40 = tpu.memref_slice %arg10[%add3A_10, %dma_start3A_39] : memref<10240x128xf32, #tpu.memory_space<vmem_shared>> -> memref<128x128xf32, #tpu.memory_space<vmem_shared>>
      tpu.enqueue_dma source(%arg8 : memref<128x128xf32, #tpu.memory_space<vmem>>) target(%dma_start3A_40 : memref<128x128xf32, #tpu.memory_space<vmem_shared>>) target_semaphore(%run_scoped3A : memref<!tpu.dma_semaphore, #tpu.memory_space<semaphore_mem>>)
      %dma_wait3A = arith.constant 0 : i32
      %dma_wait3A_41 = tpu.memref_slice %arg10[%add3A_10, %dma_wait3A] : memref<10240x128xf32, #tpu.memory_space<vmem_shared>> -> memref<128x128xf32, #tpu.memory_space<vmem_shared>>
      %dma_wait3A_42 = arith.constant 0 : i32
      %dma_wait3A_43 = tpu.memref_slice %arg10[%add3A_10, %dma_wait3A_42] : memref<10240x128xf32, #tpu.memory_space<vmem_shared>> -> memref<128x128xf32, #tpu.memory_space<vmem_shared>>
      tpu.wait_dma2 semaphore(%run_scoped3A : memref<!tpu.dma_semaphore, #tpu.memory_space<semaphore_mem>>) src(%arg8 : memref<128x128xf32, #tpu.memory_space<vmem>>) dst(%dma_wait3A_43 : memref<128x128xf32, #tpu.memory_space<vmem_shared>>)
      tpu.yield
    }) : () -> ()
    %mul3A_11 = arith.constant 640 : i32
    %mul3A_12 = arith.muli %arg1, %mul3A_11 : i32
    %add3A_13 = arith.constant 128 : i32
    %add3A_14 = arith.addi %mul3A_12, %add3A_13 : i32
    "tpu.region"() ({
      %run_scoped3A = tpu.sem_alloc : memref<!tpu.dma_semaphore, #tpu.memory_space<semaphore_mem>>
      %dma_start3A = arith.constant 0 : i32
      %dma_start3A_38 = tpu.memref_slice %arg10[%add3A_14, %dma_start3A] : memref<10240x128xf32, #tpu.memory_space<vmem_shared>> -> memref<128x128xf32, #tpu.memory_space<vmem_shared>>
      %dma_start3A_39 = arith.constant 0 : i32
      %dma_start3A_40 = tpu.memref_slice %arg10[%add3A_14, %dma_start3A_39] : memref<10240x128xf32, #tpu.memory_space<vmem_shared>> -> memref<128x128xf32, #tpu.memory_space<vmem_shared>>
      tpu.enqueue_dma source(%arg8 : memref<128x128xf32, #tpu.memory_space<vmem>>) target(%dma_start3A_40 : memref<128x128xf32, #tpu.memory_space<vmem_shared>>) target_semaphore(%run_scoped3A : memref<!tpu.dma_semaphore, #tpu.memory_space<semaphore_mem>>)
      %dma_wait3A = arith.constant 0 : i32
      %dma_wait3A_41 = tpu.memref_slice %arg10[%add3A_14, %dma_wait3A] : memref<10240x128xf32, #tpu.memory_space<vmem_shared>> -> memref<128x128xf32, #tpu.memory_space<vmem_shared>>
      %dma_wait3A_42 = arith.constant 0 : i32
      %dma_wait3A_43 = tpu.memref_slice %arg10[%add3A_14, %dma_wait3A_42] : memref<10240x128xf32, #tpu.memory_space<vmem_shared>> -> memref<128x128xf32, #tpu.memory_space<vmem_shared>>
      tpu.wait_dma2 semaphore(%run_scoped3A : memref<!tpu.dma_semaphore, #tpu.memory_space<semaphore_mem>>) src(%arg8 : memref<128x128xf32, #tpu.memory_space<vmem>>) dst(%dma_wait3A_43 : memref<128x128xf32, #tpu.memory_space<vmem_shared>>)
      tpu.yield
    }) : () -> ()
    %mul3A_15 = arith.constant 640 : i32
    %mul3A_16 = arith.muli %arg1, %mul3A_15 : i32
    %add3A_17 = arith.constant 256 : i32
    %add3A_18 = arith.addi %mul3A_16, %add3A_17 : i32
    "tpu.region"() ({
      %run_scoped3A = tpu.sem_alloc : memref<!tpu.dma_semaphore, #tpu.memory_space<semaphore_mem>>
      %dma_start3A = arith.constant 0 : i32
      %dma_start3A_38 = tpu.memref_slice %arg10[%add3A_18, %dma_start3A] : memref<10240x128xf32, #tpu.memory_space<vmem_shared>> -> memref<128x128xf32, #tpu.memory_space<vmem_shared>>
      %dma_start3A_39 = arith.constant 0 : i32
      %dma_start3A_40 = tpu.memref_slice %arg10[%add3A_18, %dma_start3A_39] : memref<10240x128xf32, #tpu.memory_space<vmem_shared>> -> memref<128x128xf32, #tpu.memory_space<vmem_shared>>
      tpu.enqueue_dma source(%arg8 : memref<128x128xf32, #tpu.memory_space<vmem>>) target(%dma_start3A_40 : memref<128x128xf32, #tpu.memory_space<vmem_shared>>) target_semaphore(%run_scoped3A : memref<!tpu.dma_semaphore, #tpu.memory_space<semaphore_mem>>)
      %dma_wait3A = arith.constant 0 : i32
      %dma_wait3A_41 = tpu.memref_slice %arg10[%add3A_18, %dma_wait3A] : memref<10240x128xf32, #tpu.memory_space<vmem_shared>> -> memref<128x128xf32, #tpu.memory_space<vmem_shared>>
      %dma_wait3A_42 = arith.constant 0 : i32
      %dma_wait3A_43 = tpu.memref_slice %arg10[%add3A_18, %dma_wait3A_42] : memref<10240x128xf32, #tpu.memory_space<vmem_shared>> -> memref<128x128xf32, #tpu.memory_space<vmem_shared>>
      tpu.wait_dma2 semaphore(%run_scoped3A : memref<!tpu.dma_semaphore, #tpu.memory_space<semaphore_mem>>) src(%arg8 : memref<128x128xf32, #tpu.memory_space<vmem>>) dst(%dma_wait3A_43 : memref<128x128xf32, #tpu.memory_space<vmem_shared>>)
      tpu.yield
    }) : () -> ()
    %mul3A_19 = arith.constant 640 : i32
    %mul3A_20 = arith.muli %arg1, %mul3A_19 : i32
    %add3A_21 = arith.constant 384 : i32
    %add3A_22 = arith.addi %mul3A_20, %add3A_21 : i32
    "tpu.region"() ({
      %run_scoped3A = tpu.sem_alloc : memref<!tpu.dma_semaphore, #tpu.memory_space<semaphore_mem>>
      %dma_start3A = arith.constant 0 : i32
      %dma_start3A_38 = tpu.memref_slice %arg10[%add3A_22, %dma_start3A] : memref<10240x128xf32, #tpu.memory_space<vmem_shared>> -> memref<128x128xf32, #tpu.memory_space<vmem_shared>>
      %dma_start3A_39 = arith.constant 0 : i32
      %dma_start3A_40 = tpu.memref_slice %arg10[%add3A_22, %dma_start3A_39] : memref<10240x128xf32, #tpu.memory_space<vmem_shared>> -> memref<128x128xf32, #tpu.memory_space<vmem_shared>>
      tpu.enqueue_dma source(%arg8 : memref<128x128xf32, #tpu.memory_space<vmem>>) target(%dma_start3A_40 : memref<128x128xf32, #tpu.memory_space<vmem_shared>>) target_semaphore(%run_scoped3A : memref<!tpu.dma_semaphore, #tpu.memory_space<semaphore_mem>>)
      %dma_wait3A = arith.constant 0 : i32
      %dma_wait3A_41 = tpu.memref_slice %arg10[%add3A_22, %dma_wait3A] : memref<10240x128xf32, #tpu.memory_space<vmem_shared>> -> memref<128x128xf32, #tpu.memory_space<vmem_shared>>
      %dma_wait3A_42 = arith.constant 0 : i32
      %dma_wait3A_43 = tpu.memref_slice %arg10[%add3A_22, %dma_wait3A_42] : memref<10240x128xf32, #tpu.memory_space<vmem_shared>> -> memref<128x128xf32, #tpu.memory_space<vmem_shared>>
      tpu.wait_dma2 semaphore(%run_scoped3A : memref<!tpu.dma_semaphore, #tpu.memory_space<semaphore_mem>>) src(%arg8 : memref<128x128xf32, #tpu.memory_space<vmem>>) dst(%dma_wait3A_43 : memref<128x128xf32, #tpu.memory_space<vmem_shared>>)
      tpu.yield
    }) : () -> ()
    %mul3A_23 = arith.constant 640 : i32
    %mul3A_24 = arith.muli %arg1, %mul3A_23 : i32
    %add3A_25 = arith.constant 512 : i32
    %add3A_26 = arith.addi %mul3A_24, %add3A_25 : i32
    "tpu.region"() ({
      %run_scoped3A = tpu.sem_alloc : memref<!tpu.dma_semaphore, #tpu.memory_space<semaphore_mem>>
      %dma_start3A = arith.constant 0 : i32
      %dma_start3A_38 = tpu.memref_slice %arg10[%add3A_26, %dma_start3A] : memref<10240x128xf32, #tpu.memory_space<vmem_shared>> -> memref<128x128xf32, #tpu.memory_space<vmem_shared>>
      %dma_start3A_39 = arith.constant 0 : i32
      %dma_start3A_40 = tpu.memref_slice %arg10[%add3A_26, %dma_start3A_39] : memref<10240x128xf32, #tpu.memory_space<vmem_shared>> -> memref<128x128xf32, #tpu.memory_space<vmem_shared>>
      tpu.enqueue_dma source(%arg8 : memref<128x128xf32, #tpu.memory_space<vmem>>) target(%dma_start3A_40 : memref<128x128xf32, #tpu.memory_space<vmem_shared>>) target_semaphore(%run_scoped3A : memref<!tpu.dma_semaphore, #tpu.memory_space<semaphore_mem>>)
      %dma_wait3A = arith.constant 0 : i32
      %dma_wait3A_41 = tpu.memref_slice %arg10[%add3A_26, %dma_wait3A] : memref<10240x128xf32, #tpu.memory_space<vmem_shared>> -> memref<128x128xf32, #tpu.memory_space<vmem_shared>>
      %dma_wait3A_42 = arith.constant 0 : i32
      %dma_wait3A_43 = tpu.memref_slice %arg10[%add3A_26, %dma_wait3A_42] : memref<10240x128xf32, #tpu.memory_space<vmem_shared>> -> memref<128x128xf32, #tpu.memory_space<vmem_shared>>
      tpu.wait_dma2 semaphore(%run_scoped3A : memref<!tpu.dma_semaphore, #tpu.memory_space<semaphore_mem>>) src(%arg8 : memref<128x128xf32, #tpu.memory_space<vmem>>) dst(%dma_wait3A_43 : memref<128x128xf32, #tpu.memory_space<vmem_shared>>)
      tpu.yield
    }) : () -> ()
    %barrier3A = arith.constant 0 : index
    tpu.barrier barrier_id(%barrier3A)
    %scan3A_27 = arith.constant 0 : i32
    %scan3A_28 = arith.constant 0 : i32
    %scan3A_29 = arith.constant 10 : i32
    %scan3A_30 = arith.addi %scan3A_28, %scan3A_29 : i32
    %scan3A_31 = arith.constant 1 : i32
    scf.for %scan3A_38 = %scan3A_28 to %scan3A_30 step %scan3A_31  : i32 {
      %mul3A_39 = arith.constant 8 : i32
      %mul3A_40 = arith.muli %scan3A_38, %mul3A_39 : i32
      "tpu.region"() ({
        %run_scoped3A_160 = tpu.sem_alloc : memref<!tpu.dma_semaphore, #tpu.memory_space<semaphore_mem>>
        %dma_start3A_161 = arith.constant 0 : i32
        %dma_start3A_162 = tpu.memref_slice %arg3[%add3A, %mul3A_40, %dma_start3A_161] : memref<32x80x128xi32, #tpu.memory_space<hbm>> -> memref<1x8x128xi32, #tpu.memory_space<hbm>>
        %dma_start3A_163 = tpu.memref_squeeze %dma_start3A_162 : memref<1x8x128xi32, #tpu.memory_space<hbm>> -> memref<8x128xi32, #tpu.memory_space<hbm>>
        %dma_start3A_164 = arith.constant 0 : i32
        %dma_start3A_165 = tpu.memref_slice %arg3[%add3A, %mul3A_40, %dma_start3A_164] : memref<32x80x128xi32, #tpu.memory_space<hbm>> -> memref<1x8x128xi32, #tpu.memory_space<hbm>>
        %dma_start3A_166 = tpu.memref_squeeze %dma_start3A_165 : memref<1x8x128xi32, #tpu.memory_space<hbm>> -> memref<8x128xi32, #tpu.memory_space<hbm>>
        tpu.enqueue_dma source(%dma_start3A_166 : memref<8x128xi32, #tpu.memory_space<hbm>>) target(%arg6 : memref<8x128xi32, #tpu.memory_space<vmem>>) target_semaphore(%run_scoped3A_160 : memref<!tpu.dma_semaphore, #tpu.memory_space<semaphore_mem>>)
        %dma_wait3A_167 = arith.constant 0 : i32
        %dma_wait3A_168 = tpu.memref_slice %arg3[%add3A, %mul3A_40, %dma_wait3A_167] : memref<32x80x128xi32, #tpu.memory_space<hbm>> -> memref<1x8x128xi32, #tpu.memory_space<hbm>>
        %dma_wait3A_169 = tpu.memref_squeeze %dma_wait3A_168 : memref<1x8x128xi32, #tpu.memory_space<hbm>> -> memref<8x128xi32, #tpu.memory_space<hbm>>
        %dma_wait3A_170 = arith.constant 0 : i32
        %dma_wait3A_171 = tpu.memref_slice %arg3[%add3A, %mul3A_40, %dma_wait3A_170] : memref<32x80x128xi32, #tpu.memory_space<hbm>> -> memref<1x8x128xi32, #tpu.memory_space<hbm>>
        %dma_wait3A_172 = tpu.memref_squeeze %dma_wait3A_171 : memref<1x8x128xi32, #tpu.memory_space<hbm>> -> memref<8x128xi32, #tpu.memory_space<hbm>>
        tpu.wait_dma2 semaphore(%run_scoped3A_160 : memref<!tpu.dma_semaphore, #tpu.memory_space<semaphore_mem>>) src(%dma_wait3A_172 : memref<8x128xi32, #tpu.memory_space<hbm>>) dst(%arg6 : memref<8x128xi32, #tpu.memory_space<vmem>>)
        tpu.yield
      }) : () -> ()
      %mul3A_41 = arith.constant 8 : i32
      %mul3A_42 = arith.muli %scan3A_38, %mul3A_41 : i32
      "tpu.region"() ({
        %run_scoped3A_160 = tpu.sem_alloc : memref<!tpu.dma_semaphore, #tpu.memory_space<semaphore_mem>>
        %dma_start3A_161 = arith.constant 0 : i32
        %dma_start3A_162 = tpu.memref_slice %arg4[%add3A, %mul3A_42, %dma_start3A_161] : memref<32x80x128xi32, #tpu.memory_space<hbm>> -> memref<1x8x128xi32, #tpu.memory_space<hbm>>
        %dma_start3A_163 = tpu.memref_squeeze %dma_start3A_162 : memref<1x8x128xi32, #tpu.memory_space<hbm>> -> memref<8x128xi32, #tpu.memory_space<hbm>>
        %dma_start3A_164 = arith.constant 0 : i32
        %dma_start3A_165 = tpu.memref_slice %arg4[%add3A, %mul3A_42, %dma_start3A_164] : memref<32x80x128xi32, #tpu.memory_space<hbm>> -> memref<1x8x128xi32, #tpu.memory_space<hbm>>
        %dma_start3A_166 = tpu.memref_squeeze %dma_start3A_165 : memref<1x8x128xi32, #tpu.memory_space<hbm>> -> memref<8x128xi32, #tpu.memory_space<hbm>>
        tpu.enqueue_dma source(%dma_start3A_166 : memref<8x128xi32, #tpu.memory_space<hbm>>) target(%arg7 : memref<8x128xi32, #tpu.memory_space<vmem>>) target_semaphore(%run_scoped3A_160 : memref<!tpu.dma_semaphore, #tpu.memory_space<semaphore_mem>>)
        %dma_wait3A_167 = arith.constant 0 : i32
        %dma_wait3A_168 = tpu.memref_slice %arg4[%add3A, %mul3A_42, %dma_wait3A_167] : memref<32x80x128xi32, #tpu.memory_space<hbm>> -> memref<1x8x128xi32, #tpu.memory_space<hbm>>
        %dma_wait3A_169 = tpu.memref_squeeze %dma_wait3A_168 : memref<1x8x128xi32, #tpu.memory_space<hbm>> -> memref<8x128xi32, #tpu.memory_space<hbm>>
        %dma_wait3A_170 = arith.constant 0 : i32
        %dma_wait3A_171 = tpu.memref_slice %arg4[%add3A, %mul3A_42, %dma_wait3A_170] : memref<32x80x128xi32, #tpu.memory_space<hbm>> -> memref<1x8x128xi32, #tpu.memory_space<hbm>>
        %dma_wait3A_172 = tpu.memref_squeeze %dma_wait3A_171 : memref<1x8x128xi32, #tpu.memory_space<hbm>> -> memref<8x128xi32, #tpu.memory_space<hbm>>
        tpu.wait_dma2 semaphore(%run_scoped3A_160 : memref<!tpu.dma_semaphore, #tpu.memory_space<semaphore_mem>>) src(%dma_wait3A_172 : memref<8x128xi32, #tpu.memory_space<hbm>>) dst(%arg7 : memref<8x128xi32, #tpu.memory_space<vmem>>)
        tpu.yield
      }) : () -> ()
      %dma_start3A = arith.constant 0 : i32
      %dma_start3A_43 = arith.constant 0 : i32
      %dma_start3A_44 = tpu.memref_slice %arg6[%dma_start3A, %dma_start3A_43] : memref<8x128xi32, #tpu.memory_space<vmem>> -> memref<1x128xi32, #tpu.memory_space<vmem>>
      %dma_start3A_45 = tpu.memref_squeeze %dma_start3A_44 : memref<1x128xi32, #tpu.memory_space<vmem>> -> memref<128xi32, #tpu.memory_space<vmem>>
      %dma_start3A_46 = arith.constant 0 : i32
      %dma_start3A_47 = arith.constant 0 : i32
      %dma_start3A_48 = tpu.memref_slice %arg2[%dma_start3A_46, %dma_start3A_47] : memref<10240x128xf32, #tpu.memory_space<hbm>> -> memref<10240x128xf32, #tpu.memory_space<hbm>>
      tpu.enqueue_indirect_dma source(%dma_start3A_48 : memref<10240x128xf32, #tpu.memory_space<hbm>>) target(%arg8 : memref<128x128xf32, #tpu.memory_space<vmem>>) offsets(%dma_start3A_45 : memref<128xi32, #tpu.memory_space<vmem>>) semaphore(%arg11 : memref<!tpu.dma_semaphore, #tpu.memory_space<semaphore_mem>>)
      %dma_start3A_49 = arith.constant 1 : i32
      %dma_start3A_50 = arith.constant 0 : i32
      %dma_start3A_51 = tpu.memref_slice %arg6[%dma_start3A_49, %dma_start3A_50] : memref<8x128xi32, #tpu.memory_space<vmem>> -> memref<1x128xi32, #tpu.memory_space<vmem>>
      %dma_start3A_52 = tpu.memref_squeeze %dma_start3A_51 : memref<1x128xi32, #tpu.memory_space<vmem>> -> memref<128xi32, #tpu.memory_space<vmem>>
      %dma_start3A_53 = arith.constant 0 : i32
      %dma_start3A_54 = arith.constant 0 : i32
      %dma_start3A_55 = tpu.memref_slice %arg2[%dma_start3A_53, %dma_start3A_54] : memref<10240x128xf32, #tpu.memory_space<hbm>> -> memref<10240x128xf32, #tpu.memory_space<hbm>>
      tpu.enqueue_indirect_dma source(%dma_start3A_55 : memref<10240x128xf32, #tpu.memory_space<hbm>>) target(%arg9 : memref<128x128xf32, #tpu.memory_space<vmem>>) offsets(%dma_start3A_52 : memref<128xi32, #tpu.memory_space<vmem>>) semaphore(%arg12 : memref<!tpu.dma_semaphore, #tpu.memory_space<semaphore_mem>>)
      %dma_wait3A = arith.constant 0 : i32
      %dma_wait3A_56 = arith.constant 0 : i32
      %dma_wait3A_57 = tpu.memref_slice %arg6[%dma_wait3A, %dma_wait3A_56] : memref<8x128xi32, #tpu.memory_space<vmem>> -> memref<1x128xi32, #tpu.memory_space<vmem>>
      %dma_wait3A_58 = tpu.memref_squeeze %dma_wait3A_57 : memref<1x128xi32, #tpu.memory_space<vmem>> -> memref<128xi32, #tpu.memory_space<vmem>>
      %dma_wait3A_59 = arith.constant 0 : i32
      %dma_wait3A_60 = arith.constant 0 : i32
      %dma_wait3A_61 = tpu.memref_slice %arg2[%dma_wait3A_59, %dma_wait3A_60] : memref<10240x128xf32, #tpu.memory_space<hbm>> -> memref<10240x128xf32, #tpu.memory_space<hbm>>
      tpu.wait_indirect_dma semaphore(%arg11 : memref<!tpu.dma_semaphore, #tpu.memory_space<semaphore_mem>>) src(%dma_wait3A_61 : memref<10240x128xf32, #tpu.memory_space<hbm>>) dst(%arg8 : memref<128x128xf32, #tpu.memory_space<vmem>>)
      %run_scoped3A = arith.constant 0 : i32
      "tpu.region"() ({
        %run_scoped3A_160 = tpu.sem_alloc : memref<!tpu.dma_semaphore, #tpu.memory_space<semaphore_mem>>
        %dma_start3A_161 = arith.constant 0 : i32
        %dma_start3A_162 = tpu.memref_slice %arg7[%run_scoped3A, %dma_start3A_161] : memref<8x128xi32, #tpu.memory_space<vmem>> -> memref<1x128xi32, #tpu.memory_space<vmem>>
        %dma_start3A_163 = tpu.memref_squeeze %dma_start3A_162 : memref<1x128xi32, #tpu.memory_space<vmem>> -> memref<128xi32, #tpu.memory_space<vmem>>
        %dma_start3A_164 = arith.constant 0 : i32
        %dma_start3A_165 = arith.constant 0 : i32
        %dma_start3A_166 = tpu.memref_slice %arg10[%dma_start3A_164, %dma_start3A_165] : memref<10240x128xf32, #tpu.memory_space<vmem_shared>> -> memref<10240x128xf32, #tpu.memory_space<vmem_shared>>
        tpu.enqueue_indirect_dma source(%arg8 : memref<128x128xf32, #tpu.memory_space<vmem>>) target(%dma_start3A_166 : memref<10240x128xf32, #tpu.memory_space<vmem_shared>>) offsets(%dma_start3A_163 : memref<128xi32, #tpu.memory_space<vmem>>) semaphore(%run_scoped3A_160 : memref<!tpu.dma_semaphore, #tpu.memory_space<semaphore_mem>>) {add = true}
        %dma_wait3A_167 = arith.constant 0 : i32
        %dma_wait3A_168 = tpu.memref_slice %arg7[%run_scoped3A, %dma_wait3A_167] : memref<8x128xi32, #tpu.memory_space<vmem>> -> memref<1x128xi32, #tpu.memory_space<vmem>>
        %dma_wait3A_169 = tpu.memref_squeeze %dma_wait3A_168 : memref<1x128xi32, #tpu.memory_space<vmem>> -> memref<128xi32, #tpu.memory_space<vmem>>
        %dma_wait3A_170 = arith.constant 0 : i32
        %dma_wait3A_171 = arith.constant 0 : i32
        %dma_wait3A_172 = tpu.memref_slice %arg10[%dma_wait3A_170, %dma_wait3A_171] : memref<10240x128xf32, #tpu.memory_space<vmem_shared>> -> memref<10240x128xf32, #tpu.memory_space<vmem_shared>>
        tpu.wait_indirect_dma semaphore(%run_scoped3A_160 : memref<!tpu.dma_semaphore, #tpu.memory_space<semaphore_mem>>) src(%arg8 : memref<128x128xf32, #tpu.memory_space<vmem>>) dst(%dma_wait3A_172 : memref<10240x128xf32, #tpu.memory_space<vmem_shared>>)
        tpu.yield
      }) : () -> ()
      %dma_start3A_62 = arith.constant 2 : i32
      %dma_start3A_63 = arith.constant 0 : i32
      %dma_start3A_64 = tpu.memref_slice %arg6[%dma_start3A_62, %dma_start3A_63] : memref<8x128xi32, #tpu.memory_space<vmem>> -> memref<1x128xi32, #tpu.memory_space<vmem>>
      %dma_start3A_65 = tpu.memref_squeeze %dma_start3A_64 : memref<1x128xi32, #tpu.memory_space<vmem>> -> memref<128xi32, #tpu.memory_space<vmem>>
      %dma_start3A_66 = arith.constant 0 : i32
      %dma_start3A_67 = arith.constant 0 : i32
      %dma_start3A_68 = tpu.memref_slice %arg2[%dma_start3A_66, %dma_start3A_67] : memref<10240x128xf32, #tpu.memory_space<hbm>> -> memref<10240x128xf32, #tpu.memory_space<hbm>>
      tpu.enqueue_indirect_dma source(%dma_start3A_68 : memref<10240x128xf32, #tpu.memory_space<hbm>>) target(%arg8 : memref<128x128xf32, #tpu.memory_space<vmem>>) offsets(%dma_start3A_65 : memref<128xi32, #tpu.memory_space<vmem>>) semaphore(%arg11 : memref<!tpu.dma_semaphore, #tpu.memory_space<semaphore_mem>>)
      %dma_wait3A_69 = arith.constant 1 : i32
      %dma_wait3A_70 = arith.constant 0 : i32
      %dma_wait3A_71 = tpu.memref_slice %arg6[%dma_wait3A_69, %dma_wait3A_70] : memref<8x128xi32, #tpu.memory_space<vmem>> -> memref<1x128xi32, #tpu.memory_space<vmem>>
      %dma_wait3A_72 = tpu.memref_squeeze %dma_wait3A_71 : memref<1x128xi32, #tpu.memory_space<vmem>> -> memref<128xi32, #tpu.memory_space<vmem>>
      %dma_wait3A_73 = arith.constant 0 : i32
      %dma_wait3A_74 = arith.constant 0 : i32
      %dma_wait3A_75 = tpu.memref_slice %arg2[%dma_wait3A_73, %dma_wait3A_74] : memref<10240x128xf32, #tpu.memory_space<hbm>> -> memref<10240x128xf32, #tpu.memory_space<hbm>>
      tpu.wait_indirect_dma semaphore(%arg12 : memref<!tpu.dma_semaphore, #tpu.memory_space<semaphore_mem>>) src(%dma_wait3A_75 : memref<10240x128xf32, #tpu.memory_space<hbm>>) dst(%arg9 : memref<128x128xf32, #tpu.memory_space<vmem>>)
      %run_scoped3A_76 = arith.constant 1 : i32
      "tpu.region"() ({
        %run_scoped3A_160 = tpu.sem_alloc : memref<!tpu.dma_semaphore, #tpu.memory_space<semaphore_mem>>
        %dma_start3A_161 = arith.constant 0 : i32
        %dma_start3A_162 = tpu.memref_slice %arg7[%run_scoped3A_76, %dma_start3A_161] : memref<8x128xi32, #tpu.memory_space<vmem>> -> memref<1x128xi32, #tpu.memory_space<vmem>>
        %dma_start3A_163 = tpu.memref_squeeze %dma_start3A_162 : memref<1x128xi32, #tpu.memory_space<vmem>> -> memref<128xi32, #tpu.memory_space<vmem>>
        %dma_start3A_164 = arith.constant 0 : i32
        %dma_start3A_165 = arith.constant 0 : i32
        %dma_start3A_166 = tpu.memref_slice %arg10[%dma_start3A_164, %dma_start3A_165] : memref<10240x128xf32, #tpu.memory_space<vmem_shared>> -> memref<10240x128xf32, #tpu.memory_space<vmem_shared>>
        tpu.enqueue_indirect_dma source(%arg9 : memref<128x128xf32, #tpu.memory_space<vmem>>) target(%dma_start3A_166 : memref<10240x128xf32, #tpu.memory_space<vmem_shared>>) offsets(%dma_start3A_163 : memref<128xi32, #tpu.memory_space<vmem>>) semaphore(%run_scoped3A_160 : memref<!tpu.dma_semaphore, #tpu.memory_space<semaphore_mem>>) {add = true}
        %dma_wait3A_167 = arith.constant 0 : i32
        %dma_wait3A_168 = tpu.memref_slice %arg7[%run_scoped3A_76, %dma_wait3A_167] : memref<8x128xi32, #tpu.memory_space<vmem>> -> memref<1x128xi32, #tpu.memory_space<vmem>>
        %dma_wait3A_169 = tpu.memref_squeeze %dma_wait3A_168 : memref<1x128xi32, #tpu.memory_space<vmem>> -> memref<128xi32, #tpu.memory_space<vmem>>
        %dma_wait3A_170 = arith.constant 0 : i32
        %dma_wait3A_171 = arith.constant 0 : i32
        %dma_wait3A_172 = tpu.memref_slice %arg10[%dma_wait3A_170, %dma_wait3A_171] : memref<10240x128xf32, #tpu.memory_space<vmem_shared>> -> memref<10240x128xf32, #tpu.memory_space<vmem_shared>>
        tpu.wait_indirect_dma semaphore(%run_scoped3A_160 : memref<!tpu.dma_semaphore, #tpu.memory_space<semaphore_mem>>) src(%arg9 : memref<128x128xf32, #tpu.memory_space<vmem>>) dst(%dma_wait3A_172 : memref<10240x128xf32, #tpu.memory_space<vmem_shared>>)
        tpu.yield
      }) : () -> ()
      %dma_start3A_77 = arith.constant 3 : i32
      %dma_start3A_78 = arith.constant 0 : i32
      %dma_start3A_79 = tpu.memref_slice %arg6[%dma_start3A_77, %dma_start3A_78] : memref<8x128xi32, #tpu.memory_space<vmem>> -> memref<1x128xi32, #tpu.memory_space<vmem>>
      %dma_start3A_80 = tpu.memref_squeeze %dma_start3A_79 : memref<1x128xi32, #tpu.memory_space<vmem>> -> memref<128xi32, #tpu.memory_space<vmem>>
      %dma_start3A_81 = arith.constant 0 : i32
      %dma_start3A_82 = arith.constant 0 : i32
      %dma_start3A_83 = tpu.memref_slice %arg2[%dma_start3A_81, %dma_start3A_82] : memref<10240x128xf32, #tpu.memory_space<hbm>> -> memref<10240x128xf32, #tpu.memory_space<hbm>>
      tpu.enqueue_indirect_dma source(%dma_start3A_83 : memref<10240x128xf32, #tpu.memory_space<hbm>>) target(%arg9 : memref<128x128xf32, #tpu.memory_space<vmem>>) offsets(%dma_start3A_80 : memref<128xi32, #tpu.memory_space<vmem>>) semaphore(%arg12 : memref<!tpu.dma_semaphore, #tpu.memory_space<semaphore_mem>>)
      %dma_wait3A_84 = arith.constant 2 : i32
      %dma_wait3A_85 = arith.constant 0 : i32
      %dma_wait3A_86 = tpu.memref_slice %arg6[%dma_wait3A_84, %dma_wait3A_85] : memref<8x128xi32, #tpu.memory_space<vmem>> -> memref<1x128xi32, #tpu.memory_space<vmem>>
      %dma_wait3A_87 = tpu.memref_squeeze %dma_wait3A_86 : memref<1x128xi32, #tpu.memory_space<vmem>> -> memref<128xi32, #tpu.memory_space<vmem>>
      %dma_wait3A_88 = arith.constant 0 : i32
      %dma_wait3A_89 = arith.constant 0 : i32
      %dma_wait3A_90 = tpu.memref_slice %arg2[%dma_wait3A_88, %dma_wait3A_89] : memref<10240x128xf32, #tpu.memory_space<hbm>> -> memref<10240x128xf32, #tpu.memory_space<hbm>>
      tpu.wait_indirect_dma semaphore(%arg11 : memref<!tpu.dma_semaphore, #tpu.memory_space<semaphore_mem>>) src(%dma_wait3A_90 : memref<10240x128xf32, #tpu.memory_space<hbm>>) dst(%arg8 : memref<128x128xf32, #tpu.memory_space<vmem>>)
      %run_scoped3A_91 = arith.constant 2 : i32
      "tpu.region"() ({
        %run_scoped3A_160 = tpu.sem_alloc : memref<!tpu.dma_semaphore, #tpu.memory_space<semaphore_mem>>
        %dma_start3A_161 = arith.constant 0 : i32
        %dma_start3A_162 = tpu.memref_slice %arg7[%run_scoped3A_91, %dma_start3A_161] : memref<8x128xi32, #tpu.memory_space<vmem>> -> memref<1x128xi32, #tpu.memory_space<vmem>>
        %dma_start3A_163 = tpu.memref_squeeze %dma_start3A_162 : memref<1x128xi32, #tpu.memory_space<vmem>> -> memref<128xi32, #tpu.memory_space<vmem>>
        %dma_start3A_164 = arith.constant 0 : i32
        %dma_start3A_165 = arith.constant 0 : i32
        %dma_start3A_166 = tpu.memref_slice %arg10[%dma_start3A_164, %dma_start3A_165] : memref<10240x128xf32, #tpu.memory_space<vmem_shared>> -> memref<10240x128xf32, #tpu.memory_space<vmem_shared>>
        tpu.enqueue_indirect_dma source(%arg8 : memref<128x128xf32, #tpu.memory_space<vmem>>) target(%dma_start3A_166 : memref<10240x128xf32, #tpu.memory_space<vmem_shared>>) offsets(%dma_start3A_163 : memref<128xi32, #tpu.memory_space<vmem>>) semaphore(%run_scoped3A_160 : memref<!tpu.dma_semaphore, #tpu.memory_space<semaphore_mem>>) {add = true}
        %dma_wait3A_167 = arith.constant 0 : i32
        %dma_wait3A_168 = tpu.memref_slice %arg7[%run_scoped3A_91, %dma_wait3A_167] : memref<8x128xi32, #tpu.memory_space<vmem>> -> memref<1x128xi32, #tpu.memory_space<vmem>>
        %dma_wait3A_169 = tpu.memref_squeeze %dma_wait3A_168 : memref<1x128xi32, #tpu.memory_space<vmem>> -> memref<128xi32, #tpu.memory_space<vmem>>
        %dma_wait3A_170 = arith.constant 0 : i32
        %dma_wait3A_171 = arith.constant 0 : i32
        %dma_wait3A_172 = tpu.memref_slice %arg10[%dma_wait3A_170, %dma_wait3A_171] : memref<10240x128xf32, #tpu.memory_space<vmem_shared>> -> memref<10240x128xf32, #tpu.memory_space<vmem_shared>>
        tpu.wait_indirect_dma semaphore(%run_scoped3A_160 : memref<!tpu.dma_semaphore, #tpu.memory_space<semaphore_mem>>) src(%arg8 : memref<128x128xf32, #tpu.memory_space<vmem>>) dst(%dma_wait3A_172 : memref<10240x128xf32, #tpu.memory_space<vmem_shared>>)
        tpu.yield
      }) : () -> ()
      %dma_start3A_92 = arith.constant 4 : i32
      %dma_start3A_93 = arith.constant 0 : i32
      %dma_start3A_94 = tpu.memref_slice %arg6[%dma_start3A_92, %dma_start3A_93] : memref<8x128xi32, #tpu.memory_space<vmem>> -> memref<1x128xi32, #tpu.memory_space<vmem>>
      %dma_start3A_95 = tpu.memref_squeeze %dma_start3A_94 : memref<1x128xi32, #tpu.memory_space<vmem>> -> memref<128xi32, #tpu.memory_space<vmem>>
      %dma_start3A_96 = arith.constant 0 : i32
      %dma_start3A_97 = arith.constant 0 : i32
      %dma_start3A_98 = tpu.memref_slice %arg2[%dma_start3A_96, %dma_start3A_97] : memref<10240x128xf32, #tpu.memory_space<hbm>> -> memref<10240x128xf32, #tpu.memory_space<hbm>>
      tpu.enqueue_indirect_dma source(%dma_start3A_98 : memref<10240x128xf32, #tpu.memory_space<hbm>>) target(%arg8 : memref<128x128xf32, #tpu.memory_space<vmem>>) offsets(%dma_start3A_95 : memref<128xi32, #tpu.memory_space<vmem>>) semaphore(%arg11 : memref<!tpu.dma_semaphore, #tpu.memory_space<semaphore_mem>>)
      %dma_wait3A_99 = arith.constant 3 : i32
      %dma_wait3A_100 = arith.constant 0 : i32
      %dma_wait3A_101 = tpu.memref_slice %arg6[%dma_wait3A_99, %dma_wait3A_100] : memref<8x128xi32, #tpu.memory_space<vmem>> -> memref<1x128xi32, #tpu.memory_space<vmem>>
      %dma_wait3A_102 = tpu.memref_squeeze %dma_wait3A_101 : memref<1x128xi32, #tpu.memory_space<vmem>> -> memref<128xi32, #tpu.memory_space<vmem>>
      %dma_wait3A_103 = arith.constant 0 : i32
      %dma_wait3A_104 = arith.constant 0 : i32
      %dma_wait3A_105 = tpu.memref_slice %arg2[%dma_wait3A_103, %dma_wait3A_104] : memref<10240x128xf32, #tpu.memory_space<hbm>> -> memref<10240x128xf32, #tpu.memory_space<hbm>>
      tpu.wait_indirect_dma semaphore(%arg12 : memref<!tpu.dma_semaphore, #tpu.memory_space<semaphore_mem>>) src(%dma_wait3A_105 : memref<10240x128xf32, #tpu.memory_space<hbm>>) dst(%arg9 : memref<128x128xf32, #tpu.memory_space<vmem>>)
      %run_scoped3A_106 = arith.constant 3 : i32
      "tpu.region"() ({
        %run_scoped3A_160 = tpu.sem_alloc : memref<!tpu.dma_semaphore, #tpu.memory_space<semaphore_mem>>
        %dma_start3A_161 = arith.constant 0 : i32
        %dma_start3A_162 = tpu.memref_slice %arg7[%run_scoped3A_106, %dma_start3A_161] : memref<8x128xi32, #tpu.memory_space<vmem>> -> memref<1x128xi32, #tpu.memory_space<vmem>>
        %dma_start3A_163 = tpu.memref_squeeze %dma_start3A_162 : memref<1x128xi32, #tpu.memory_space<vmem>> -> memref<128xi32, #tpu.memory_space<vmem>>
        %dma_start3A_164 = arith.constant 0 : i32
        %dma_start3A_165 = arith.constant 0 : i32
        %dma_start3A_166 = tpu.memref_slice %arg10[%dma_start3A_164, %dma_start3A_165] : memref<10240x128xf32, #tpu.memory_space<vmem_shared>> -> memref<10240x128xf32, #tpu.memory_space<vmem_shared>>
        tpu.enqueue_indirect_dma source(%arg9 : memref<128x128xf32, #tpu.memory_space<vmem>>) target(%dma_start3A_166 : memref<10240x128xf32, #tpu.memory_space<vmem_shared>>) offsets(%dma_start3A_163 : memref<128xi32, #tpu.memory_space<vmem>>) semaphore(%run_scoped3A_160 : memref<!tpu.dma_semaphore, #tpu.memory_space<semaphore_mem>>) {add = true}
        %dma_wait3A_167 = arith.constant 0 : i32
        %dma_wait3A_168 = tpu.memref_slice %arg7[%run_scoped3A_106, %dma_wait3A_167] : memref<8x128xi32, #tpu.memory_space<vmem>> -> memref<1x128xi32, #tpu.memory_space<vmem>>
        %dma_wait3A_169 = tpu.memref_squeeze %dma_wait3A_168 : memref<1x128xi32, #tpu.memory_space<vmem>> -> memref<128xi32, #tpu.memory_space<vmem>>
        %dma_wait3A_170 = arith.constant 0 : i32
        %dma_wait3A_171 = arith.constant 0 : i32
        %dma_wait3A_172 = tpu.memref_slice %arg10[%dma_wait3A_170, %dma_wait3A_171] : memref<10240x128xf32, #tpu.memory_space<vmem_shared>> -> memref<10240x128xf32, #tpu.memory_space<vmem_shared>>
        tpu.wait_indirect_dma semaphore(%run_scoped3A_160 : memref<!tpu.dma_semaphore, #tpu.memory_space<semaphore_mem>>) src(%arg9 : memref<128x128xf32, #tpu.memory_space<vmem>>) dst(%dma_wait3A_172 : memref<10240x128xf32, #tpu.memory_space<vmem_shared>>)
        tpu.yield
      }) : () -> ()
      %dma_start3A_107 = arith.constant 5 : i32
      %dma_start3A_108 = arith.constant 0 : i32
      %dma_start3A_109 = tpu.memref_slice %arg6[%dma_start3A_107, %dma_start3A_108] : memref<8x128xi32, #tpu.memory_space<vmem>> -> memref<1x128xi32, #tpu.memory_space<vmem>>
      %dma_start3A_110 = tpu.memref_squeeze %dma_start3A_109 : memref<1x128xi32, #tpu.memory_space<vmem>> -> memref<128xi32, #tpu.memory_space<vmem>>
      %dma_start3A_111 = arith.constant 0 : i32
      %dma_start3A_112 = arith.constant 0 : i32
      %dma_start3A_113 = tpu.memref_slice %arg2[%dma_start3A_111, %dma_start3A_112] : memref<10240x128xf32, #tpu.memory_space<hbm>> -> memref<10240x128xf32, #tpu.memory_space<hbm>>
      tpu.enqueue_indirect_dma source(%dma_start3A_113 : memref<10240x128xf32, #tpu.memory_space<hbm>>) target(%arg9 : memref<128x128xf32, #tpu.memory_space<vmem>>) offsets(%dma_start3A_110 : memref<128xi32, #tpu.memory_space<vmem>>) semaphore(%arg12 : memref<!tpu.dma_semaphore, #tpu.memory_space<semaphore_mem>>)
      %dma_wait3A_114 = arith.constant 4 : i32
      %dma_wait3A_115 = arith.constant 0 : i32
      %dma_wait3A_116 = tpu.memref_slice %arg6[%dma_wait3A_114, %dma_wait3A_115] : memref<8x128xi32, #tpu.memory_space<vmem>> -> memref<1x128xi32, #tpu.memory_space<vmem>>
      %dma_wait3A_117 = tpu.memref_squeeze %dma_wait3A_116 : memref<1x128xi32, #tpu.memory_space<vmem>> -> memref<128xi32, #tpu.memory_space<vmem>>
      %dma_wait3A_118 = arith.constant 0 : i32
      %dma_wait3A_119 = arith.constant 0 : i32
      %dma_wait3A_120 = tpu.memref_slice %arg2[%dma_wait3A_118, %dma_wait3A_119] : memref<10240x128xf32, #tpu.memory_space<hbm>> -> memref<10240x128xf32, #tpu.memory_space<hbm>>
      tpu.wait_indirect_dma semaphore(%arg11 : memref<!tpu.dma_semaphore, #tpu.memory_space<semaphore_mem>>) src(%dma_wait3A_120 : memref<10240x128xf32, #tpu.memory_space<hbm>>) dst(%arg8 : memref<128x128xf32, #tpu.memory_space<vmem>>)
      %run_scoped3A_121 = arith.constant 4 : i32
      "tpu.region"() ({
        %run_scoped3A_160 = tpu.sem_alloc : memref<!tpu.dma_semaphore, #tpu.memory_space<semaphore_mem>>
        %dma_start3A_161 = arith.constant 0 : i32
        %dma_start3A_162 = tpu.memref_slice %arg7[%run_scoped3A_121, %dma_start3A_161] : memref<8x128xi32, #tpu.memory_space<vmem>> -> memref<1x128xi32, #tpu.memory_space<vmem>>
        %dma_start3A_163 = tpu.memref_squeeze %dma_start3A_162 : memref<1x128xi32, #tpu.memory_space<vmem>> -> memref<128xi32, #tpu.memory_space<vmem>>
        %dma_start3A_164 = arith.constant 0 : i32
        %dma_start3A_165 = arith.constant 0 : i32
        %dma_start3A_166 = tpu.memref_slice %arg10[%dma_start3A_164, %dma_start3A_165] : memref<10240x128xf32, #tpu.memory_space<vmem_shared>> -> memref<10240x128xf32, #tpu.memory_space<vmem_shared>>
        tpu.enqueue_indirect_dma source(%arg8 : memref<128x128xf32, #tpu.memory_space<vmem>>) target(%dma_start3A_166 : memref<10240x128xf32, #tpu.memory_space<vmem_shared>>) offsets(%dma_start3A_163 : memref<128xi32, #tpu.memory_space<vmem>>) semaphore(%run_scoped3A_160 : memref<!tpu.dma_semaphore, #tpu.memory_space<semaphore_mem>>) {add = true}
        %dma_wait3A_167 = arith.constant 0 : i32
        %dma_wait3A_168 = tpu.memref_slice %arg7[%run_scoped3A_121, %dma_wait3A_167] : memref<8x128xi32, #tpu.memory_space<vmem>> -> memref<1x128xi32, #tpu.memory_space<vmem>>
        %dma_wait3A_169 = tpu.memref_squeeze %dma_wait3A_168 : memref<1x128xi32, #tpu.memory_space<vmem>> -> memref<128xi32, #tpu.memory_space<vmem>>
        %dma_wait3A_170 = arith.constant 0 : i32
        %dma_wait3A_171 = arith.constant 0 : i32
        %dma_wait3A_172 = tpu.memref_slice %arg10[%dma_wait3A_170, %dma_wait3A_171] : memref<10240x128xf32, #tpu.memory_space<vmem_shared>> -> memref<10240x128xf32, #tpu.memory_space<vmem_shared>>
        tpu.wait_indirect_dma semaphore(%run_scoped3A_160 : memref<!tpu.dma_semaphore, #tpu.memory_space<semaphore_mem>>) src(%arg8 : memref<128x128xf32, #tpu.memory_space<vmem>>) dst(%dma_wait3A_172 : memref<10240x128xf32, #tpu.memory_space<vmem_shared>>)
        tpu.yield
      }) : () -> ()
      %dma_start3A_122 = arith.constant 6 : i32
      %dma_start3A_123 = arith.constant 0 : i32
      %dma_start3A_124 = tpu.memref_slice %arg6[%dma_start3A_122, %dma_start3A_123] : memref<8x128xi32, #tpu.memory_space<vmem>> -> memref<1x128xi32, #tpu.memory_space<vmem>>
      %dma_start3A_125 = tpu.memref_squeeze %dma_start3A_124 : memref<1x128xi32, #tpu.memory_space<vmem>> -> memref<128xi32, #tpu.memory_space<vmem>>
      %dma_start3A_126 = arith.constant 0 : i32
      %dma_start3A_127 = arith.constant 0 : i32
      %dma_start3A_128 = tpu.memref_slice %arg2[%dma_start3A_126, %dma_start3A_127] : memref<10240x128xf32, #tpu.memory_space<hbm>> -> memref<10240x128xf32, #tpu.memory_space<hbm>>
      tpu.enqueue_indirect_dma source(%dma_start3A_128 : memref<10240x128xf32, #tpu.memory_space<hbm>>) target(%arg8 : memref<128x128xf32, #tpu.memory_space<vmem>>) offsets(%dma_start3A_125 : memref<128xi32, #tpu.memory_space<vmem>>) semaphore(%arg11 : memref<!tpu.dma_semaphore, #tpu.memory_space<semaphore_mem>>)
      %dma_wait3A_129 = arith.constant 5 : i32
      %dma_wait3A_130 = arith.constant 0 : i32
      %dma_wait3A_131 = tpu.memref_slice %arg6[%dma_wait3A_129, %dma_wait3A_130] : memref<8x128xi32, #tpu.memory_space<vmem>> -> memref<1x128xi32, #tpu.memory_space<vmem>>
      %dma_wait3A_132 = tpu.memref_squeeze %dma_wait3A_131 : memref<1x128xi32, #tpu.memory_space<vmem>> -> memref<128xi32, #tpu.memory_space<vmem>>
      %dma_wait3A_133 = arith.constant 0 : i32
      %dma_wait3A_134 = arith.constant 0 : i32
      %dma_wait3A_135 = tpu.memref_slice %arg2[%dma_wait3A_133, %dma_wait3A_134] : memref<10240x128xf32, #tpu.memory_space<hbm>> -> memref<10240x128xf32, #tpu.memory_space<hbm>>
      tpu.wait_indirect_dma semaphore(%arg12 : memref<!tpu.dma_semaphore, #tpu.memory_space<semaphore_mem>>) src(%dma_wait3A_135 : memref<10240x128xf32, #tpu.memory_space<hbm>>) dst(%arg9 : memref<128x128xf32, #tpu.memory_space<vmem>>)
      %run_scoped3A_136 = arith.constant 5 : i32
      "tpu.region"() ({
        %run_scoped3A_160 = tpu.sem_alloc : memref<!tpu.dma_semaphore, #tpu.memory_space<semaphore_mem>>
        %dma_start3A_161 = arith.constant 0 : i32
        %dma_start3A_162 = tpu.memref_slice %arg7[%run_scoped3A_136, %dma_start3A_161] : memref<8x128xi32, #tpu.memory_space<vmem>> -> memref<1x128xi32, #tpu.memory_space<vmem>>
        %dma_start3A_163 = tpu.memref_squeeze %dma_start3A_162 : memref<1x128xi32, #tpu.memory_space<vmem>> -> memref<128xi32, #tpu.memory_space<vmem>>
        %dma_start3A_164 = arith.constant 0 : i32
        %dma_start3A_165 = arith.constant 0 : i32
        %dma_start3A_166 = tpu.memref_slice %arg10[%dma_start3A_164, %dma_start3A_165] : memref<10240x128xf32, #tpu.memory_space<vmem_shared>> -> memref<10240x128xf32, #tpu.memory_space<vmem_shared>>
        tpu.enqueue_indirect_dma source(%arg9 : memref<128x128xf32, #tpu.memory_space<vmem>>) target(%dma_start3A_166 : memref<10240x128xf32, #tpu.memory_space<vmem_shared>>) offsets(%dma_start3A_163 : memref<128xi32, #tpu.memory_space<vmem>>) semaphore(%run_scoped3A_160 : memref<!tpu.dma_semaphore, #tpu.memory_space<semaphore_mem>>) {add = true}
        %dma_wait3A_167 = arith.constant 0 : i32
        %dma_wait3A_168 = tpu.memref_slice %arg7[%run_scoped3A_136, %dma_wait3A_167] : memref<8x128xi32, #tpu.memory_space<vmem>> -> memref<1x128xi32, #tpu.memory_space<vmem>>
        %dma_wait3A_169 = tpu.memref_squeeze %dma_wait3A_168 : memref<1x128xi32, #tpu.memory_space<vmem>> -> memref<128xi32, #tpu.memory_space<vmem>>
        %dma_wait3A_170 = arith.constant 0 : i32
        %dma_wait3A_171 = arith.constant 0 : i32
        %dma_wait3A_172 = tpu.memref_slice %arg10[%dma_wait3A_170, %dma_wait3A_171] : memref<10240x128xf32, #tpu.memory_space<vmem_shared>> -> memref<10240x128xf32, #tpu.memory_space<vmem_shared>>
        tpu.wait_indirect_dma semaphore(%run_scoped3A_160 : memref<!tpu.dma_semaphore, #tpu.memory_space<semaphore_mem>>) src(%arg9 : memref<128x128xf32, #tpu.memory_space<vmem>>) dst(%dma_wait3A_172 : memref<10240x128xf32, #tpu.memory_space<vmem_shared>>)
        tpu.yield
      }) : () -> ()
      %dma_start3A_137 = arith.constant 7 : i32
      %dma_start3A_138 = arith.constant 0 : i32
      %dma_start3A_139 = tpu.memref_slice %arg6[%dma_start3A_137, %dma_start3A_138] : memref<8x128xi32, #tpu.memory_space<vmem>> -> memref<1x128xi32, #tpu.memory_space<vmem>>
      %dma_start3A_140 = tpu.memref_squeeze %dma_start3A_139 : memref<1x128xi32, #tpu.memory_space<vmem>> -> memref<128xi32, #tpu.memory_space<vmem>>
      %dma_start3A_141 = arith.constant 0 : i32
      %dma_start3A_142 = arith.constant 0 : i32
      %dma_start3A_143 = tpu.memref_slice %arg2[%dma_start3A_141, %dma_start3A_142] : memref<10240x128xf32, #tpu.memory_space<hbm>> -> memref<10240x128xf32, #tpu.memory_space<hbm>>
      tpu.enqueue_indirect_dma source(%dma_start3A_143 : memref<10240x128xf32, #tpu.memory_space<hbm>>) target(%arg9 : memref<128x128xf32, #tpu.memory_space<vmem>>) offsets(%dma_start3A_140 : memref<128xi32, #tpu.memory_space<vmem>>) semaphore(%arg12 : memref<!tpu.dma_semaphore, #tpu.memory_space<semaphore_mem>>)
      %dma_wait3A_144 = arith.constant 6 : i32
      %dma_wait3A_145 = arith.constant 0 : i32
      %dma_wait3A_146 = tpu.memref_slice %arg6[%dma_wait3A_144, %dma_wait3A_145] : memref<8x128xi32, #tpu.memory_space<vmem>> -> memref<1x128xi32, #tpu.memory_space<vmem>>
      %dma_wait3A_147 = tpu.memref_squeeze %dma_wait3A_146 : memref<1x128xi32, #tpu.memory_space<vmem>> -> memref<128xi32, #tpu.memory_space<vmem>>
      %dma_wait3A_148 = arith.constant 0 : i32
      %dma_wait3A_149 = arith.constant 0 : i32
      %dma_wait3A_150 = tpu.memref_slice %arg2[%dma_wait3A_148, %dma_wait3A_149] : memref<10240x128xf32, #tpu.memory_space<hbm>> -> memref<10240x128xf32, #tpu.memory_space<hbm>>
      tpu.wait_indirect_dma semaphore(%arg11 : memref<!tpu.dma_semaphore, #tpu.memory_space<semaphore_mem>>) src(%dma_wait3A_150 : memref<10240x128xf32, #tpu.memory_space<hbm>>) dst(%arg8 : memref<128x128xf32, #tpu.memory_space<vmem>>)
      %run_scoped3A_151 = arith.constant 6 : i32
      "tpu.region"() ({
        %run_scoped3A_160 = tpu.sem_alloc : memref<!tpu.dma_semaphore, #tpu.memory_space<semaphore_mem>>
        %dma_start3A_161 = arith.constant 0 : i32
        %dma_start3A_162 = tpu.memref_slice %arg7[%run_scoped3A_151, %dma_start3A_161] : memref<8x128xi32, #tpu.memory_space<vmem>> -> memref<1x128xi32, #tpu.memory_space<vmem>>
        %dma_start3A_163 = tpu.memref_squeeze %dma_start3A_162 : memref<1x128xi32, #tpu.memory_space<vmem>> -> memref<128xi32, #tpu.memory_space<vmem>>
        %dma_start3A_164 = arith.constant 0 : i32
        %dma_start3A_165 = arith.constant 0 : i32
        %dma_start3A_166 = tpu.memref_slice %arg10[%dma_start3A_164, %dma_start3A_165] : memref<10240x128xf32, #tpu.memory_space<vmem_shared>> -> memref<10240x128xf32, #tpu.memory_space<vmem_shared>>
        tpu.enqueue_indirect_dma source(%arg8 : memref<128x128xf32, #tpu.memory_space<vmem>>) target(%dma_start3A_166 : memref<10240x128xf32, #tpu.memory_space<vmem_shared>>) offsets(%dma_start3A_163 : memref<128xi32, #tpu.memory_space<vmem>>) semaphore(%run_scoped3A_160 : memref<!tpu.dma_semaphore, #tpu.memory_space<semaphore_mem>>) {add = true}
        %dma_wait3A_167 = arith.constant 0 : i32
        %dma_wait3A_168 = tpu.memref_slice %arg7[%run_scoped3A_151, %dma_wait3A_167] : memref<8x128xi32, #tpu.memory_space<vmem>> -> memref<1x128xi32, #tpu.memory_space<vmem>>
        %dma_wait3A_169 = tpu.memref_squeeze %dma_wait3A_168 : memref<1x128xi32, #tpu.memory_space<vmem>> -> memref<128xi32, #tpu.memory_space<vmem>>
        %dma_wait3A_170 = arith.constant 0 : i32
        %dma_wait3A_171 = arith.constant 0 : i32
        %dma_wait3A_172 = tpu.memref_slice %arg10[%dma_wait3A_170, %dma_wait3A_171] : memref<10240x128xf32, #tpu.memory_space<vmem_shared>> -> memref<10240x128xf32, #tpu.memory_space<vmem_shared>>
        tpu.wait_indirect_dma semaphore(%run_scoped3A_160 : memref<!tpu.dma_semaphore, #tpu.memory_space<semaphore_mem>>) src(%arg8 : memref<128x128xf32, #tpu.memory_space<vmem>>) dst(%dma_wait3A_172 : memref<10240x128xf32, #tpu.memory_space<vmem_shared>>)
        tpu.yield
      }) : () -> ()
      %dma_wait3A_152 = arith.constant 7 : i32
      %dma_wait3A_153 = arith.constant 0 : i32
      %dma_wait3A_154 = tpu.memref_slice %arg6[%dma_wait3A_152, %dma_wait3A_153] : memref<8x128xi32, #tpu.memory_space<vmem>> -> memref<1x128xi32, #tpu.memory_space<vmem>>
      %dma_wait3A_155 = tpu.memref_squeeze %dma_wait3A_154 : memref<1x128xi32, #tpu.memory_space<vmem>> -> memref<128xi32, #tpu.memory_space<vmem>>
      %dma_wait3A_156 = arith.constant 0 : i32
      %dma_wait3A_157 = arith.constant 0 : i32
      %dma_wait3A_158 = tpu.memref_slice %arg2[%dma_wait3A_156, %dma_wait3A_157] : memref<10240x128xf32, #tpu.memory_space<hbm>> -> memref<10240x128xf32, #tpu.memory_space<hbm>>
      tpu.wait_indirect_dma semaphore(%arg12 : memref<!tpu.dma_semaphore, #tpu.memory_space<semaphore_mem>>) src(%dma_wait3A_158 : memref<10240x128xf32, #tpu.memory_space<hbm>>) dst(%arg9 : memref<128x128xf32, #tpu.memory_space<vmem>>)
      %run_scoped3A_159 = arith.constant 7 : i32
      "tpu.region"() ({
        %run_scoped3A_160 = tpu.sem_alloc : memref<!tpu.dma_semaphore, #tpu.memory_space<semaphore_mem>>
        %dma_start3A_161 = arith.constant 0 : i32
        %dma_start3A_162 = tpu.memref_slice %arg7[%run_scoped3A_159, %dma_start3A_161] : memref<8x128xi32, #tpu.memory_space<vmem>> -> memref<1x128xi32, #tpu.memory_space<vmem>>
        %dma_start3A_163 = tpu.memref_squeeze %dma_start3A_162 : memref<1x128xi32, #tpu.memory_space<vmem>> -> memref<128xi32, #tpu.memory_space<vmem>>
        %dma_start3A_164 = arith.constant 0 : i32
        %dma_start3A_165 = arith.constant 0 : i32
        %dma_start3A_166 = tpu.memref_slice %arg10[%dma_start3A_164, %dma_start3A_165] : memref<10240x128xf32, #tpu.memory_space<vmem_shared>> -> memref<10240x128xf32, #tpu.memory_space<vmem_shared>>
        tpu.enqueue_indirect_dma source(%arg9 : memref<128x128xf32, #tpu.memory_space<vmem>>) target(%dma_start3A_166 : memref<10240x128xf32, #tpu.memory_space<vmem_shared>>) offsets(%dma_start3A_163 : memref<128xi32, #tpu.memory_space<vmem>>) semaphore(%run_scoped3A_160 : memref<!tpu.dma_semaphore, #tpu.memory_space<semaphore_mem>>) {add = true}
        %dma_wait3A_167 = arith.constant 0 : i32
        %dma_wait3A_168 = tpu.memref_slice %arg7[%run_scoped3A_159, %dma_wait3A_167] : memref<8x128xi32, #tpu.memory_space<vmem>> -> memref<1x128xi32, #tpu.memory_space<vmem>>
        %dma_wait3A_169 = tpu.memref_squeeze %dma_wait3A_168 : memref<1x128xi32, #tpu.memory_space<vmem>> -> memref<128xi32, #tpu.memory_space<vmem>>
        %dma_wait3A_170 = arith.constant 0 : i32
        %dma_wait3A_171 = arith.constant 0 : i32
        %dma_wait3A_172 = tpu.memref_slice %arg10[%dma_wait3A_170, %dma_wait3A_171] : memref<10240x128xf32, #tpu.memory_space<vmem_shared>> -> memref<10240x128xf32, #tpu.memory_space<vmem_shared>>
        tpu.wait_indirect_dma semaphore(%run_scoped3A_160 : memref<!tpu.dma_semaphore, #tpu.memory_space<semaphore_mem>>) src(%arg9 : memref<128x128xf32, #tpu.memory_space<vmem>>) dst(%dma_wait3A_172 : memref<10240x128xf32, #tpu.memory_space<vmem_shared>>)
        tpu.yield
      }) : () -> ()
    }
    %scan3A_32 = arith.constant 10 : i32
    %barrier3A_33 = arith.constant 0 : index
    tpu.barrier barrier_id(%barrier3A_33)
    %mul3A_34 = arith.constant 640 : i32
    %mul3A_35 = arith.muli %arg1, %mul3A_34 : i32
    %mul3A_36 = arith.constant 640 : i32
    %mul3A_37 = arith.muli %arg1, %mul3A_36 : i32
    "tpu.region"() ({
      %run_scoped3A = tpu.sem_alloc : memref<!tpu.dma_semaphore, #tpu.memory_space<semaphore_mem>>
      %dma_start3A = arith.constant 0 : i32
      %dma_start3A_38 = tpu.memref_slice %arg5[%arg0, %mul3A_37, %dma_start3A] : memref<2x10240x128xf32, #tpu.memory_space<hbm>> -> memref<1x640x128xf32, #tpu.memory_space<hbm>>
      %dma_start3A_39 = tpu.memref_squeeze %dma_start3A_38 : memref<1x640x128xf32, #tpu.memory_space<hbm>> -> memref<640x128xf32, #tpu.memory_space<hbm>>
      %dma_start3A_40 = arith.constant 0 : i32
      %dma_start3A_41 = tpu.memref_slice %arg10[%mul3A_35, %dma_start3A_40] : memref<10240x128xf32, #tpu.memory_space<vmem_shared>> -> memref<640x128xf32, #tpu.memory_space<vmem_shared>>
      tpu.enqueue_dma source(%dma_start3A_41 : memref<640x128xf32, #tpu.memory_space<vmem_shared>>) target(%dma_start3A_39 : memref<640x128xf32, #tpu.memory_space<hbm>>) target_semaphore(%run_scoped3A : memref<!tpu.dma_semaphore, #tpu.memory_space<semaphore_mem>>)
      %dma_wait3A = arith.constant 0 : i32
      %dma_wait3A_42 = tpu.memref_slice %arg5[%arg0, %mul3A_37, %dma_wait3A] : memref<2x10240x128xf32, #tpu.memory_space<hbm>> -> memref<1x640x128xf32, #tpu.memory_space<hbm>>
      %dma_wait3A_43 = tpu.memref_squeeze %dma_wait3A_42 : memref<1x640x128xf32, #tpu.memory_space<hbm>> -> memref<640x128xf32, #tpu.memory_space<hbm>>
      %dma_wait3A_44 = arith.constant 0 : i32
      %dma_wait3A_45 = tpu.memref_slice %arg10[%mul3A_35, %dma_wait3A_44] : memref<10240x128xf32, #tpu.memory_space<vmem_shared>> -> memref<640x128xf32, #tpu.memory_space<vmem_shared>>
      tpu.wait_dma2 semaphore(%run_scoped3A : memref<!tpu.dma_semaphore, #tpu.memory_space<semaphore_mem>>) src(%dma_wait3A_45 : memref<640x128xf32, #tpu.memory_space<vmem_shared>>) dst(%dma_wait3A_43 : memref<640x128xf32, #tpu.memory_space<hbm>>)
      tpu.yield
    }) : () -> ()
    return
  }
}

#map = affine_map<(d0, d1) -> (0, 0)>
#map1 = affine_map<(d0, d1) -> (0, 0, 0)>
module attributes {stable_mosaic.version = 14 : i64} {
  func.func @_sc_pool(%arg0: i32, %arg1: i32, %arg2: memref<10240x128xf32, #tpu.memory_space<hbm>>, %arg3: memref<32x5x64xi32, #tpu.memory_space<hbm>>, %arg4: memref<2x768x128xf32, #tpu.memory_space<hbm>>, %arg5: memref<2x768x128xf32, #tpu.memory_space<hbm>>, %arg6: memref<320x128xf32, #tpu.memory_space<vmem>>, %arg7: memref<5x64xi32, #tpu.memory_space<vmem>>, %arg8: memref<64x128xf32, #tpu.memory_space<vmem>>, %arg9: memref<768x128xf32, #tpu.memory_space<vmem_shared>>, %arg10: memref<768x128xf32, #tpu.memory_space<vmem_shared>>) attributes {dimension_semantics = [#tpu.dimension_semantics<core_parallel>, #tpu.dimension_semantics<subcore_parallel>], iteration_bounds = array<i64: 2, 16>, scalar_prefetch = 0 : i64, scratch_operands = 5 : i64, tpu.core_type = #tpu.core_type<sc_vector_subcore>, window_params = [{transform_indices = #map}, {transform_indices = #map1}, {transform_indices = #map1}, {transform_indices = #map1}]} {
    %mul3A = arith.constant 16 : i32
    %mul3A_0 = arith.muli %arg0, %mul3A : i32
    %add3A = arith.addi %mul3A_0, %arg1 : i32
    %broadcast_in_dim3A = arith.constant 0.000000e+00 : f32
    %broadcast_in_dim3A_1 = vector.broadcast %broadcast_in_dim3A : f32 to vector<16xf32>
    %scan3A = arith.constant 0 : i32
    %scan3A_2 = arith.constant 0 : i32
    %scan3A_3 = arith.constant 64 : i32
    %scan3A_4 = arith.addi %scan3A_2, %scan3A_3 : i32
    %scan3A_5 = arith.constant 1 : i32
    scf.for %scan3A_36 = %scan3A_2 to %scan3A_4 step %scan3A_5  : i32 {
      %swap3A = arith.index_cast %scan3A_36 : i32 to index
      %swap3A_37 = arith.constant 0 : index
      %swap3A_38 = tpu.vector_load %arg8[%swap3A, %swap3A_37] {strides = array<i32>} : memref<64x128xf32, #tpu.memory_space<vmem>>, vector<1x16xf32>,
      %swap3A_39 = vector.shape_cast %swap3A_38 : vector<1x16xf32> to vector<16xf32>
      %swap3A_40 = vector.shape_cast %broadcast_in_dim3A_1 : vector<16xf32> to vector<1x16xf32>
      tpu.vector_store %arg8[%swap3A, %swap3A_37], %swap3A_40 {strides = array<i32>} : memref<64x128xf32, #tpu.memory_space<vmem>>, vector<1x16xf32>,
      %swap3A_41 = arith.index_cast %scan3A_36 : i32 to index
      %swap3A_42 = arith.constant 16 : index
      %swap3A_43 = tpu.vector_load %arg8[%swap3A_41, %swap3A_42] {strides = array<i32>} : memref<64x128xf32, #tpu.memory_space<vmem>>, vector<1x16xf32>,
      %swap3A_44 = vector.shape_cast %swap3A_43 : vector<1x16xf32> to vector<16xf32>
      %swap3A_45 = vector.shape_cast %broadcast_in_dim3A_1 : vector<16xf32> to vector<1x16xf32>
      tpu.vector_store %arg8[%swap3A_41, %swap3A_42], %swap3A_45 {strides = array<i32>} : memref<64x128xf32, #tpu.memory_space<vmem>>, vector<1x16xf32>,
      %swap3A_46 = arith.index_cast %scan3A_36 : i32 to index
      %swap3A_47 = arith.constant 32 : index
      %swap3A_48 = tpu.vector_load %arg8[%swap3A_46, %swap3A_47] {strides = array<i32>} : memref<64x128xf32, #tpu.memory_space<vmem>>, vector<1x16xf32>,
      %swap3A_49 = vector.shape_cast %swap3A_48 : vector<1x16xf32> to vector<16xf32>
      %swap3A_50 = vector.shape_cast %broadcast_in_dim3A_1 : vector<16xf32> to vector<1x16xf32>
      tpu.vector_store %arg8[%swap3A_46, %swap3A_47], %swap3A_50 {strides = array<i32>} : memref<64x128xf32, #tpu.memory_space<vmem>>, vector<1x16xf32>,
      %swap3A_51 = arith.index_cast %scan3A_36 : i32 to index
      %swap3A_52 = arith.constant 48 : index
      %swap3A_53 = tpu.vector_load %arg8[%swap3A_51, %swap3A_52] {strides = array<i32>} : memref<64x128xf32, #tpu.memory_space<vmem>>, vector<1x16xf32>,
      %swap3A_54 = vector.shape_cast %swap3A_53 : vector<1x16xf32> to vector<16xf32>
      %swap3A_55 = vector.shape_cast %broadcast_in_dim3A_1 : vector<16xf32> to vector<1x16xf32>
      tpu.vector_store %arg8[%swap3A_51, %swap3A_52], %swap3A_55 {strides = array<i32>} : memref<64x128xf32, #tpu.memory_space<vmem>>, vector<1x16xf32>,
      %swap3A_56 = arith.index_cast %scan3A_36 : i32 to index
      %swap3A_57 = arith.constant 64 : index
      %swap3A_58 = tpu.vector_load %arg8[%swap3A_56, %swap3A_57] {strides = array<i32>} : memref<64x128xf32, #tpu.memory_space<vmem>>, vector<1x16xf32>,
      %swap3A_59 = vector.shape_cast %swap3A_58 : vector<1x16xf32> to vector<16xf32>
      %swap3A_60 = vector.shape_cast %broadcast_in_dim3A_1 : vector<16xf32> to vector<1x16xf32>
      tpu.vector_store %arg8[%swap3A_56, %swap3A_57], %swap3A_60 {strides = array<i32>} : memref<64x128xf32, #tpu.memory_space<vmem>>, vector<1x16xf32>,
      %swap3A_61 = arith.index_cast %scan3A_36 : i32 to index
      %swap3A_62 = arith.constant 80 : index
      %swap3A_63 = tpu.vector_load %arg8[%swap3A_61, %swap3A_62] {strides = array<i32>} : memref<64x128xf32, #tpu.memory_space<vmem>>, vector<1x16xf32>,
      %swap3A_64 = vector.shape_cast %swap3A_63 : vector<1x16xf32> to vector<16xf32>
      %swap3A_65 = vector.shape_cast %broadcast_in_dim3A_1 : vector<16xf32> to vector<1x16xf32>
      tpu.vector_store %arg8[%swap3A_61, %swap3A_62], %swap3A_65 {strides = array<i32>} : memref<64x128xf32, #tpu.memory_space<vmem>>, vector<1x16xf32>,
      %swap3A_66 = arith.index_cast %scan3A_36 : i32 to index
      %swap3A_67 = arith.constant 96 : index
      %swap3A_68 = tpu.vector_load %arg8[%swap3A_66, %swap3A_67] {strides = array<i32>} : memref<64x128xf32, #tpu.memory_space<vmem>>, vector<1x16xf32>,
      %swap3A_69 = vector.shape_cast %swap3A_68 : vector<1x16xf32> to vector<16xf32>
      %swap3A_70 = vector.shape_cast %broadcast_in_dim3A_1 : vector<16xf32> to vector<1x16xf32>
      tpu.vector_store %arg8[%swap3A_66, %swap3A_67], %swap3A_70 {strides = array<i32>} : memref<64x128xf32, #tpu.memory_space<vmem>>, vector<1x16xf32>,
      %swap3A_71 = arith.index_cast %scan3A_36 : i32 to index
      %swap3A_72 = arith.constant 112 : index
      %swap3A_73 = tpu.vector_load %arg8[%swap3A_71, %swap3A_72] {strides = array<i32>} : memref<64x128xf32, #tpu.memory_space<vmem>>, vector<1x16xf32>,
      %swap3A_74 = vector.shape_cast %swap3A_73 : vector<1x16xf32> to vector<16xf32>
      %swap3A_75 = vector.shape_cast %broadcast_in_dim3A_1 : vector<16xf32> to vector<1x16xf32>
      tpu.vector_store %arg8[%swap3A_71, %swap3A_72], %swap3A_75 {strides = array<i32>} : memref<64x128xf32, #tpu.memory_space<vmem>>, vector<1x16xf32>,
    }
    %scan3A_6 = arith.constant 64 : i32
    %mul3A_7 = arith.constant 48 : i32
    %mul3A_8 = arith.muli %arg1, %mul3A_7 : i32
    "tpu.region"() ({
      %run_scoped3A = tpu.sem_alloc : memref<!tpu.dma_semaphore, #tpu.memory_space<semaphore_mem>>
      %dma_start3A = arith.constant 0 : i32
      %dma_start3A_36 = arith.constant 0 : i32
      %dma_start3A_37 = tpu.memref_slice %arg8[%dma_start3A, %dma_start3A_36] : memref<64x128xf32, #tpu.memory_space<vmem>> -> memref<48x128xf32, #tpu.memory_space<vmem>>
      %dma_start3A_38 = arith.constant 0 : i32
      %dma_start3A_39 = tpu.memref_slice %arg9[%mul3A_8, %dma_start3A_38] : memref<768x128xf32, #tpu.memory_space<vmem_shared>> -> memref<48x128xf32, #tpu.memory_space<vmem_shared>>
      %dma_start3A_40 = arith.constant 0 : i32
      %dma_start3A_41 = tpu.memref_slice %arg9[%mul3A_8, %dma_start3A_40] : memref<768x128xf32, #tpu.memory_space<vmem_shared>> -> memref<48x128xf32, #tpu.memory_space<vmem_shared>>
      %dma_start3A_42 = arith.constant 0 : i32
      %dma_start3A_43 = arith.constant 0 : i32
      %dma_start3A_44 = tpu.memref_slice %arg8[%dma_start3A_42, %dma_start3A_43] : memref<64x128xf32, #tpu.memory_space<vmem>> -> memref<48x128xf32, #tpu.memory_space<vmem>>
      tpu.enqueue_dma source(%dma_start3A_44 : memref<48x128xf32, #tpu.memory_space<vmem>>) target(%dma_start3A_41 : memref<48x128xf32, #tpu.memory_space<vmem_shared>>) target_semaphore(%run_scoped3A : memref<!tpu.dma_semaphore, #tpu.memory_space<semaphore_mem>>)
      %dma_wait3A = arith.constant 0 : i32
      %dma_wait3A_45 = arith.constant 0 : i32
      %dma_wait3A_46 = tpu.memref_slice %arg8[%dma_wait3A, %dma_wait3A_45] : memref<64x128xf32, #tpu.memory_space<vmem>> -> memref<48x128xf32, #tpu.memory_space<vmem>>
      %dma_wait3A_47 = arith.constant 0 : i32
      %dma_wait3A_48 = tpu.memref_slice %arg9[%mul3A_8, %dma_wait3A_47] : memref<768x128xf32, #tpu.memory_space<vmem_shared>> -> memref<48x128xf32, #tpu.memory_space<vmem_shared>>
      %dma_wait3A_49 = arith.constant 0 : i32
      %dma_wait3A_50 = tpu.memref_slice %arg9[%mul3A_8, %dma_wait3A_49] : memref<768x128xf32, #tpu.memory_space<vmem_shared>> -> memref<48x128xf32, #tpu.memory_space<vmem_shared>>
      %dma_wait3A_51 = arith.constant 0 : i32
      %dma_wait3A_52 = arith.constant 0 : i32
      %dma_wait3A_53 = tpu.memref_slice %arg8[%dma_wait3A_51, %dma_wait3A_52] : memref<64x128xf32, #tpu.memory_space<vmem>> -> memref<48x128xf32, #tpu.memory_space<vmem>>
      tpu.wait_dma2 semaphore(%run_scoped3A : memref<!tpu.dma_semaphore, #tpu.memory_space<semaphore_mem>>) src(%dma_wait3A_53 : memref<48x128xf32, #tpu.memory_space<vmem>>) dst(%dma_wait3A_50 : memref<48x128xf32, #tpu.memory_space<vmem_shared>>)
      tpu.yield
    }) : () -> ()
    %mul3A_9 = arith.constant 48 : i32
    %mul3A_10 = arith.muli %arg1, %mul3A_9 : i32
    "tpu.region"() ({
      %run_scoped3A = tpu.sem_alloc : memref<!tpu.dma_semaphore, #tpu.memory_space<semaphore_mem>>
      %dma_start3A = arith.constant 0 : i32
      %dma_start3A_36 = arith.constant 0 : i32
      %dma_start3A_37 = tpu.memref_slice %arg8[%dma_start3A, %dma_start3A_36] : memref<64x128xf32, #tpu.memory_space<vmem>> -> memref<48x128xf32, #tpu.memory_space<vmem>>
      %dma_start3A_38 = arith.constant 0 : i32
      %dma_start3A_39 = tpu.memref_slice %arg10[%mul3A_10, %dma_start3A_38] : memref<768x128xf32, #tpu.memory_space<vmem_shared>> -> memref<48x128xf32, #tpu.memory_space<vmem_shared>>
      %dma_start3A_40 = arith.constant 0 : i32
      %dma_start3A_41 = tpu.memref_slice %arg10[%mul3A_10, %dma_start3A_40] : memref<768x128xf32, #tpu.memory_space<vmem_shared>> -> memref<48x128xf32, #tpu.memory_space<vmem_shared>>
      %dma_start3A_42 = arith.constant 0 : i32
      %dma_start3A_43 = arith.constant 0 : i32
      %dma_start3A_44 = tpu.memref_slice %arg8[%dma_start3A_42, %dma_start3A_43] : memref<64x128xf32, #tpu.memory_space<vmem>> -> memref<48x128xf32, #tpu.memory_space<vmem>>
      tpu.enqueue_dma source(%dma_start3A_44 : memref<48x128xf32, #tpu.memory_space<vmem>>) target(%dma_start3A_41 : memref<48x128xf32, #tpu.memory_space<vmem_shared>>) target_semaphore(%run_scoped3A : memref<!tpu.dma_semaphore, #tpu.memory_space<semaphore_mem>>)
      %dma_wait3A = arith.constant 0 : i32
      %dma_wait3A_45 = arith.constant 0 : i32
      %dma_wait3A_46 = tpu.memref_slice %arg8[%dma_wait3A, %dma_wait3A_45] : memref<64x128xf32, #tpu.memory_space<vmem>> -> memref<48x128xf32, #tpu.memory_space<vmem>>
      %dma_wait3A_47 = arith.constant 0 : i32
      %dma_wait3A_48 = tpu.memref_slice %arg10[%mul3A_10, %dma_wait3A_47] : memref<768x128xf32, #tpu.memory_space<vmem_shared>> -> memref<48x128xf32, #tpu.memory_space<vmem_shared>>
      %dma_wait3A_49 = arith.constant 0 : i32
      %dma_wait3A_50 = tpu.memref_slice %arg10[%mul3A_10, %dma_wait3A_49] : memref<768x128xf32, #tpu.memory_space<vmem_shared>> -> memref<48x128xf32, #tpu.memory_space<vmem_shared>>
      %dma_wait3A_51 = arith.constant 0 : i32
      %dma_wait3A_52 = arith.constant 0 : i32
      %dma_wait3A_53 = tpu.memref_slice %arg8[%dma_wait3A_51, %dma_wait3A_52] : memref<64x128xf32, #tpu.memory_space<vmem>> -> memref<48x128xf32, #tpu.memory_space<vmem>>
      tpu.wait_dma2 semaphore(%run_scoped3A : memref<!tpu.dma_semaphore, #tpu.memory_space<semaphore_mem>>) src(%dma_wait3A_53 : memref<48x128xf32, #tpu.memory_space<vmem>>) dst(%dma_wait3A_50 : memref<48x128xf32, #tpu.memory_space<vmem_shared>>)
      tpu.yield
    }) : () -> ()
    %broadcast_in_dim3A_11 = arith.constant 1.000000e+00 : f32
    %broadcast_in_dim3A_12 = vector.broadcast %broadcast_in_dim3A_11 : f32 to vector<16xf32>
    %scan3A_13 = arith.constant 0 : i32
    %scan3A_14 = arith.constant 0 : i32
    %scan3A_15 = arith.constant 64 : i32
    %scan3A_16 = arith.addi %scan3A_14, %scan3A_15 : i32
    %scan3A_17 = arith.constant 1 : i32
    scf.for %scan3A_36 = %scan3A_14 to %scan3A_16 step %scan3A_17  : i32 {
      %swap3A = arith.index_cast %scan3A_36 : i32 to index
      %swap3A_37 = arith.constant 0 : index
      %swap3A_38 = tpu.vector_load %arg8[%swap3A, %swap3A_37] {strides = array<i32>} : memref<64x128xf32, #tpu.memory_space<vmem>>, vector<1x16xf32>,
      %swap3A_39 = vector.shape_cast %swap3A_38 : vector<1x16xf32> to vector<16xf32>
      %swap3A_40 = vector.shape_cast %broadcast_in_dim3A_12 : vector<16xf32> to vector<1x16xf32>
      tpu.vector_store %arg8[%swap3A, %swap3A_37], %swap3A_40 {strides = array<i32>} : memref<64x128xf32, #tpu.memory_space<vmem>>, vector<1x16xf32>,
      %swap3A_41 = arith.index_cast %scan3A_36 : i32 to index
      %swap3A_42 = arith.constant 16 : index
      %swap3A_43 = tpu.vector_load %arg8[%swap3A_41, %swap3A_42] {strides = array<i32>} : memref<64x128xf32, #tpu.memory_space<vmem>>, vector<1x16xf32>,
      %swap3A_44 = vector.shape_cast %swap3A_43 : vector<1x16xf32> to vector<16xf32>
      %swap3A_45 = vector.shape_cast %broadcast_in_dim3A_12 : vector<16xf32> to vector<1x16xf32>
      tpu.vector_store %arg8[%swap3A_41, %swap3A_42], %swap3A_45 {strides = array<i32>} : memref<64x128xf32, #tpu.memory_space<vmem>>, vector<1x16xf32>,
      %swap3A_46 = arith.index_cast %scan3A_36 : i32 to index
      %swap3A_47 = arith.constant 32 : index
      %swap3A_48 = tpu.vector_load %arg8[%swap3A_46, %swap3A_47] {strides = array<i32>} : memref<64x128xf32, #tpu.memory_space<vmem>>, vector<1x16xf32>,
      %swap3A_49 = vector.shape_cast %swap3A_48 : vector<1x16xf32> to vector<16xf32>
      %swap3A_50 = vector.shape_cast %broadcast_in_dim3A_12 : vector<16xf32> to vector<1x16xf32>
      tpu.vector_store %arg8[%swap3A_46, %swap3A_47], %swap3A_50 {strides = array<i32>} : memref<64x128xf32, #tpu.memory_space<vmem>>, vector<1x16xf32>,
      %swap3A_51 = arith.index_cast %scan3A_36 : i32 to index
      %swap3A_52 = arith.constant 48 : index
      %swap3A_53 = tpu.vector_load %arg8[%swap3A_51, %swap3A_52] {strides = array<i32>} : memref<64x128xf32, #tpu.memory_space<vmem>>, vector<1x16xf32>,
      %swap3A_54 = vector.shape_cast %swap3A_53 : vector<1x16xf32> to vector<16xf32>
      %swap3A_55 = vector.shape_cast %broadcast_in_dim3A_12 : vector<16xf32> to vector<1x16xf32>
      tpu.vector_store %arg8[%swap3A_51, %swap3A_52], %swap3A_55 {strides = array<i32>} : memref<64x128xf32, #tpu.memory_space<vmem>>, vector<1x16xf32>,
      %swap3A_56 = arith.index_cast %scan3A_36 : i32 to index
      %swap3A_57 = arith.constant 64 : index
      %swap3A_58 = tpu.vector_load %arg8[%swap3A_56, %swap3A_57] {strides = array<i32>} : memref<64x128xf32, #tpu.memory_space<vmem>>, vector<1x16xf32>,
      %swap3A_59 = vector.shape_cast %swap3A_58 : vector<1x16xf32> to vector<16xf32>
      %swap3A_60 = vector.shape_cast %broadcast_in_dim3A_12 : vector<16xf32> to vector<1x16xf32>
      tpu.vector_store %arg8[%swap3A_56, %swap3A_57], %swap3A_60 {strides = array<i32>} : memref<64x128xf32, #tpu.memory_space<vmem>>, vector<1x16xf32>,
      %swap3A_61 = arith.index_cast %scan3A_36 : i32 to index
      %swap3A_62 = arith.constant 80 : index
      %swap3A_63 = tpu.vector_load %arg8[%swap3A_61, %swap3A_62] {strides = array<i32>} : memref<64x128xf32, #tpu.memory_space<vmem>>, vector<1x16xf32>,
      %swap3A_64 = vector.shape_cast %swap3A_63 : vector<1x16xf32> to vector<16xf32>
      %swap3A_65 = vector.shape_cast %broadcast_in_dim3A_12 : vector<16xf32> to vector<1x16xf32>
      tpu.vector_store %arg8[%swap3A_61, %swap3A_62], %swap3A_65 {strides = array<i32>} : memref<64x128xf32, #tpu.memory_space<vmem>>, vector<1x16xf32>,
      %swap3A_66 = arith.index_cast %scan3A_36 : i32 to index
      %swap3A_67 = arith.constant 96 : index
      %swap3A_68 = tpu.vector_load %arg8[%swap3A_66, %swap3A_67] {strides = array<i32>} : memref<64x128xf32, #tpu.memory_space<vmem>>, vector<1x16xf32>,
      %swap3A_69 = vector.shape_cast %swap3A_68 : vector<1x16xf32> to vector<16xf32>
      %swap3A_70 = vector.shape_cast %broadcast_in_dim3A_12 : vector<16xf32> to vector<1x16xf32>
      tpu.vector_store %arg8[%swap3A_66, %swap3A_67], %swap3A_70 {strides = array<i32>} : memref<64x128xf32, #tpu.memory_space<vmem>>, vector<1x16xf32>,
      %swap3A_71 = arith.index_cast %scan3A_36 : i32 to index
      %swap3A_72 = arith.constant 112 : index
      %swap3A_73 = tpu.vector_load %arg8[%swap3A_71, %swap3A_72] {strides = array<i32>} : memref<64x128xf32, #tpu.memory_space<vmem>>, vector<1x16xf32>,
      %swap3A_74 = vector.shape_cast %swap3A_73 : vector<1x16xf32> to vector<16xf32>
      %swap3A_75 = vector.shape_cast %broadcast_in_dim3A_12 : vector<16xf32> to vector<1x16xf32>
      tpu.vector_store %arg8[%swap3A_71, %swap3A_72], %swap3A_75 {strides = array<i32>} : memref<64x128xf32, #tpu.memory_space<vmem>>, vector<1x16xf32>,
    }
    %scan3A_18 = arith.constant 64 : i32
    %barrier3A = arith.constant 0 : index
    tpu.barrier barrier_id(%barrier3A)
    %mul3A_19 = arith.constant 320 : i32
    %mul3A_20 = arith.muli %add3A, %mul3A_19 : i32
    "tpu.region"() ({
      %run_scoped3A = tpu.sem_alloc : memref<!tpu.dma_semaphore, #tpu.memory_space<semaphore_mem>>
      %dma_start3A = arith.constant 0 : i32
      %dma_start3A_36 = tpu.memref_slice %arg2[%mul3A_20, %dma_start3A] : memref<10240x128xf32, #tpu.memory_space<hbm>> -> memref<320x128xf32, #tpu.memory_space<hbm>>
      %dma_start3A_37 = arith.constant 0 : i32
      %dma_start3A_38 = tpu.memref_slice %arg2[%mul3A_20, %dma_start3A_37] : memref<10240x128xf32, #tpu.memory_space<hbm>> -> memref<320x128xf32, #tpu.memory_space<hbm>>
      tpu.enqueue_dma source(%dma_start3A_38 : memref<320x128xf32, #tpu.memory_space<hbm>>) target(%arg6 : memref<320x128xf32, #tpu.memory_space<vmem>>) target_semaphore(%run_scoped3A : memref<!tpu.dma_semaphore, #tpu.memory_space<semaphore_mem>>)
      %dma_wait3A = arith.constant 0 : i32
      %dma_wait3A_39 = tpu.memref_slice %arg2[%mul3A_20, %dma_wait3A] : memref<10240x128xf32, #tpu.memory_space<hbm>> -> memref<320x128xf32, #tpu.memory_space<hbm>>
      %dma_wait3A_40 = arith.constant 0 : i32
      %dma_wait3A_41 = tpu.memref_slice %arg2[%mul3A_20, %dma_wait3A_40] : memref<10240x128xf32, #tpu.memory_space<hbm>> -> memref<320x128xf32, #tpu.memory_space<hbm>>
      tpu.wait_dma2 semaphore(%run_scoped3A : memref<!tpu.dma_semaphore, #tpu.memory_space<semaphore_mem>>) src(%dma_wait3A_41 : memref<320x128xf32, #tpu.memory_space<hbm>>) dst(%arg6 : memref<320x128xf32, #tpu.memory_space<vmem>>)
      tpu.yield
    }) : () -> ()
    "tpu.region"() ({
      %run_scoped3A = tpu.sem_alloc : memref<!tpu.dma_semaphore, #tpu.memory_space<semaphore_mem>>
      %dma_start3A = arith.constant 0 : i32
      %dma_start3A_36 = arith.constant 0 : i32
      %dma_start3A_37 = tpu.memref_slice %arg3[%add3A, %dma_start3A, %dma_start3A_36] : memref<32x5x64xi32, #tpu.memory_space<hbm>> -> memref<1x5x64xi32, #tpu.memory_space<hbm>>
      %dma_start3A_38 = tpu.memref_squeeze %dma_start3A_37 : memref<1x5x64xi32, #tpu.memory_space<hbm>> -> memref<5x64xi32, #tpu.memory_space<hbm>>
      %dma_start3A_39 = arith.constant 0 : i32
      %dma_start3A_40 = arith.constant 0 : i32
      %dma_start3A_41 = tpu.memref_slice %arg3[%add3A, %dma_start3A_39, %dma_start3A_40] : memref<32x5x64xi32, #tpu.memory_space<hbm>> -> memref<1x5x64xi32, #tpu.memory_space<hbm>>
      %dma_start3A_42 = tpu.memref_squeeze %dma_start3A_41 : memref<1x5x64xi32, #tpu.memory_space<hbm>> -> memref<5x64xi32, #tpu.memory_space<hbm>>
      tpu.enqueue_dma source(%dma_start3A_42 : memref<5x64xi32, #tpu.memory_space<hbm>>) target(%arg7 : memref<5x64xi32, #tpu.memory_space<vmem>>) target_semaphore(%run_scoped3A : memref<!tpu.dma_semaphore, #tpu.memory_space<semaphore_mem>>)
      %dma_wait3A = arith.constant 0 : i32
      %dma_wait3A_43 = arith.constant 0 : i32
      %dma_wait3A_44 = tpu.memref_slice %arg3[%add3A, %dma_wait3A, %dma_wait3A_43] : memref<32x5x64xi32, #tpu.memory_space<hbm>> -> memref<1x5x64xi32, #tpu.memory_space<hbm>>
      %dma_wait3A_45 = tpu.memref_squeeze %dma_wait3A_44 : memref<1x5x64xi32, #tpu.memory_space<hbm>> -> memref<5x64xi32, #tpu.memory_space<hbm>>
      %dma_wait3A_46 = arith.constant 0 : i32
      %dma_wait3A_47 = arith.constant 0 : i32
      %dma_wait3A_48 = tpu.memref_slice %arg3[%add3A, %dma_wait3A_46, %dma_wait3A_47] : memref<32x5x64xi32, #tpu.memory_space<hbm>> -> memref<1x5x64xi32, #tpu.memory_space<hbm>>
      %dma_wait3A_49 = tpu.memref_squeeze %dma_wait3A_48 : memref<1x5x64xi32, #tpu.memory_space<hbm>> -> memref<5x64xi32, #tpu.memory_space<hbm>>
      tpu.wait_dma2 semaphore(%run_scoped3A : memref<!tpu.dma_semaphore, #tpu.memory_space<semaphore_mem>>) src(%dma_wait3A_49 : memref<5x64xi32, #tpu.memory_space<hbm>>) dst(%arg7 : memref<5x64xi32, #tpu.memory_space<vmem>>)
      tpu.yield
    }) : () -> ()
    %scan3A_21 = arith.constant 0 : i32
    %scan3A_22 = arith.constant 0 : i32
    %scan3A_23 = arith.constant 5 : i32
    %scan3A_24 = arith.addi %scan3A_22, %scan3A_23 : i32
    %scan3A_25 = arith.constant 1 : i32
    scf.for %scan3A_36 = %scan3A_22 to %scan3A_24 step %scan3A_25  : i32 {
      %mul3A_37 = arith.constant 64 : i32
      %mul3A_38 = arith.muli %scan3A_36, %mul3A_37 : i32
      "tpu.region"() ({
        %run_scoped3A = tpu.sem_alloc : memref<!tpu.dma_semaphore, #tpu.memory_space<semaphore_mem>>
        %dma_start3A = arith.constant 0 : i32
        %dma_start3A_39 = tpu.memref_slice %arg6[%mul3A_38, %dma_start3A] : memref<320x128xf32, #tpu.memory_space<vmem>> -> memref<64x128xf32, #tpu.memory_space<vmem>>
        %dma_start3A_40 = arith.constant 0 : i32
        %dma_start3A_41 = tpu.memref_slice %arg7[%scan3A_36, %dma_start3A_40] : memref<5x64xi32, #tpu.memory_space<vmem>> -> memref<1x64xi32, #tpu.memory_space<vmem>>
        %dma_start3A_42 = tpu.memref_squeeze %dma_start3A_41 : memref<1x64xi32, #tpu.memory_space<vmem>> -> memref<64xi32, #tpu.memory_space<vmem>>
        %dma_start3A_43 = arith.constant 0 : i32
        %dma_start3A_44 = arith.constant 0 : i32
        %dma_start3A_45 = tpu.memref_slice %arg9[%dma_start3A_43, %dma_start3A_44] : memref<768x128xf32, #tpu.memory_space<vmem_shared>> -> memref<768x128xf32, #tpu.memory_space<vmem_shared>>
        tpu.enqueue_indirect_dma source(%dma_start3A_39 : memref<64x128xf32, #tpu.memory_space<vmem>>) target(%dma_start3A_45 : memref<768x128xf32, #tpu.memory_space<vmem_shared>>) offsets(%dma_start3A_42 : memref<64xi32, #tpu.memory_space<vmem>>) semaphore(%run_scoped3A : memref<!tpu.dma_semaphore, #tpu.memory_space<semaphore_mem>>) {add = true}
        %dma_wait3A = arith.constant 0 : i32
        %dma_wait3A_46 = tpu.memref_slice %arg6[%mul3A_38, %dma_wait3A] : memref<320x128xf32, #tpu.memory_space<vmem>> -> memref<64x128xf32, #tpu.memory_space<vmem>>
        %dma_wait3A_47 = arith.constant 0 : i32
        %dma_wait3A_48 = tpu.memref_slice %arg7[%scan3A_36, %dma_wait3A_47] : memref<5x64xi32, #tpu.memory_space<vmem>> -> memref<1x64xi32, #tpu.memory_space<vmem>>
        %dma_wait3A_49 = tpu.memref_squeeze %dma_wait3A_48 : memref<1x64xi32, #tpu.memory_space<vmem>> -> memref<64xi32, #tpu.memory_space<vmem>>
        %dma_wait3A_50 = arith.constant 0 : i32
        %dma_wait3A_51 = arith.constant 0 : i32
        %dma_wait3A_52 = tpu.memref_slice %arg9[%dma_wait3A_50, %dma_wait3A_51] : memref<768x128xf32, #tpu.memory_space<vmem_shared>> -> memref<768x128xf32, #tpu.memory_space<vmem_shared>>
        tpu.wait_indirect_dma semaphore(%run_scoped3A : memref<!tpu.dma_semaphore, #tpu.memory_space<semaphore_mem>>) src(%dma_wait3A_46 : memref<64x128xf32, #tpu.memory_space<vmem>>) dst(%dma_wait3A_52 : memref<768x128xf32, #tpu.memory_space<vmem_shared>>)
        tpu.yield
      }) : () -> ()
      "tpu.region"() ({
        %run_scoped3A = tpu.sem_alloc : memref<!tpu.dma_semaphore, #tpu.memory_space<semaphore_mem>>
        %dma_start3A = arith.constant 0 : i32
        %dma_start3A_39 = tpu.memref_slice %arg7[%scan3A_36, %dma_start3A] : memref<5x64xi32, #tpu.memory_space<vmem>> -> memref<1x64xi32, #tpu.memory_space<vmem>>
        %dma_start3A_40 = tpu.memref_squeeze %dma_start3A_39 : memref<1x64xi32, #tpu.memory_space<vmem>> -> memref<64xi32, #tpu.memory_space<vmem>>
        %dma_start3A_41 = arith.constant 0 : i32
        %dma_start3A_42 = arith.constant 0 : i32
        %dma_start3A_43 = tpu.memref_slice %arg10[%dma_start3A_41, %dma_start3A_42] : memref<768x128xf32, #tpu.memory_space<vmem_shared>> -> memref<768x128xf32, #tpu.memory_space<vmem_shared>>
        tpu.enqueue_indirect_dma source(%arg8 : memref<64x128xf32, #tpu.memory_space<vmem>>) target(%dma_start3A_43 : memref<768x128xf32, #tpu.memory_space<vmem_shared>>) offsets(%dma_start3A_40 : memref<64xi32, #tpu.memory_space<vmem>>) semaphore(%run_scoped3A : memref<!tpu.dma_semaphore, #tpu.memory_space<semaphore_mem>>) {add = true}
        %dma_wait3A = arith.constant 0 : i32
        %dma_wait3A_44 = tpu.memref_slice %arg7[%scan3A_36, %dma_wait3A] : memref<5x64xi32, #tpu.memory_space<vmem>> -> memref<1x64xi32, #tpu.memory_space<vmem>>
        %dma_wait3A_45 = tpu.memref_squeeze %dma_wait3A_44 : memref<1x64xi32, #tpu.memory_space<vmem>> -> memref<64xi32, #tpu.memory_space<vmem>>
        %dma_wait3A_46 = arith.constant 0 : i32
        %dma_wait3A_47 = arith.constant 0 : i32
        %dma_wait3A_48 = tpu.memref_slice %arg10[%dma_wait3A_46, %dma_wait3A_47] : memref<768x128xf32, #tpu.memory_space<vmem_shared>> -> memref<768x128xf32, #tpu.memory_space<vmem_shared>>
        tpu.wait_indirect_dma semaphore(%run_scoped3A : memref<!tpu.dma_semaphore, #tpu.memory_space<semaphore_mem>>) src(%arg8 : memref<64x128xf32, #tpu.memory_space<vmem>>) dst(%dma_wait3A_48 : memref<768x128xf32, #tpu.memory_space<vmem_shared>>)
        tpu.yield
      }) : () -> ()
    }
    %scan3A_26 = arith.constant 5 : i32
    %barrier3A_27 = arith.constant 0 : index
    tpu.barrier barrier_id(%barrier3A_27)
    %mul3A_28 = arith.constant 48 : i32
    %mul3A_29 = arith.muli %arg1, %mul3A_28 : i32
    %mul3A_30 = arith.constant 48 : i32
    %mul3A_31 = arith.muli %arg1, %mul3A_30 : i32
    "tpu.region"() ({
      %run_scoped3A = tpu.sem_alloc : memref<!tpu.dma_semaphore, #tpu.memory_space<semaphore_mem>>
      %dma_start3A = arith.constant 0 : i32
      %dma_start3A_36 = tpu.memref_slice %arg4[%arg0, %mul3A_31, %dma_start3A] : memref<2x768x128xf32, #tpu.memory_space<hbm>> -> memref<1x48x128xf32, #tpu.memory_space<hbm>>
      %dma_start3A_37 = tpu.memref_squeeze %dma_start3A_36 : memref<1x48x128xf32, #tpu.memory_space<hbm>> -> memref<48x128xf32, #tpu.memory_space<hbm>>
      %dma_start3A_38 = arith.constant 0 : i32
      %dma_start3A_39 = tpu.memref_slice %arg9[%mul3A_29, %dma_start3A_38] : memref<768x128xf32, #tpu.memory_space<vmem_shared>> -> memref<48x128xf32, #tpu.memory_space<vmem_shared>>
      tpu.enqueue_dma source(%dma_start3A_39 : memref<48x128xf32, #tpu.memory_space<vmem_shared>>) target(%dma_start3A_37 : memref<48x128xf32, #tpu.memory_space<hbm>>) target_semaphore(%run_scoped3A : memref<!tpu.dma_semaphore, #tpu.memory_space<semaphore_mem>>)
      %dma_wait3A = arith.constant 0 : i32
      %dma_wait3A_40 = tpu.memref_slice %arg4[%arg0, %mul3A_31, %dma_wait3A] : memref<2x768x128xf32, #tpu.memory_space<hbm>> -> memref<1x48x128xf32, #tpu.memory_space<hbm>>
      %dma_wait3A_41 = tpu.memref_squeeze %dma_wait3A_40 : memref<1x48x128xf32, #tpu.memory_space<hbm>> -> memref<48x128xf32, #tpu.memory_space<hbm>>
      %dma_wait3A_42 = arith.constant 0 : i32
      %dma_wait3A_43 = tpu.memref_slice %arg9[%mul3A_29, %dma_wait3A_42] : memref<768x128xf32, #tpu.memory_space<vmem_shared>> -> memref<48x128xf32, #tpu.memory_space<vmem_shared>>
      tpu.wait_dma2 semaphore(%run_scoped3A : memref<!tpu.dma_semaphore, #tpu.memory_space<semaphore_mem>>) src(%dma_wait3A_43 : memref<48x128xf32, #tpu.memory_space<vmem_shared>>) dst(%dma_wait3A_41 : memref<48x128xf32, #tpu.memory_space<hbm>>)
      tpu.yield
    }) : () -> ()
    %mul3A_32 = arith.constant 48 : i32
    %mul3A_33 = arith.muli %arg1, %mul3A_32 : i32
    %mul3A_34 = arith.constant 48 : i32
    %mul3A_35 = arith.muli %arg1, %mul3A_34 : i32
    "tpu.region"() ({
      %run_scoped3A = tpu.sem_alloc : memref<!tpu.dma_semaphore, #tpu.memory_space<semaphore_mem>>
      %dma_start3A = arith.constant 0 : i32
      %dma_start3A_36 = tpu.memref_slice %arg5[%arg0, %mul3A_35, %dma_start3A] : memref<2x768x128xf32, #tpu.memory_space<hbm>> -> memref<1x48x128xf32, #tpu.memory_space<hbm>>
      %dma_start3A_37 = tpu.memref_squeeze %dma_start3A_36 : memref<1x48x128xf32, #tpu.memory_space<hbm>> -> memref<48x128xf32, #tpu.memory_space<hbm>>
      %dma_start3A_38 = arith.constant 0 : i32
      %dma_start3A_39 = tpu.memref_slice %arg10[%mul3A_33, %dma_start3A_38] : memref<768x128xf32, #tpu.memory_space<vmem_shared>> -> memref<48x128xf32, #tpu.memory_space<vmem_shared>>
      tpu.enqueue_dma source(%dma_start3A_39 : memref<48x128xf32, #tpu.memory_space<vmem_shared>>) target(%dma_start3A_37 : memref<48x128xf32, #tpu.memory_space<hbm>>) target_semaphore(%run_scoped3A : memref<!tpu.dma_semaphore, #tpu.memory_space<semaphore_mem>>)
      %dma_wait3A = arith.constant 0 : i32
      %dma_wait3A_40 = tpu.memref_slice %arg5[%arg0, %mul3A_35, %dma_wait3A] : memref<2x768x128xf32, #tpu.memory_space<hbm>> -> memref<1x48x128xf32, #tpu.memory_space<hbm>>
      %dma_wait3A_41 = tpu.memref_squeeze %dma_wait3A_40 : memref<1x48x128xf32, #tpu.memory_space<hbm>> -> memref<48x128xf32, #tpu.memory_space<hbm>>
      %dma_wait3A_42 = arith.constant 0 : i32
      %dma_wait3A_43 = tpu.memref_slice %arg10[%mul3A_33, %dma_wait3A_42] : memref<768x128xf32, #tpu.memory_space<vmem_shared>> -> memref<48x128xf32, #tpu.memory_space<vmem_shared>>
      tpu.wait_dma2 semaphore(%run_scoped3A : memref<!tpu.dma_semaphore, #tpu.memory_space<semaphore_mem>>) src(%dma_wait3A_43 : memref<48x128xf32, #tpu.memory_space<vmem_shared>>) dst(%dma_wait3A_41 : memref<48x128xf32, #tpu.memory_space<hbm>>)
      tpu.yield
    }) : () -> ()
    return
  }
}

#map = affine_map<(d0, d1) -> (0, 0)>
#map1 = affine_map<(d0, d1) -> (0, 0, 0)>
module attributes {stable_mosaic.version = 14 : i64} {
  func.func @_sc_msg(%arg0: i32, %arg1: i32, %arg2: memref<10240x128xf32, #tpu.memory_space<hbm>>, %arg3: memref<32x80x128xi32, #tpu.memory_space<hbm>>, %arg4: memref<32x80x128xi32, #tpu.memory_space<hbm>>, %arg5: memref<2x10240x128xf32, #tpu.memory_space<hbm>>, %arg6: memref<8x128xi32, #tpu.memory_space<vmem>>, %arg7: memref<8x128xi32, #tpu.memory_space<vmem>>, %arg8: memref<128x128xf32, #tpu.memory_space<vmem>>, %arg9: memref<128x128xf32, #tpu.memory_space<vmem>>, %arg10: memref<10240x128xf32, #tpu.memory_space<vmem_shared>>, %arg11: memref<!tpu.dma_semaphore, #tpu.memory_space<semaphore_mem>>, %arg12: memref<!tpu.dma_semaphore, #tpu.memory_space<semaphore_mem>>) attributes {dimension_semantics = [#tpu.dimension_semantics<core_parallel>, #tpu.dimension_semantics<subcore_parallel>], iteration_bounds = array<i64: 2, 16>, scalar_prefetch = 0 : i64, scratch_operands = 7 : i64, tpu.core_type = #tpu.core_type<sc_vector_subcore>, window_params = [{transform_indices = #map}, {transform_indices = #map1}, {transform_indices = #map1}, {transform_indices = #map1}]} {
    %mul3A = arith.constant 16 : i32
    %mul3A_0 = arith.muli %arg0, %mul3A : i32
    %add3A = arith.addi %mul3A_0, %arg1 : i32
    %broadcast_in_dim3A = arith.constant 0.000000e+00 : f32
    %broadcast_in_dim3A_1 = vector.broadcast %broadcast_in_dim3A : f32 to vector<16xf32>
    %scan3A = arith.constant 0 : i32
    %scan3A_2 = arith.constant 0 : i32
    %scan3A_3 = arith.constant 128 : i32
    %scan3A_4 = arith.addi %scan3A_2, %scan3A_3 : i32
    %scan3A_5 = arith.constant 1 : i32
    scf.for %scan3A_38 = %scan3A_2 to %scan3A_4 step %scan3A_5  : i32 {
      %swap3A = arith.index_cast %scan3A_38 : i32 to index
      %swap3A_39 = arith.constant 0 : index
      %swap3A_40 = tpu.vector_load %arg8[%swap3A, %swap3A_39] {strides = array<i32>} : memref<128x128xf32, #tpu.memory_space<vmem>>, vector<1x16xf32>,
      %swap3A_41 = vector.shape_cast %swap3A_40 : vector<1x16xf32> to vector<16xf32>
      %swap3A_42 = vector.shape_cast %broadcast_in_dim3A_1 : vector<16xf32> to vector<1x16xf32>
      tpu.vector_store %arg8[%swap3A, %swap3A_39], %swap3A_42 {strides = array<i32>} : memref<128x128xf32, #tpu.memory_space<vmem>>, vector<1x16xf32>,
      %swap3A_43 = arith.index_cast %scan3A_38 : i32 to index
      %swap3A_44 = arith.constant 16 : index
      %swap3A_45 = tpu.vector_load %arg8[%swap3A_43, %swap3A_44] {strides = array<i32>} : memref<128x128xf32, #tpu.memory_space<vmem>>, vector<1x16xf32>,
      %swap3A_46 = vector.shape_cast %swap3A_45 : vector<1x16xf32> to vector<16xf32>
      %swap3A_47 = vector.shape_cast %broadcast_in_dim3A_1 : vector<16xf32> to vector<1x16xf32>
      tpu.vector_store %arg8[%swap3A_43, %swap3A_44], %swap3A_47 {strides = array<i32>} : memref<128x128xf32, #tpu.memory_space<vmem>>, vector<1x16xf32>,
      %swap3A_48 = arith.index_cast %scan3A_38 : i32 to index
      %swap3A_49 = arith.constant 32 : index
      %swap3A_50 = tpu.vector_load %arg8[%swap3A_48, %swap3A_49] {strides = array<i32>} : memref<128x128xf32, #tpu.memory_space<vmem>>, vector<1x16xf32>,
      %swap3A_51 = vector.shape_cast %swap3A_50 : vector<1x16xf32> to vector<16xf32>
      %swap3A_52 = vector.shape_cast %broadcast_in_dim3A_1 : vector<16xf32> to vector<1x16xf32>
      tpu.vector_store %arg8[%swap3A_48, %swap3A_49], %swap3A_52 {strides = array<i32>} : memref<128x128xf32, #tpu.memory_space<vmem>>, vector<1x16xf32>,
      %swap3A_53 = arith.index_cast %scan3A_38 : i32 to index
      %swap3A_54 = arith.constant 48 : index
      %swap3A_55 = tpu.vector_load %arg8[%swap3A_53, %swap3A_54] {strides = array<i32>} : memref<128x128xf32, #tpu.memory_space<vmem>>, vector<1x16xf32>,
      %swap3A_56 = vector.shape_cast %swap3A_55 : vector<1x16xf32> to vector<16xf32>
      %swap3A_57 = vector.shape_cast %broadcast_in_dim3A_1 : vector<16xf32> to vector<1x16xf32>
      tpu.vector_store %arg8[%swap3A_53, %swap3A_54], %swap3A_57 {strides = array<i32>} : memref<128x128xf32, #tpu.memory_space<vmem>>, vector<1x16xf32>,
      %swap3A_58 = arith.index_cast %scan3A_38 : i32 to index
      %swap3A_59 = arith.constant 64 : index
      %swap3A_60 = tpu.vector_load %arg8[%swap3A_58, %swap3A_59] {strides = array<i32>} : memref<128x128xf32, #tpu.memory_space<vmem>>, vector<1x16xf32>,
      %swap3A_61 = vector.shape_cast %swap3A_60 : vector<1x16xf32> to vector<16xf32>
      %swap3A_62 = vector.shape_cast %broadcast_in_dim3A_1 : vector<16xf32> to vector<1x16xf32>
      tpu.vector_store %arg8[%swap3A_58, %swap3A_59], %swap3A_62 {strides = array<i32>} : memref<128x128xf32, #tpu.memory_space<vmem>>, vector<1x16xf32>,
      %swap3A_63 = arith.index_cast %scan3A_38 : i32 to index
      %swap3A_64 = arith.constant 80 : index
      %swap3A_65 = tpu.vector_load %arg8[%swap3A_63, %swap3A_64] {strides = array<i32>} : memref<128x128xf32, #tpu.memory_space<vmem>>, vector<1x16xf32>,
      %swap3A_66 = vector.shape_cast %swap3A_65 : vector<1x16xf32> to vector<16xf32>
      %swap3A_67 = vector.shape_cast %broadcast_in_dim3A_1 : vector<16xf32> to vector<1x16xf32>
      tpu.vector_store %arg8[%swap3A_63, %swap3A_64], %swap3A_67 {strides = array<i32>} : memref<128x128xf32, #tpu.memory_space<vmem>>, vector<1x16xf32>,
      %swap3A_68 = arith.index_cast %scan3A_38 : i32 to index
      %swap3A_69 = arith.constant 96 : index
      %swap3A_70 = tpu.vector_load %arg8[%swap3A_68, %swap3A_69] {strides = array<i32>} : memref<128x128xf32, #tpu.memory_space<vmem>>, vector<1x16xf32>,
      %swap3A_71 = vector.shape_cast %swap3A_70 : vector<1x16xf32> to vector<16xf32>
      %swap3A_72 = vector.shape_cast %broadcast_in_dim3A_1 : vector<16xf32> to vector<1x16xf32>
      tpu.vector_store %arg8[%swap3A_68, %swap3A_69], %swap3A_72 {strides = array<i32>} : memref<128x128xf32, #tpu.memory_space<vmem>>, vector<1x16xf32>,
      %swap3A_73 = arith.index_cast %scan3A_38 : i32 to index
      %swap3A_74 = arith.constant 112 : index
      %swap3A_75 = tpu.vector_load %arg8[%swap3A_73, %swap3A_74] {strides = array<i32>} : memref<128x128xf32, #tpu.memory_space<vmem>>, vector<1x16xf32>,
      %swap3A_76 = vector.shape_cast %swap3A_75 : vector<1x16xf32> to vector<16xf32>
      %swap3A_77 = vector.shape_cast %broadcast_in_dim3A_1 : vector<16xf32> to vector<1x16xf32>
      tpu.vector_store %arg8[%swap3A_73, %swap3A_74], %swap3A_77 {strides = array<i32>} : memref<128x128xf32, #tpu.memory_space<vmem>>, vector<1x16xf32>,
    }
    %scan3A_6 = arith.constant 128 : i32
    %mul3A_7 = arith.constant 640 : i32
    %mul3A_8 = arith.muli %arg1, %mul3A_7 : i32
    %add3A_9 = arith.constant 0 : i32
    %add3A_10 = arith.addi %mul3A_8, %add3A_9 : i32
    "tpu.region"() ({
      %run_scoped3A = tpu.sem_alloc : memref<!tpu.dma_semaphore, #tpu.memory_space<semaphore_mem>>
      %dma_start3A = arith.constant 0 : i32
      %dma_start3A_38 = tpu.memref_slice %arg10[%add3A_10, %dma_start3A] : memref<10240x128xf32, #tpu.memory_space<vmem_shared>> -> memref<128x128xf32, #tpu.memory_space<vmem_shared>>
      %dma_start3A_39 = arith.constant 0 : i32
      %dma_start3A_40 = tpu.memref_slice %arg10[%add3A_10, %dma_start3A_39] : memref<10240x128xf32, #tpu.memory_space<vmem_shared>> -> memref<128x128xf32, #tpu.memory_space<vmem_shared>>
      tpu.enqueue_dma source(%arg8 : memref<128x128xf32, #tpu.memory_space<vmem>>) target(%dma_start3A_40 : memref<128x128xf32, #tpu.memory_space<vmem_shared>>) target_semaphore(%run_scoped3A : memref<!tpu.dma_semaphore, #tpu.memory_space<semaphore_mem>>)
      %dma_wait3A = arith.constant 0 : i32
      %dma_wait3A_41 = tpu.memref_slice %arg10[%add3A_10, %dma_wait3A] : memref<10240x128xf32, #tpu.memory_space<vmem_shared>> -> memref<128x128xf32, #tpu.memory_space<vmem_shared>>
      %dma_wait3A_42 = arith.constant 0 : i32
      %dma_wait3A_43 = tpu.memref_slice %arg10[%add3A_10, %dma_wait3A_42] : memref<10240x128xf32, #tpu.memory_space<vmem_shared>> -> memref<128x128xf32, #tpu.memory_space<vmem_shared>>
      tpu.wait_dma2 semaphore(%run_scoped3A : memref<!tpu.dma_semaphore, #tpu.memory_space<semaphore_mem>>) src(%arg8 : memref<128x128xf32, #tpu.memory_space<vmem>>) dst(%dma_wait3A_43 : memref<128x128xf32, #tpu.memory_space<vmem_shared>>)
      tpu.yield
    }) : () -> ()
    %mul3A_11 = arith.constant 640 : i32
    %mul3A_12 = arith.muli %arg1, %mul3A_11 : i32
    %add3A_13 = arith.constant 128 : i32
    %add3A_14 = arith.addi %mul3A_12, %add3A_13 : i32
    "tpu.region"() ({
      %run_scoped3A = tpu.sem_alloc : memref<!tpu.dma_semaphore, #tpu.memory_space<semaphore_mem>>
      %dma_start3A = arith.constant 0 : i32
      %dma_start3A_38 = tpu.memref_slice %arg10[%add3A_14, %dma_start3A] : memref<10240x128xf32, #tpu.memory_space<vmem_shared>> -> memref<128x128xf32, #tpu.memory_space<vmem_shared>>
      %dma_start3A_39 = arith.constant 0 : i32
      %dma_start3A_40 = tpu.memref_slice %arg10[%add3A_14, %dma_start3A_39] : memref<10240x128xf32, #tpu.memory_space<vmem_shared>> -> memref<128x128xf32, #tpu.memory_space<vmem_shared>>
      tpu.enqueue_dma source(%arg8 : memref<128x128xf32, #tpu.memory_space<vmem>>) target(%dma_start3A_40 : memref<128x128xf32, #tpu.memory_space<vmem_shared>>) target_semaphore(%run_scoped3A : memref<!tpu.dma_semaphore, #tpu.memory_space<semaphore_mem>>)
      %dma_wait3A = arith.constant 0 : i32
      %dma_wait3A_41 = tpu.memref_slice %arg10[%add3A_14, %dma_wait3A] : memref<10240x128xf32, #tpu.memory_space<vmem_shared>> -> memref<128x128xf32, #tpu.memory_space<vmem_shared>>
      %dma_wait3A_42 = arith.constant 0 : i32
      %dma_wait3A_43 = tpu.memref_slice %arg10[%add3A_14, %dma_wait3A_42] : memref<10240x128xf32, #tpu.memory_space<vmem_shared>> -> memref<128x128xf32, #tpu.memory_space<vmem_shared>>
      tpu.wait_dma2 semaphore(%run_scoped3A : memref<!tpu.dma_semaphore, #tpu.memory_space<semaphore_mem>>) src(%arg8 : memref<128x128xf32, #tpu.memory_space<vmem>>) dst(%dma_wait3A_43 : memref<128x128xf32, #tpu.memory_space<vmem_shared>>)
      tpu.yield
    }) : () -> ()
    %mul3A_15 = arith.constant 640 : i32
    %mul3A_16 = arith.muli %arg1, %mul3A_15 : i32
    %add3A_17 = arith.constant 256 : i32
    %add3A_18 = arith.addi %mul3A_16, %add3A_17 : i32
    "tpu.region"() ({
      %run_scoped3A = tpu.sem_alloc : memref<!tpu.dma_semaphore, #tpu.memory_space<semaphore_mem>>
      %dma_start3A = arith.constant 0 : i32
      %dma_start3A_38 = tpu.memref_slice %arg10[%add3A_18, %dma_start3A] : memref<10240x128xf32, #tpu.memory_space<vmem_shared>> -> memref<128x128xf32, #tpu.memory_space<vmem_shared>>
      %dma_start3A_39 = arith.constant 0 : i32
      %dma_start3A_40 = tpu.memref_slice %arg10[%add3A_18, %dma_start3A_39] : memref<10240x128xf32, #tpu.memory_space<vmem_shared>> -> memref<128x128xf32, #tpu.memory_space<vmem_shared>>
      tpu.enqueue_dma source(%arg8 : memref<128x128xf32, #tpu.memory_space<vmem>>) target(%dma_start3A_40 : memref<128x128xf32, #tpu.memory_space<vmem_shared>>) target_semaphore(%run_scoped3A : memref<!tpu.dma_semaphore, #tpu.memory_space<semaphore_mem>>)
      %dma_wait3A = arith.constant 0 : i32
      %dma_wait3A_41 = tpu.memref_slice %arg10[%add3A_18, %dma_wait3A] : memref<10240x128xf32, #tpu.memory_space<vmem_shared>> -> memref<128x128xf32, #tpu.memory_space<vmem_shared>>
      %dma_wait3A_42 = arith.constant 0 : i32
      %dma_wait3A_43 = tpu.memref_slice %arg10[%add3A_18, %dma_wait3A_42] : memref<10240x128xf32, #tpu.memory_space<vmem_shared>> -> memref<128x128xf32, #tpu.memory_space<vmem_shared>>
      tpu.wait_dma2 semaphore(%run_scoped3A : memref<!tpu.dma_semaphore, #tpu.memory_space<semaphore_mem>>) src(%arg8 : memref<128x128xf32, #tpu.memory_space<vmem>>) dst(%dma_wait3A_43 : memref<128x128xf32, #tpu.memory_space<vmem_shared>>)
      tpu.yield
    }) : () -> ()
    %mul3A_19 = arith.constant 640 : i32
    %mul3A_20 = arith.muli %arg1, %mul3A_19 : i32
    %add3A_21 = arith.constant 384 : i32
    %add3A_22 = arith.addi %mul3A_20, %add3A_21 : i32
    "tpu.region"() ({
      %run_scoped3A = tpu.sem_alloc : memref<!tpu.dma_semaphore, #tpu.memory_space<semaphore_mem>>
      %dma_start3A = arith.constant 0 : i32
      %dma_start3A_38 = tpu.memref_slice %arg10[%add3A_22, %dma_start3A] : memref<10240x128xf32, #tpu.memory_space<vmem_shared>> -> memref<128x128xf32, #tpu.memory_space<vmem_shared>>
      %dma_start3A_39 = arith.constant 0 : i32
      %dma_start3A_40 = tpu.memref_slice %arg10[%add3A_22, %dma_start3A_39] : memref<10240x128xf32, #tpu.memory_space<vmem_shared>> -> memref<128x128xf32, #tpu.memory_space<vmem_shared>>
      tpu.enqueue_dma source(%arg8 : memref<128x128xf32, #tpu.memory_space<vmem>>) target(%dma_start3A_40 : memref<128x128xf32, #tpu.memory_space<vmem_shared>>) target_semaphore(%run_scoped3A : memref<!tpu.dma_semaphore, #tpu.memory_space<semaphore_mem>>)
      %dma_wait3A = arith.constant 0 : i32
      %dma_wait3A_41 = tpu.memref_slice %arg10[%add3A_22, %dma_wait3A] : memref<10240x128xf32, #tpu.memory_space<vmem_shared>> -> memref<128x128xf32, #tpu.memory_space<vmem_shared>>
      %dma_wait3A_42 = arith.constant 0 : i32
      %dma_wait3A_43 = tpu.memref_slice %arg10[%add3A_22, %dma_wait3A_42] : memref<10240x128xf32, #tpu.memory_space<vmem_shared>> -> memref<128x128xf32, #tpu.memory_space<vmem_shared>>
      tpu.wait_dma2 semaphore(%run_scoped3A : memref<!tpu.dma_semaphore, #tpu.memory_space<semaphore_mem>>) src(%arg8 : memref<128x128xf32, #tpu.memory_space<vmem>>) dst(%dma_wait3A_43 : memref<128x128xf32, #tpu.memory_space<vmem_shared>>)
      tpu.yield
    }) : () -> ()
    %mul3A_23 = arith.constant 640 : i32
    %mul3A_24 = arith.muli %arg1, %mul3A_23 : i32
    %add3A_25 = arith.constant 512 : i32
    %add3A_26 = arith.addi %mul3A_24, %add3A_25 : i32
    "tpu.region"() ({
      %run_scoped3A = tpu.sem_alloc : memref<!tpu.dma_semaphore, #tpu.memory_space<semaphore_mem>>
      %dma_start3A = arith.constant 0 : i32
      %dma_start3A_38 = tpu.memref_slice %arg10[%add3A_26, %dma_start3A] : memref<10240x128xf32, #tpu.memory_space<vmem_shared>> -> memref<128x128xf32, #tpu.memory_space<vmem_shared>>
      %dma_start3A_39 = arith.constant 0 : i32
      %dma_start3A_40 = tpu.memref_slice %arg10[%add3A_26, %dma_start3A_39] : memref<10240x128xf32, #tpu.memory_space<vmem_shared>> -> memref<128x128xf32, #tpu.memory_space<vmem_shared>>
      tpu.enqueue_dma source(%arg8 : memref<128x128xf32, #tpu.memory_space<vmem>>) target(%dma_start3A_40 : memref<128x128xf32, #tpu.memory_space<vmem_shared>>) target_semaphore(%run_scoped3A : memref<!tpu.dma_semaphore, #tpu.memory_space<semaphore_mem>>)
      %dma_wait3A = arith.constant 0 : i32
      %dma_wait3A_41 = tpu.memref_slice %arg10[%add3A_26, %dma_wait3A] : memref<10240x128xf32, #tpu.memory_space<vmem_shared>> -> memref<128x128xf32, #tpu.memory_space<vmem_shared>>
      %dma_wait3A_42 = arith.constant 0 : i32
      %dma_wait3A_43 = tpu.memref_slice %arg10[%add3A_26, %dma_wait3A_42] : memref<10240x128xf32, #tpu.memory_space<vmem_shared>> -> memref<128x128xf32, #tpu.memory_space<vmem_shared>>
      tpu.wait_dma2 semaphore(%run_scoped3A : memref<!tpu.dma_semaphore, #tpu.memory_space<semaphore_mem>>) src(%arg8 : memref<128x128xf32, #tpu.memory_space<vmem>>) dst(%dma_wait3A_43 : memref<128x128xf32, #tpu.memory_space<vmem_shared>>)
      tpu.yield
    }) : () -> ()
    %barrier3A = arith.constant 0 : index
    tpu.barrier barrier_id(%barrier3A)
    %scan3A_27 = arith.constant 0 : i32
    %scan3A_28 = arith.constant 0 : i32
    %scan3A_29 = arith.constant 10 : i32
    %scan3A_30 = arith.addi %scan3A_28, %scan3A_29 : i32
    %scan3A_31 = arith.constant 1 : i32
    scf.for %scan3A_38 = %scan3A_28 to %scan3A_30 step %scan3A_31  : i32 {
      %mul3A_39 = arith.constant 8 : i32
      %mul3A_40 = arith.muli %scan3A_38, %mul3A_39 : i32
      "tpu.region"() ({
        %run_scoped3A_160 = tpu.sem_alloc : memref<!tpu.dma_semaphore, #tpu.memory_space<semaphore_mem>>
        %dma_start3A_161 = arith.constant 0 : i32
        %dma_start3A_162 = tpu.memref_slice %arg3[%add3A, %mul3A_40, %dma_start3A_161] : memref<32x80x128xi32, #tpu.memory_space<hbm>> -> memref<1x8x128xi32, #tpu.memory_space<hbm>>
        %dma_start3A_163 = tpu.memref_squeeze %dma_start3A_162 : memref<1x8x128xi32, #tpu.memory_space<hbm>> -> memref<8x128xi32, #tpu.memory_space<hbm>>
        %dma_start3A_164 = arith.constant 0 : i32
        %dma_start3A_165 = tpu.memref_slice %arg3[%add3A, %mul3A_40, %dma_start3A_164] : memref<32x80x128xi32, #tpu.memory_space<hbm>> -> memref<1x8x128xi32, #tpu.memory_space<hbm>>
        %dma_start3A_166 = tpu.memref_squeeze %dma_start3A_165 : memref<1x8x128xi32, #tpu.memory_space<hbm>> -> memref<8x128xi32, #tpu.memory_space<hbm>>
        tpu.enqueue_dma source(%dma_start3A_166 : memref<8x128xi32, #tpu.memory_space<hbm>>) target(%arg6 : memref<8x128xi32, #tpu.memory_space<vmem>>) target_semaphore(%run_scoped3A_160 : memref<!tpu.dma_semaphore, #tpu.memory_space<semaphore_mem>>)
        %dma_wait3A_167 = arith.constant 0 : i32
        %dma_wait3A_168 = tpu.memref_slice %arg3[%add3A, %mul3A_40, %dma_wait3A_167] : memref<32x80x128xi32, #tpu.memory_space<hbm>> -> memref<1x8x128xi32, #tpu.memory_space<hbm>>
        %dma_wait3A_169 = tpu.memref_squeeze %dma_wait3A_168 : memref<1x8x128xi32, #tpu.memory_space<hbm>> -> memref<8x128xi32, #tpu.memory_space<hbm>>
        %dma_wait3A_170 = arith.constant 0 : i32
        %dma_wait3A_171 = tpu.memref_slice %arg3[%add3A, %mul3A_40, %dma_wait3A_170] : memref<32x80x128xi32, #tpu.memory_space<hbm>> -> memref<1x8x128xi32, #tpu.memory_space<hbm>>
        %dma_wait3A_172 = tpu.memref_squeeze %dma_wait3A_171 : memref<1x8x128xi32, #tpu.memory_space<hbm>> -> memref<8x128xi32, #tpu.memory_space<hbm>>
        tpu.wait_dma2 semaphore(%run_scoped3A_160 : memref<!tpu.dma_semaphore, #tpu.memory_space<semaphore_mem>>) src(%dma_wait3A_172 : memref<8x128xi32, #tpu.memory_space<hbm>>) dst(%arg6 : memref<8x128xi32, #tpu.memory_space<vmem>>)
        tpu.yield
      }) : () -> ()
      %mul3A_41 = arith.constant 8 : i32
      %mul3A_42 = arith.muli %scan3A_38, %mul3A_41 : i32
      "tpu.region"() ({
        %run_scoped3A_160 = tpu.sem_alloc : memref<!tpu.dma_semaphore, #tpu.memory_space<semaphore_mem>>
        %dma_start3A_161 = arith.constant 0 : i32
        %dma_start3A_162 = tpu.memref_slice %arg4[%add3A, %mul3A_42, %dma_start3A_161] : memref<32x80x128xi32, #tpu.memory_space<hbm>> -> memref<1x8x128xi32, #tpu.memory_space<hbm>>
        %dma_start3A_163 = tpu.memref_squeeze %dma_start3A_162 : memref<1x8x128xi32, #tpu.memory_space<hbm>> -> memref<8x128xi32, #tpu.memory_space<hbm>>
        %dma_start3A_164 = arith.constant 0 : i32
        %dma_start3A_165 = tpu.memref_slice %arg4[%add3A, %mul3A_42, %dma_start3A_164] : memref<32x80x128xi32, #tpu.memory_space<hbm>> -> memref<1x8x128xi32, #tpu.memory_space<hbm>>
        %dma_start3A_166 = tpu.memref_squeeze %dma_start3A_165 : memref<1x8x128xi32, #tpu.memory_space<hbm>> -> memref<8x128xi32, #tpu.memory_space<hbm>>
        tpu.enqueue_dma source(%dma_start3A_166 : memref<8x128xi32, #tpu.memory_space<hbm>>) target(%arg7 : memref<8x128xi32, #tpu.memory_space<vmem>>) target_semaphore(%run_scoped3A_160 : memref<!tpu.dma_semaphore, #tpu.memory_space<semaphore_mem>>)
        %dma_wait3A_167 = arith.constant 0 : i32
        %dma_wait3A_168 = tpu.memref_slice %arg4[%add3A, %mul3A_42, %dma_wait3A_167] : memref<32x80x128xi32, #tpu.memory_space<hbm>> -> memref<1x8x128xi32, #tpu.memory_space<hbm>>
        %dma_wait3A_169 = tpu.memref_squeeze %dma_wait3A_168 : memref<1x8x128xi32, #tpu.memory_space<hbm>> -> memref<8x128xi32, #tpu.memory_space<hbm>>
        %dma_wait3A_170 = arith.constant 0 : i32
        %dma_wait3A_171 = tpu.memref_slice %arg4[%add3A, %mul3A_42, %dma_wait3A_170] : memref<32x80x128xi32, #tpu.memory_space<hbm>> -> memref<1x8x128xi32, #tpu.memory_space<hbm>>
        %dma_wait3A_172 = tpu.memref_squeeze %dma_wait3A_171 : memref<1x8x128xi32, #tpu.memory_space<hbm>> -> memref<8x128xi32, #tpu.memory_space<hbm>>
        tpu.wait_dma2 semaphore(%run_scoped3A_160 : memref<!tpu.dma_semaphore, #tpu.memory_space<semaphore_mem>>) src(%dma_wait3A_172 : memref<8x128xi32, #tpu.memory_space<hbm>>) dst(%arg7 : memref<8x128xi32, #tpu.memory_space<vmem>>)
        tpu.yield
      }) : () -> ()
      %dma_start3A = arith.constant 0 : i32
      %dma_start3A_43 = arith.constant 0 : i32
      %dma_start3A_44 = tpu.memref_slice %arg6[%dma_start3A, %dma_start3A_43] : memref<8x128xi32, #tpu.memory_space<vmem>> -> memref<1x128xi32, #tpu.memory_space<vmem>>
      %dma_start3A_45 = tpu.memref_squeeze %dma_start3A_44 : memref<1x128xi32, #tpu.memory_space<vmem>> -> memref<128xi32, #tpu.memory_space<vmem>>
      %dma_start3A_46 = arith.constant 0 : i32
      %dma_start3A_47 = arith.constant 0 : i32
      %dma_start3A_48 = tpu.memref_slice %arg2[%dma_start3A_46, %dma_start3A_47] : memref<10240x128xf32, #tpu.memory_space<hbm>> -> memref<10240x128xf32, #tpu.memory_space<hbm>>
      tpu.enqueue_indirect_dma source(%dma_start3A_48 : memref<10240x128xf32, #tpu.memory_space<hbm>>) target(%arg8 : memref<128x128xf32, #tpu.memory_space<vmem>>) offsets(%dma_start3A_45 : memref<128xi32, #tpu.memory_space<vmem>>) semaphore(%arg11 : memref<!tpu.dma_semaphore, #tpu.memory_space<semaphore_mem>>)
      %dma_start3A_49 = arith.constant 1 : i32
      %dma_start3A_50 = arith.constant 0 : i32
      %dma_start3A_51 = tpu.memref_slice %arg6[%dma_start3A_49, %dma_start3A_50] : memref<8x128xi32, #tpu.memory_space<vmem>> -> memref<1x128xi32, #tpu.memory_space<vmem>>
      %dma_start3A_52 = tpu.memref_squeeze %dma_start3A_51 : memref<1x128xi32, #tpu.memory_space<vmem>> -> memref<128xi32, #tpu.memory_space<vmem>>
      %dma_start3A_53 = arith.constant 0 : i32
      %dma_start3A_54 = arith.constant 0 : i32
      %dma_start3A_55 = tpu.memref_slice %arg2[%dma_start3A_53, %dma_start3A_54] : memref<10240x128xf32, #tpu.memory_space<hbm>> -> memref<10240x128xf32, #tpu.memory_space<hbm>>
      tpu.enqueue_indirect_dma source(%dma_start3A_55 : memref<10240x128xf32, #tpu.memory_space<hbm>>) target(%arg9 : memref<128x128xf32, #tpu.memory_space<vmem>>) offsets(%dma_start3A_52 : memref<128xi32, #tpu.memory_space<vmem>>) semaphore(%arg12 : memref<!tpu.dma_semaphore, #tpu.memory_space<semaphore_mem>>)
      %dma_wait3A = arith.constant 0 : i32
      %dma_wait3A_56 = arith.constant 0 : i32
      %dma_wait3A_57 = tpu.memref_slice %arg6[%dma_wait3A, %dma_wait3A_56] : memref<8x128xi32, #tpu.memory_space<vmem>> -> memref<1x128xi32, #tpu.memory_space<vmem>>
      %dma_wait3A_58 = tpu.memref_squeeze %dma_wait3A_57 : memref<1x128xi32, #tpu.memory_space<vmem>> -> memref<128xi32, #tpu.memory_space<vmem>>
      %dma_wait3A_59 = arith.constant 0 : i32
      %dma_wait3A_60 = arith.constant 0 : i32
      %dma_wait3A_61 = tpu.memref_slice %arg2[%dma_wait3A_59, %dma_wait3A_60] : memref<10240x128xf32, #tpu.memory_space<hbm>> -> memref<10240x128xf32, #tpu.memory_space<hbm>>
      tpu.wait_indirect_dma semaphore(%arg11 : memref<!tpu.dma_semaphore, #tpu.memory_space<semaphore_mem>>) src(%dma_wait3A_61 : memref<10240x128xf32, #tpu.memory_space<hbm>>) dst(%arg8 : memref<128x128xf32, #tpu.memory_space<vmem>>)
      %run_scoped3A = arith.constant 0 : i32
      "tpu.region"() ({
        %run_scoped3A_160 = tpu.sem_alloc : memref<!tpu.dma_semaphore, #tpu.memory_space<semaphore_mem>>
        %dma_start3A_161 = arith.constant 0 : i32
        %dma_start3A_162 = tpu.memref_slice %arg7[%run_scoped3A, %dma_start3A_161] : memref<8x128xi32, #tpu.memory_space<vmem>> -> memref<1x128xi32, #tpu.memory_space<vmem>>
        %dma_start3A_163 = tpu.memref_squeeze %dma_start3A_162 : memref<1x128xi32, #tpu.memory_space<vmem>> -> memref<128xi32, #tpu.memory_space<vmem>>
        %dma_start3A_164 = arith.constant 0 : i32
        %dma_start3A_165 = arith.constant 0 : i32
        %dma_start3A_166 = tpu.memref_slice %arg10[%dma_start3A_164, %dma_start3A_165] : memref<10240x128xf32, #tpu.memory_space<vmem_shared>> -> memref<10240x128xf32, #tpu.memory_space<vmem_shared>>
        tpu.enqueue_indirect_dma source(%arg8 : memref<128x128xf32, #tpu.memory_space<vmem>>) target(%dma_start3A_166 : memref<10240x128xf32, #tpu.memory_space<vmem_shared>>) offsets(%dma_start3A_163 : memref<128xi32, #tpu.memory_space<vmem>>) semaphore(%run_scoped3A_160 : memref<!tpu.dma_semaphore, #tpu.memory_space<semaphore_mem>>) {add = true}
        %dma_wait3A_167 = arith.constant 0 : i32
        %dma_wait3A_168 = tpu.memref_slice %arg7[%run_scoped3A, %dma_wait3A_167] : memref<8x128xi32, #tpu.memory_space<vmem>> -> memref<1x128xi32, #tpu.memory_space<vmem>>
        %dma_wait3A_169 = tpu.memref_squeeze %dma_wait3A_168 : memref<1x128xi32, #tpu.memory_space<vmem>> -> memref<128xi32, #tpu.memory_space<vmem>>
        %dma_wait3A_170 = arith.constant 0 : i32
        %dma_wait3A_171 = arith.constant 0 : i32
        %dma_wait3A_172 = tpu.memref_slice %arg10[%dma_wait3A_170, %dma_wait3A_171] : memref<10240x128xf32, #tpu.memory_space<vmem_shared>> -> memref<10240x128xf32, #tpu.memory_space<vmem_shared>>
        tpu.wait_indirect_dma semaphore(%run_scoped3A_160 : memref<!tpu.dma_semaphore, #tpu.memory_space<semaphore_mem>>) src(%arg8 : memref<128x128xf32, #tpu.memory_space<vmem>>) dst(%dma_wait3A_172 : memref<10240x128xf32, #tpu.memory_space<vmem_shared>>)
        tpu.yield
      }) : () -> ()
      %dma_start3A_62 = arith.constant 2 : i32
      %dma_start3A_63 = arith.constant 0 : i32
      %dma_start3A_64 = tpu.memref_slice %arg6[%dma_start3A_62, %dma_start3A_63] : memref<8x128xi32, #tpu.memory_space<vmem>> -> memref<1x128xi32, #tpu.memory_space<vmem>>
      %dma_start3A_65 = tpu.memref_squeeze %dma_start3A_64 : memref<1x128xi32, #tpu.memory_space<vmem>> -> memref<128xi32, #tpu.memory_space<vmem>>
      %dma_start3A_66 = arith.constant 0 : i32
      %dma_start3A_67 = arith.constant 0 : i32
      %dma_start3A_68 = tpu.memref_slice %arg2[%dma_start3A_66, %dma_start3A_67] : memref<10240x128xf32, #tpu.memory_space<hbm>> -> memref<10240x128xf32, #tpu.memory_space<hbm>>
      tpu.enqueue_indirect_dma source(%dma_start3A_68 : memref<10240x128xf32, #tpu.memory_space<hbm>>) target(%arg8 : memref<128x128xf32, #tpu.memory_space<vmem>>) offsets(%dma_start3A_65 : memref<128xi32, #tpu.memory_space<vmem>>) semaphore(%arg11 : memref<!tpu.dma_semaphore, #tpu.memory_space<semaphore_mem>>)
      %dma_wait3A_69 = arith.constant 1 : i32
      %dma_wait3A_70 = arith.constant 0 : i32
      %dma_wait3A_71 = tpu.memref_slice %arg6[%dma_wait3A_69, %dma_wait3A_70] : memref<8x128xi32, #tpu.memory_space<vmem>> -> memref<1x128xi32, #tpu.memory_space<vmem>>
      %dma_wait3A_72 = tpu.memref_squeeze %dma_wait3A_71 : memref<1x128xi32, #tpu.memory_space<vmem>> -> memref<128xi32, #tpu.memory_space<vmem>>
      %dma_wait3A_73 = arith.constant 0 : i32
      %dma_wait3A_74 = arith.constant 0 : i32
      %dma_wait3A_75 = tpu.memref_slice %arg2[%dma_wait3A_73, %dma_wait3A_74] : memref<10240x128xf32, #tpu.memory_space<hbm>> -> memref<10240x128xf32, #tpu.memory_space<hbm>>
      tpu.wait_indirect_dma semaphore(%arg12 : memref<!tpu.dma_semaphore, #tpu.memory_space<semaphore_mem>>) src(%dma_wait3A_75 : memref<10240x128xf32, #tpu.memory_space<hbm>>) dst(%arg9 : memref<128x128xf32, #tpu.memory_space<vmem>>)
      %run_scoped3A_76 = arith.constant 1 : i32
      "tpu.region"() ({
        %run_scoped3A_160 = tpu.sem_alloc : memref<!tpu.dma_semaphore, #tpu.memory_space<semaphore_mem>>
        %dma_start3A_161 = arith.constant 0 : i32
        %dma_start3A_162 = tpu.memref_slice %arg7[%run_scoped3A_76, %dma_start3A_161] : memref<8x128xi32, #tpu.memory_space<vmem>> -> memref<1x128xi32, #tpu.memory_space<vmem>>
        %dma_start3A_163 = tpu.memref_squeeze %dma_start3A_162 : memref<1x128xi32, #tpu.memory_space<vmem>> -> memref<128xi32, #tpu.memory_space<vmem>>
        %dma_start3A_164 = arith.constant 0 : i32
        %dma_start3A_165 = arith.constant 0 : i32
        %dma_start3A_166 = tpu.memref_slice %arg10[%dma_start3A_164, %dma_start3A_165] : memref<10240x128xf32, #tpu.memory_space<vmem_shared>> -> memref<10240x128xf32, #tpu.memory_space<vmem_shared>>
        tpu.enqueue_indirect_dma source(%arg9 : memref<128x128xf32, #tpu.memory_space<vmem>>) target(%dma_start3A_166 : memref<10240x128xf32, #tpu.memory_space<vmem_shared>>) offsets(%dma_start3A_163 : memref<128xi32, #tpu.memory_space<vmem>>) semaphore(%run_scoped3A_160 : memref<!tpu.dma_semaphore, #tpu.memory_space<semaphore_mem>>) {add = true}
        %dma_wait3A_167 = arith.constant 0 : i32
        %dma_wait3A_168 = tpu.memref_slice %arg7[%run_scoped3A_76, %dma_wait3A_167] : memref<8x128xi32, #tpu.memory_space<vmem>> -> memref<1x128xi32, #tpu.memory_space<vmem>>
        %dma_wait3A_169 = tpu.memref_squeeze %dma_wait3A_168 : memref<1x128xi32, #tpu.memory_space<vmem>> -> memref<128xi32, #tpu.memory_space<vmem>>
        %dma_wait3A_170 = arith.constant 0 : i32
        %dma_wait3A_171 = arith.constant 0 : i32
        %dma_wait3A_172 = tpu.memref_slice %arg10[%dma_wait3A_170, %dma_wait3A_171] : memref<10240x128xf32, #tpu.memory_space<vmem_shared>> -> memref<10240x128xf32, #tpu.memory_space<vmem_shared>>
        tpu.wait_indirect_dma semaphore(%run_scoped3A_160 : memref<!tpu.dma_semaphore, #tpu.memory_space<semaphore_mem>>) src(%arg9 : memref<128x128xf32, #tpu.memory_space<vmem>>) dst(%dma_wait3A_172 : memref<10240x128xf32, #tpu.memory_space<vmem_shared>>)
        tpu.yield
      }) : () -> ()
      %dma_start3A_77 = arith.constant 3 : i32
      %dma_start3A_78 = arith.constant 0 : i32
      %dma_start3A_79 = tpu.memref_slice %arg6[%dma_start3A_77, %dma_start3A_78] : memref<8x128xi32, #tpu.memory_space<vmem>> -> memref<1x128xi32, #tpu.memory_space<vmem>>
      %dma_start3A_80 = tpu.memref_squeeze %dma_start3A_79 : memref<1x128xi32, #tpu.memory_space<vmem>> -> memref<128xi32, #tpu.memory_space<vmem>>
      %dma_start3A_81 = arith.constant 0 : i32
      %dma_start3A_82 = arith.constant 0 : i32
      %dma_start3A_83 = tpu.memref_slice %arg2[%dma_start3A_81, %dma_start3A_82] : memref<10240x128xf32, #tpu.memory_space<hbm>> -> memref<10240x128xf32, #tpu.memory_space<hbm>>
      tpu.enqueue_indirect_dma source(%dma_start3A_83 : memref<10240x128xf32, #tpu.memory_space<hbm>>) target(%arg9 : memref<128x128xf32, #tpu.memory_space<vmem>>) offsets(%dma_start3A_80 : memref<128xi32, #tpu.memory_space<vmem>>) semaphore(%arg12 : memref<!tpu.dma_semaphore, #tpu.memory_space<semaphore_mem>>)
      %dma_wait3A_84 = arith.constant 2 : i32
      %dma_wait3A_85 = arith.constant 0 : i32
      %dma_wait3A_86 = tpu.memref_slice %arg6[%dma_wait3A_84, %dma_wait3A_85] : memref<8x128xi32, #tpu.memory_space<vmem>> -> memref<1x128xi32, #tpu.memory_space<vmem>>
      %dma_wait3A_87 = tpu.memref_squeeze %dma_wait3A_86 : memref<1x128xi32, #tpu.memory_space<vmem>> -> memref<128xi32, #tpu.memory_space<vmem>>
      %dma_wait3A_88 = arith.constant 0 : i32
      %dma_wait3A_89 = arith.constant 0 : i32
      %dma_wait3A_90 = tpu.memref_slice %arg2[%dma_wait3A_88, %dma_wait3A_89] : memref<10240x128xf32, #tpu.memory_space<hbm>> -> memref<10240x128xf32, #tpu.memory_space<hbm>>
      tpu.wait_indirect_dma semaphore(%arg11 : memref<!tpu.dma_semaphore, #tpu.memory_space<semaphore_mem>>) src(%dma_wait3A_90 : memref<10240x128xf32, #tpu.memory_space<hbm>>) dst(%arg8 : memref<128x128xf32, #tpu.memory_space<vmem>>)
      %run_scoped3A_91 = arith.constant 2 : i32
      "tpu.region"() ({
        %run_scoped3A_160 = tpu.sem_alloc : memref<!tpu.dma_semaphore, #tpu.memory_space<semaphore_mem>>
        %dma_start3A_161 = arith.constant 0 : i32
        %dma_start3A_162 = tpu.memref_slice %arg7[%run_scoped3A_91, %dma_start3A_161] : memref<8x128xi32, #tpu.memory_space<vmem>> -> memref<1x128xi32, #tpu.memory_space<vmem>>
        %dma_start3A_163 = tpu.memref_squeeze %dma_start3A_162 : memref<1x128xi32, #tpu.memory_space<vmem>> -> memref<128xi32, #tpu.memory_space<vmem>>
        %dma_start3A_164 = arith.constant 0 : i32
        %dma_start3A_165 = arith.constant 0 : i32
        %dma_start3A_166 = tpu.memref_slice %arg10[%dma_start3A_164, %dma_start3A_165] : memref<10240x128xf32, #tpu.memory_space<vmem_shared>> -> memref<10240x128xf32, #tpu.memory_space<vmem_shared>>
        tpu.enqueue_indirect_dma source(%arg8 : memref<128x128xf32, #tpu.memory_space<vmem>>) target(%dma_start3A_166 : memref<10240x128xf32, #tpu.memory_space<vmem_shared>>) offsets(%dma_start3A_163 : memref<128xi32, #tpu.memory_space<vmem>>) semaphore(%run_scoped3A_160 : memref<!tpu.dma_semaphore, #tpu.memory_space<semaphore_mem>>) {add = true}
        %dma_wait3A_167 = arith.constant 0 : i32
        %dma_wait3A_168 = tpu.memref_slice %arg7[%run_scoped3A_91, %dma_wait3A_167] : memref<8x128xi32, #tpu.memory_space<vmem>> -> memref<1x128xi32, #tpu.memory_space<vmem>>
        %dma_wait3A_169 = tpu.memref_squeeze %dma_wait3A_168 : memref<1x128xi32, #tpu.memory_space<vmem>> -> memref<128xi32, #tpu.memory_space<vmem>>
        %dma_wait3A_170 = arith.constant 0 : i32
        %dma_wait3A_171 = arith.constant 0 : i32
        %dma_wait3A_172 = tpu.memref_slice %arg10[%dma_wait3A_170, %dma_wait3A_171] : memref<10240x128xf32, #tpu.memory_space<vmem_shared>> -> memref<10240x128xf32, #tpu.memory_space<vmem_shared>>
        tpu.wait_indirect_dma semaphore(%run_scoped3A_160 : memref<!tpu.dma_semaphore, #tpu.memory_space<semaphore_mem>>) src(%arg8 : memref<128x128xf32, #tpu.memory_space<vmem>>) dst(%dma_wait3A_172 : memref<10240x128xf32, #tpu.memory_space<vmem_shared>>)
        tpu.yield
      }) : () -> ()
      %dma_start3A_92 = arith.constant 4 : i32
      %dma_start3A_93 = arith.constant 0 : i32
      %dma_start3A_94 = tpu.memref_slice %arg6[%dma_start3A_92, %dma_start3A_93] : memref<8x128xi32, #tpu.memory_space<vmem>> -> memref<1x128xi32, #tpu.memory_space<vmem>>
      %dma_start3A_95 = tpu.memref_squeeze %dma_start3A_94 : memref<1x128xi32, #tpu.memory_space<vmem>> -> memref<128xi32, #tpu.memory_space<vmem>>
      %dma_start3A_96 = arith.constant 0 : i32
      %dma_start3A_97 = arith.constant 0 : i32
      %dma_start3A_98 = tpu.memref_slice %arg2[%dma_start3A_96, %dma_start3A_97] : memref<10240x128xf32, #tpu.memory_space<hbm>> -> memref<10240x128xf32, #tpu.memory_space<hbm>>
      tpu.enqueue_indirect_dma source(%dma_start3A_98 : memref<10240x128xf32, #tpu.memory_space<hbm>>) target(%arg8 : memref<128x128xf32, #tpu.memory_space<vmem>>) offsets(%dma_start3A_95 : memref<128xi32, #tpu.memory_space<vmem>>) semaphore(%arg11 : memref<!tpu.dma_semaphore, #tpu.memory_space<semaphore_mem>>)
      %dma_wait3A_99 = arith.constant 3 : i32
      %dma_wait3A_100 = arith.constant 0 : i32
      %dma_wait3A_101 = tpu.memref_slice %arg6[%dma_wait3A_99, %dma_wait3A_100] : memref<8x128xi32, #tpu.memory_space<vmem>> -> memref<1x128xi32, #tpu.memory_space<vmem>>
      %dma_wait3A_102 = tpu.memref_squeeze %dma_wait3A_101 : memref<1x128xi32, #tpu.memory_space<vmem>> -> memref<128xi32, #tpu.memory_space<vmem>>
      %dma_wait3A_103 = arith.constant 0 : i32
      %dma_wait3A_104 = arith.constant 0 : i32
      %dma_wait3A_105 = tpu.memref_slice %arg2[%dma_wait3A_103, %dma_wait3A_104] : memref<10240x128xf32, #tpu.memory_space<hbm>> -> memref<10240x128xf32, #tpu.memory_space<hbm>>
      tpu.wait_indirect_dma semaphore(%arg12 : memref<!tpu.dma_semaphore, #tpu.memory_space<semaphore_mem>>) src(%dma_wait3A_105 : memref<10240x128xf32, #tpu.memory_space<hbm>>) dst(%arg9 : memref<128x128xf32, #tpu.memory_space<vmem>>)
      %run_scoped3A_106 = arith.constant 3 : i32
      "tpu.region"() ({
        %run_scoped3A_160 = tpu.sem_alloc : memref<!tpu.dma_semaphore, #tpu.memory_space<semaphore_mem>>
        %dma_start3A_161 = arith.constant 0 : i32
        %dma_start3A_162 = tpu.memref_slice %arg7[%run_scoped3A_106, %dma_start3A_161] : memref<8x128xi32, #tpu.memory_space<vmem>> -> memref<1x128xi32, #tpu.memory_space<vmem>>
        %dma_start3A_163 = tpu.memref_squeeze %dma_start3A_162 : memref<1x128xi32, #tpu.memory_space<vmem>> -> memref<128xi32, #tpu.memory_space<vmem>>
        %dma_start3A_164 = arith.constant 0 : i32
        %dma_start3A_165 = arith.constant 0 : i32
        %dma_start3A_166 = tpu.memref_slice %arg10[%dma_start3A_164, %dma_start3A_165] : memref<10240x128xf32, #tpu.memory_space<vmem_shared>> -> memref<10240x128xf32, #tpu.memory_space<vmem_shared>>
        tpu.enqueue_indirect_dma source(%arg9 : memref<128x128xf32, #tpu.memory_space<vmem>>) target(%dma_start3A_166 : memref<10240x128xf32, #tpu.memory_space<vmem_shared>>) offsets(%dma_start3A_163 : memref<128xi32, #tpu.memory_space<vmem>>) semaphore(%run_scoped3A_160 : memref<!tpu.dma_semaphore, #tpu.memory_space<semaphore_mem>>) {add = true}
        %dma_wait3A_167 = arith.constant 0 : i32
        %dma_wait3A_168 = tpu.memref_slice %arg7[%run_scoped3A_106, %dma_wait3A_167] : memref<8x128xi32, #tpu.memory_space<vmem>> -> memref<1x128xi32, #tpu.memory_space<vmem>>
        %dma_wait3A_169 = tpu.memref_squeeze %dma_wait3A_168 : memref<1x128xi32, #tpu.memory_space<vmem>> -> memref<128xi32, #tpu.memory_space<vmem>>
        %dma_wait3A_170 = arith.constant 0 : i32
        %dma_wait3A_171 = arith.constant 0 : i32
        %dma_wait3A_172 = tpu.memref_slice %arg10[%dma_wait3A_170, %dma_wait3A_171] : memref<10240x128xf32, #tpu.memory_space<vmem_shared>> -> memref<10240x128xf32, #tpu.memory_space<vmem_shared>>
        tpu.wait_indirect_dma semaphore(%run_scoped3A_160 : memref<!tpu.dma_semaphore, #tpu.memory_space<semaphore_mem>>) src(%arg9 : memref<128x128xf32, #tpu.memory_space<vmem>>) dst(%dma_wait3A_172 : memref<10240x128xf32, #tpu.memory_space<vmem_shared>>)
        tpu.yield
      }) : () -> ()
      %dma_start3A_107 = arith.constant 5 : i32
      %dma_start3A_108 = arith.constant 0 : i32
      %dma_start3A_109 = tpu.memref_slice %arg6[%dma_start3A_107, %dma_start3A_108] : memref<8x128xi32, #tpu.memory_space<vmem>> -> memref<1x128xi32, #tpu.memory_space<vmem>>
      %dma_start3A_110 = tpu.memref_squeeze %dma_start3A_109 : memref<1x128xi32, #tpu.memory_space<vmem>> -> memref<128xi32, #tpu.memory_space<vmem>>
      %dma_start3A_111 = arith.constant 0 : i32
      %dma_start3A_112 = arith.constant 0 : i32
      %dma_start3A_113 = tpu.memref_slice %arg2[%dma_start3A_111, %dma_start3A_112] : memref<10240x128xf32, #tpu.memory_space<hbm>> -> memref<10240x128xf32, #tpu.memory_space<hbm>>
      tpu.enqueue_indirect_dma source(%dma_start3A_113 : memref<10240x128xf32, #tpu.memory_space<hbm>>) target(%arg9 : memref<128x128xf32, #tpu.memory_space<vmem>>) offsets(%dma_start3A_110 : memref<128xi32, #tpu.memory_space<vmem>>) semaphore(%arg12 : memref<!tpu.dma_semaphore, #tpu.memory_space<semaphore_mem>>)
      %dma_wait3A_114 = arith.constant 4 : i32
      %dma_wait3A_115 = arith.constant 0 : i32
      %dma_wait3A_116 = tpu.memref_slice %arg6[%dma_wait3A_114, %dma_wait3A_115] : memref<8x128xi32, #tpu.memory_space<vmem>> -> memref<1x128xi32, #tpu.memory_space<vmem>>
      %dma_wait3A_117 = tpu.memref_squeeze %dma_wait3A_116 : memref<1x128xi32, #tpu.memory_space<vmem>> -> memref<128xi32, #tpu.memory_space<vmem>>
      %dma_wait3A_118 = arith.constant 0 : i32
      %dma_wait3A_119 = arith.constant 0 : i32
      %dma_wait3A_120 = tpu.memref_slice %arg2[%dma_wait3A_118, %dma_wait3A_119] : memref<10240x128xf32, #tpu.memory_space<hbm>> -> memref<10240x128xf32, #tpu.memory_space<hbm>>
      tpu.wait_indirect_dma semaphore(%arg11 : memref<!tpu.dma_semaphore, #tpu.memory_space<semaphore_mem>>) src(%dma_wait3A_120 : memref<10240x128xf32, #tpu.memory_space<hbm>>) dst(%arg8 : memref<128x128xf32, #tpu.memory_space<vmem>>)
      %run_scoped3A_121 = arith.constant 4 : i32
      "tpu.region"() ({
        %run_scoped3A_160 = tpu.sem_alloc : memref<!tpu.dma_semaphore, #tpu.memory_space<semaphore_mem>>
        %dma_start3A_161 = arith.constant 0 : i32
        %dma_start3A_162 = tpu.memref_slice %arg7[%run_scoped3A_121, %dma_start3A_161] : memref<8x128xi32, #tpu.memory_space<vmem>> -> memref<1x128xi32, #tpu.memory_space<vmem>>
        %dma_start3A_163 = tpu.memref_squeeze %dma_start3A_162 : memref<1x128xi32, #tpu.memory_space<vmem>> -> memref<128xi32, #tpu.memory_space<vmem>>
        %dma_start3A_164 = arith.constant 0 : i32
        %dma_start3A_165 = arith.constant 0 : i32
        %dma_start3A_166 = tpu.memref_slice %arg10[%dma_start3A_164, %dma_start3A_165] : memref<10240x128xf32, #tpu.memory_space<vmem_shared>> -> memref<10240x128xf32, #tpu.memory_space<vmem_shared>>
        tpu.enqueue_indirect_dma source(%arg8 : memref<128x128xf32, #tpu.memory_space<vmem>>) target(%dma_start3A_166 : memref<10240x128xf32, #tpu.memory_space<vmem_shared>>) offsets(%dma_start3A_163 : memref<128xi32, #tpu.memory_space<vmem>>) semaphore(%run_scoped3A_160 : memref<!tpu.dma_semaphore, #tpu.memory_space<semaphore_mem>>) {add = true}
        %dma_wait3A_167 = arith.constant 0 : i32
        %dma_wait3A_168 = tpu.memref_slice %arg7[%run_scoped3A_121, %dma_wait3A_167] : memref<8x128xi32, #tpu.memory_space<vmem>> -> memref<1x128xi32, #tpu.memory_space<vmem>>
        %dma_wait3A_169 = tpu.memref_squeeze %dma_wait3A_168 : memref<1x128xi32, #tpu.memory_space<vmem>> -> memref<128xi32, #tpu.memory_space<vmem>>
        %dma_wait3A_170 = arith.constant 0 : i32
        %dma_wait3A_171 = arith.constant 0 : i32
        %dma_wait3A_172 = tpu.memref_slice %arg10[%dma_wait3A_170, %dma_wait3A_171] : memref<10240x128xf32, #tpu.memory_space<vmem_shared>> -> memref<10240x128xf32, #tpu.memory_space<vmem_shared>>
        tpu.wait_indirect_dma semaphore(%run_scoped3A_160 : memref<!tpu.dma_semaphore, #tpu.memory_space<semaphore_mem>>) src(%arg8 : memref<128x128xf32, #tpu.memory_space<vmem>>) dst(%dma_wait3A_172 : memref<10240x128xf32, #tpu.memory_space<vmem_shared>>)
        tpu.yield
      }) : () -> ()
      %dma_start3A_122 = arith.constant 6 : i32
      %dma_start3A_123 = arith.constant 0 : i32
      %dma_start3A_124 = tpu.memref_slice %arg6[%dma_start3A_122, %dma_start3A_123] : memref<8x128xi32, #tpu.memory_space<vmem>> -> memref<1x128xi32, #tpu.memory_space<vmem>>
      %dma_start3A_125 = tpu.memref_squeeze %dma_start3A_124 : memref<1x128xi32, #tpu.memory_space<vmem>> -> memref<128xi32, #tpu.memory_space<vmem>>
      %dma_start3A_126 = arith.constant 0 : i32
      %dma_start3A_127 = arith.constant 0 : i32
      %dma_start3A_128 = tpu.memref_slice %arg2[%dma_start3A_126, %dma_start3A_127] : memref<10240x128xf32, #tpu.memory_space<hbm>> -> memref<10240x128xf32, #tpu.memory_space<hbm>>
      tpu.enqueue_indirect_dma source(%dma_start3A_128 : memref<10240x128xf32, #tpu.memory_space<hbm>>) target(%arg8 : memref<128x128xf32, #tpu.memory_space<vmem>>) offsets(%dma_start3A_125 : memref<128xi32, #tpu.memory_space<vmem>>) semaphore(%arg11 : memref<!tpu.dma_semaphore, #tpu.memory_space<semaphore_mem>>)
      %dma_wait3A_129 = arith.constant 5 : i32
      %dma_wait3A_130 = arith.constant 0 : i32
      %dma_wait3A_131 = tpu.memref_slice %arg6[%dma_wait3A_129, %dma_wait3A_130] : memref<8x128xi32, #tpu.memory_space<vmem>> -> memref<1x128xi32, #tpu.memory_space<vmem>>
      %dma_wait3A_132 = tpu.memref_squeeze %dma_wait3A_131 : memref<1x128xi32, #tpu.memory_space<vmem>> -> memref<128xi32, #tpu.memory_space<vmem>>
      %dma_wait3A_133 = arith.constant 0 : i32
      %dma_wait3A_134 = arith.constant 0 : i32
      %dma_wait3A_135 = tpu.memref_slice %arg2[%dma_wait3A_133, %dma_wait3A_134] : memref<10240x128xf32, #tpu.memory_space<hbm>> -> memref<10240x128xf32, #tpu.memory_space<hbm>>
      tpu.wait_indirect_dma semaphore(%arg12 : memref<!tpu.dma_semaphore, #tpu.memory_space<semaphore_mem>>) src(%dma_wait3A_135 : memref<10240x128xf32, #tpu.memory_space<hbm>>) dst(%arg9 : memref<128x128xf32, #tpu.memory_space<vmem>>)
      %run_scoped3A_136 = arith.constant 5 : i32
      "tpu.region"() ({
        %run_scoped3A_160 = tpu.sem_alloc : memref<!tpu.dma_semaphore, #tpu.memory_space<semaphore_mem>>
        %dma_start3A_161 = arith.constant 0 : i32
        %dma_start3A_162 = tpu.memref_slice %arg7[%run_scoped3A_136, %dma_start3A_161] : memref<8x128xi32, #tpu.memory_space<vmem>> -> memref<1x128xi32, #tpu.memory_space<vmem>>
        %dma_start3A_163 = tpu.memref_squeeze %dma_start3A_162 : memref<1x128xi32, #tpu.memory_space<vmem>> -> memref<128xi32, #tpu.memory_space<vmem>>
        %dma_start3A_164 = arith.constant 0 : i32
        %dma_start3A_165 = arith.constant 0 : i32
        %dma_start3A_166 = tpu.memref_slice %arg10[%dma_start3A_164, %dma_start3A_165] : memref<10240x128xf32, #tpu.memory_space<vmem_shared>> -> memref<10240x128xf32, #tpu.memory_space<vmem_shared>>
        tpu.enqueue_indirect_dma source(%arg9 : memref<128x128xf32, #tpu.memory_space<vmem>>) target(%dma_start3A_166 : memref<10240x128xf32, #tpu.memory_space<vmem_shared>>) offsets(%dma_start3A_163 : memref<128xi32, #tpu.memory_space<vmem>>) semaphore(%run_scoped3A_160 : memref<!tpu.dma_semaphore, #tpu.memory_space<semaphore_mem>>) {add = true}
        %dma_wait3A_167 = arith.constant 0 : i32
        %dma_wait3A_168 = tpu.memref_slice %arg7[%run_scoped3A_136, %dma_wait3A_167] : memref<8x128xi32, #tpu.memory_space<vmem>> -> memref<1x128xi32, #tpu.memory_space<vmem>>
        %dma_wait3A_169 = tpu.memref_squeeze %dma_wait3A_168 : memref<1x128xi32, #tpu.memory_space<vmem>> -> memref<128xi32, #tpu.memory_space<vmem>>
        %dma_wait3A_170 = arith.constant 0 : i32
        %dma_wait3A_171 = arith.constant 0 : i32
        %dma_wait3A_172 = tpu.memref_slice %arg10[%dma_wait3A_170, %dma_wait3A_171] : memref<10240x128xf32, #tpu.memory_space<vmem_shared>> -> memref<10240x128xf32, #tpu.memory_space<vmem_shared>>
        tpu.wait_indirect_dma semaphore(%run_scoped3A_160 : memref<!tpu.dma_semaphore, #tpu.memory_space<semaphore_mem>>) src(%arg9 : memref<128x128xf32, #tpu.memory_space<vmem>>) dst(%dma_wait3A_172 : memref<10240x128xf32, #tpu.memory_space<vmem_shared>>)
        tpu.yield
      }) : () -> ()
      %dma_start3A_137 = arith.constant 7 : i32
      %dma_start3A_138 = arith.constant 0 : i32
      %dma_start3A_139 = tpu.memref_slice %arg6[%dma_start3A_137, %dma_start3A_138] : memref<8x128xi32, #tpu.memory_space<vmem>> -> memref<1x128xi32, #tpu.memory_space<vmem>>
      %dma_start3A_140 = tpu.memref_squeeze %dma_start3A_139 : memref<1x128xi32, #tpu.memory_space<vmem>> -> memref<128xi32, #tpu.memory_space<vmem>>
      %dma_start3A_141 = arith.constant 0 : i32
      %dma_start3A_142 = arith.constant 0 : i32
      %dma_start3A_143 = tpu.memref_slice %arg2[%dma_start3A_141, %dma_start3A_142] : memref<10240x128xf32, #tpu.memory_space<hbm>> -> memref<10240x128xf32, #tpu.memory_space<hbm>>
      tpu.enqueue_indirect_dma source(%dma_start3A_143 : memref<10240x128xf32, #tpu.memory_space<hbm>>) target(%arg9 : memref<128x128xf32, #tpu.memory_space<vmem>>) offsets(%dma_start3A_140 : memref<128xi32, #tpu.memory_space<vmem>>) semaphore(%arg12 : memref<!tpu.dma_semaphore, #tpu.memory_space<semaphore_mem>>)
      %dma_wait3A_144 = arith.constant 6 : i32
      %dma_wait3A_145 = arith.constant 0 : i32
      %dma_wait3A_146 = tpu.memref_slice %arg6[%dma_wait3A_144, %dma_wait3A_145] : memref<8x128xi32, #tpu.memory_space<vmem>> -> memref<1x128xi32, #tpu.memory_space<vmem>>
      %dma_wait3A_147 = tpu.memref_squeeze %dma_wait3A_146 : memref<1x128xi32, #tpu.memory_space<vmem>> -> memref<128xi32, #tpu.memory_space<vmem>>
      %dma_wait3A_148 = arith.constant 0 : i32
      %dma_wait3A_149 = arith.constant 0 : i32
      %dma_wait3A_150 = tpu.memref_slice %arg2[%dma_wait3A_148, %dma_wait3A_149] : memref<10240x128xf32, #tpu.memory_space<hbm>> -> memref<10240x128xf32, #tpu.memory_space<hbm>>
      tpu.wait_indirect_dma semaphore(%arg11 : memref<!tpu.dma_semaphore, #tpu.memory_space<semaphore_mem>>) src(%dma_wait3A_150 : memref<10240x128xf32, #tpu.memory_space<hbm>>) dst(%arg8 : memref<128x128xf32, #tpu.memory_space<vmem>>)
      %run_scoped3A_151 = arith.constant 6 : i32
      "tpu.region"() ({
        %run_scoped3A_160 = tpu.sem_alloc : memref<!tpu.dma_semaphore, #tpu.memory_space<semaphore_mem>>
        %dma_start3A_161 = arith.constant 0 : i32
        %dma_start3A_162 = tpu.memref_slice %arg7[%run_scoped3A_151, %dma_start3A_161] : memref<8x128xi32, #tpu.memory_space<vmem>> -> memref<1x128xi32, #tpu.memory_space<vmem>>
        %dma_start3A_163 = tpu.memref_squeeze %dma_start3A_162 : memref<1x128xi32, #tpu.memory_space<vmem>> -> memref<128xi32, #tpu.memory_space<vmem>>
        %dma_start3A_164 = arith.constant 0 : i32
        %dma_start3A_165 = arith.constant 0 : i32
        %dma_start3A_166 = tpu.memref_slice %arg10[%dma_start3A_164, %dma_start3A_165] : memref<10240x128xf32, #tpu.memory_space<vmem_shared>> -> memref<10240x128xf32, #tpu.memory_space<vmem_shared>>
        tpu.enqueue_indirect_dma source(%arg8 : memref<128x128xf32, #tpu.memory_space<vmem>>) target(%dma_start3A_166 : memref<10240x128xf32, #tpu.memory_space<vmem_shared>>) offsets(%dma_start3A_163 : memref<128xi32, #tpu.memory_space<vmem>>) semaphore(%run_scoped3A_160 : memref<!tpu.dma_semaphore, #tpu.memory_space<semaphore_mem>>) {add = true}
        %dma_wait3A_167 = arith.constant 0 : i32
        %dma_wait3A_168 = tpu.memref_slice %arg7[%run_scoped3A_151, %dma_wait3A_167] : memref<8x128xi32, #tpu.memory_space<vmem>> -> memref<1x128xi32, #tpu.memory_space<vmem>>
        %dma_wait3A_169 = tpu.memref_squeeze %dma_wait3A_168 : memref<1x128xi32, #tpu.memory_space<vmem>> -> memref<128xi32, #tpu.memory_space<vmem>>
        %dma_wait3A_170 = arith.constant 0 : i32
        %dma_wait3A_171 = arith.constant 0 : i32
        %dma_wait3A_172 = tpu.memref_slice %arg10[%dma_wait3A_170, %dma_wait3A_171] : memref<10240x128xf32, #tpu.memory_space<vmem_shared>> -> memref<10240x128xf32, #tpu.memory_space<vmem_shared>>
        tpu.wait_indirect_dma semaphore(%run_scoped3A_160 : memref<!tpu.dma_semaphore, #tpu.memory_space<semaphore_mem>>) src(%arg8 : memref<128x128xf32, #tpu.memory_space<vmem>>) dst(%dma_wait3A_172 : memref<10240x128xf32, #tpu.memory_space<vmem_shared>>)
        tpu.yield
      }) : () -> ()
      %dma_wait3A_152 = arith.constant 7 : i32
      %dma_wait3A_153 = arith.constant 0 : i32
      %dma_wait3A_154 = tpu.memref_slice %arg6[%dma_wait3A_152, %dma_wait3A_153] : memref<8x128xi32, #tpu.memory_space<vmem>> -> memref<1x128xi32, #tpu.memory_space<vmem>>
      %dma_wait3A_155 = tpu.memref_squeeze %dma_wait3A_154 : memref<1x128xi32, #tpu.memory_space<vmem>> -> memref<128xi32, #tpu.memory_space<vmem>>
      %dma_wait3A_156 = arith.constant 0 : i32
      %dma_wait3A_157 = arith.constant 0 : i32
      %dma_wait3A_158 = tpu.memref_slice %arg2[%dma_wait3A_156, %dma_wait3A_157] : memref<10240x128xf32, #tpu.memory_space<hbm>> -> memref<10240x128xf32, #tpu.memory_space<hbm>>
      tpu.wait_indirect_dma semaphore(%arg12 : memref<!tpu.dma_semaphore, #tpu.memory_space<semaphore_mem>>) src(%dma_wait3A_158 : memref<10240x128xf32, #tpu.memory_space<hbm>>) dst(%arg9 : memref<128x128xf32, #tpu.memory_space<vmem>>)
      %run_scoped3A_159 = arith.constant 7 : i32
      "tpu.region"() ({
        %run_scoped3A_160 = tpu.sem_alloc : memref<!tpu.dma_semaphore, #tpu.memory_space<semaphore_mem>>
        %dma_start3A_161 = arith.constant 0 : i32
        %dma_start3A_162 = tpu.memref_slice %arg7[%run_scoped3A_159, %dma_start3A_161] : memref<8x128xi32, #tpu.memory_space<vmem>> -> memref<1x128xi32, #tpu.memory_space<vmem>>
        %dma_start3A_163 = tpu.memref_squeeze %dma_start3A_162 : memref<1x128xi32, #tpu.memory_space<vmem>> -> memref<128xi32, #tpu.memory_space<vmem>>
        %dma_start3A_164 = arith.constant 0 : i32
        %dma_start3A_165 = arith.constant 0 : i32
        %dma_start3A_166 = tpu.memref_slice %arg10[%dma_start3A_164, %dma_start3A_165] : memref<10240x128xf32, #tpu.memory_space<vmem_shared>> -> memref<10240x128xf32, #tpu.memory_space<vmem_shared>>
        tpu.enqueue_indirect_dma source(%arg9 : memref<128x128xf32, #tpu.memory_space<vmem>>) target(%dma_start3A_166 : memref<10240x128xf32, #tpu.memory_space<vmem_shared>>) offsets(%dma_start3A_163 : memref<128xi32, #tpu.memory_space<vmem>>) semaphore(%run_scoped3A_160 : memref<!tpu.dma_semaphore, #tpu.memory_space<semaphore_mem>>) {add = true}
        %dma_wait3A_167 = arith.constant 0 : i32
        %dma_wait3A_168 = tpu.memref_slice %arg7[%run_scoped3A_159, %dma_wait3A_167] : memref<8x128xi32, #tpu.memory_space<vmem>> -> memref<1x128xi32, #tpu.memory_space<vmem>>
        %dma_wait3A_169 = tpu.memref_squeeze %dma_wait3A_168 : memref<1x128xi32, #tpu.memory_space<vmem>> -> memref<128xi32, #tpu.memory_space<vmem>>
        %dma_wait3A_170 = arith.constant 0 : i32
        %dma_wait3A_171 = arith.constant 0 : i32
        %dma_wait3A_172 = tpu.memref_slice %arg10[%dma_wait3A_170, %dma_wait3A_171] : memref<10240x128xf32, #tpu.memory_space<vmem_shared>> -> memref<10240x128xf32, #tpu.memory_space<vmem_shared>>
        tpu.wait_indirect_dma semaphore(%run_scoped3A_160 : memref<!tpu.dma_semaphore, #tpu.memory_space<semaphore_mem>>) src(%arg9 : memref<128x128xf32, #tpu.memory_space<vmem>>) dst(%dma_wait3A_172 : memref<10240x128xf32, #tpu.memory_space<vmem_shared>>)
        tpu.yield
      }) : () -> ()
    }
    %scan3A_32 = arith.constant 10 : i32
    %barrier3A_33 = arith.constant 0 : index
    tpu.barrier barrier_id(%barrier3A_33)
    %mul3A_34 = arith.constant 640 : i32
    %mul3A_35 = arith.muli %arg1, %mul3A_34 : i32
    %mul3A_36 = arith.constant 640 : i32
    %mul3A_37 = arith.muli %arg1, %mul3A_36 : i32
    "tpu.region"() ({
      %run_scoped3A = tpu.sem_alloc : memref<!tpu.dma_semaphore, #tpu.memory_space<semaphore_mem>>
      %dma_start3A = arith.constant 0 : i32
      %dma_start3A_38 = tpu.memref_slice %arg5[%arg0, %mul3A_37, %dma_start3A] : memref<2x10240x128xf32, #tpu.memory_space<hbm>> -> memref<1x640x128xf32, #tpu.memory_space<hbm>>
      %dma_start3A_39 = tpu.memref_squeeze %dma_start3A_38 : memref<1x640x128xf32, #tpu.memory_space<hbm>> -> memref<640x128xf32, #tpu.memory_space<hbm>>
      %dma_start3A_40 = arith.constant 0 : i32
      %dma_start3A_41 = tpu.memref_slice %arg10[%mul3A_35, %dma_start3A_40] : memref<10240x128xf32, #tpu.memory_space<vmem_shared>> -> memref<640x128xf32, #tpu.memory_space<vmem_shared>>
      tpu.enqueue_dma source(%dma_start3A_41 : memref<640x128xf32, #tpu.memory_space<vmem_shared>>) target(%dma_start3A_39 : memref<640x128xf32, #tpu.memory_space<hbm>>) target_semaphore(%run_scoped3A : memref<!tpu.dma_semaphore, #tpu.memory_space<semaphore_mem>>)
      %dma_wait3A = arith.constant 0 : i32
      %dma_wait3A_42 = tpu.memref_slice %arg5[%arg0, %mul3A_37, %dma_wait3A] : memref<2x10240x128xf32, #tpu.memory_space<hbm>> -> memref<1x640x128xf32, #tpu.memory_space<hbm>>
      %dma_wait3A_43 = tpu.memref_squeeze %dma_wait3A_42 : memref<1x640x128xf32, #tpu.memory_space<hbm>> -> memref<640x128xf32, #tpu.memory_space<hbm>>
      %dma_wait3A_44 = arith.constant 0 : i32
      %dma_wait3A_45 = tpu.memref_slice %arg10[%mul3A_35, %dma_wait3A_44] : memref<10240x128xf32, #tpu.memory_space<vmem_shared>> -> memref<640x128xf32, #tpu.memory_space<vmem_shared>>
      tpu.wait_dma2 semaphore(%run_scoped3A : memref<!tpu.dma_semaphore, #tpu.memory_space<semaphore_mem>>) src(%dma_wait3A_45 : memref<640x128xf32, #tpu.memory_space<vmem_shared>>) dst(%dma_wait3A_43 : memref<640x128xf32, #tpu.memory_space<hbm>>)
      tpu.yield
    }) : () -> ()
    return
  }
}

module attributes {stable_mosaic.version = 14 : i64} {
  func.func @_tc_hs1_body(%arg0: i32, %arg1: memref<1024x128xf32, #tpu.memory_space<vmem>>, %arg2: memref<128x128xf32, #tpu.memory_space<vmem>>, %arg3: memref<1024x128xf32, #tpu.memory_space<vmem>>, %arg4: memref<1024x128xf32, #tpu.memory_space<vmem>>, %arg5: memref<1024x128xf32, #tpu.memory_space<vmem>>) attributes {dimension_semantics = [#tpu.dimension_semantics<arbitrary>], iteration_bounds = array<i64: 10>, scalar_prefetch = 0 : i64, scratch_operands = 0 : i64, tpu.core_type = #tpu.core_type<tc>, window_params = [{transform_indices = @transform_0, window_bounds = array<i64: 1024, 128>}, {pipeline_mode = #tpu.pipeline_mode<synchronous>, transform_indices = @transform_1, window_bounds = array<i64: 128, 128>}, {transform_indices = @transform_2, window_bounds = array<i64: 1024, 128>}, {transform_indices = @transform_3, window_bounds = array<i64: 1024, 128>}, {transform_indices = @transform_4, window_bounds = array<i64: 1024, 128>}]} {
    %get3A = arith.constant 0 : index
    %get3A_0 = arith.constant 0 : index
    %get3A_1 = vector.load %arg3[%get3A, %get3A_0] : memref<1024x128xf32, #tpu.memory_space<vmem>>, vector<1024x1xf32>
    %get3A_2 = arith.constant 0 : index
    %get3A_3 = arith.constant 0 : index
    %get3A_4 = vector.load %arg4[%get3A_2, %get3A_3] : memref<1024x128xf32, #tpu.memory_space<vmem>>, vector<1024x1xf32>
    %add3A = arith.addf %get3A_1, %get3A_4 : vector<1024x1xf32>
    %add3A_5 = arith.constant 1.000000e+00 : f32
    %add3A_6 = vector.broadcast %add3A_5 : f32 to vector<1024x1xf32>
    %add3A_7 = arith.addf %add3A, %add3A_6 : vector<1024x1xf32>
    %max3A = arith.constant 1.000000e+00 : f32
    %max3A_8 = vector.broadcast %max3A : f32 to vector<1024x1xf32>
    %max3A_9 = arith.maximumf %add3A_7, %max3A_8 : vector<1024x1xf32>
    %rsqrt3A = math.rsqrt %max3A_9 : vector<1024x1xf32>
    %get3A_10 = arith.constant 0 : index
    %get3A_11 = arith.constant 0 : index
    %get3A_12 = vector.load %arg1[%get3A_10, %get3A_11] : memref<1024x128xf32, #tpu.memory_space<vmem>>, vector<1024x128xf32>
    %get3A_13 = arith.constant 0 : index
    %get3A_14 = arith.constant 0 : index
    %get3A_15 = vector.load %arg2[%get3A_13, %get3A_14] : memref<128x128xf32, #tpu.memory_space<vmem>>, vector<128x128xf32>
    %dot_general3A = arith.constant dense<0.000000e+00> : vector<1024x128xf32>
    %dot_general3A_16 = tpu.matmul %get3A_12, %get3A_15, %dot_general3A {dimension_numbers = #tpu.dot_dimension_numbers<[1], [0], [0], [1], [0, 0, 1, 1], [], []>, transpose_lhs_hint = false} : vector<1024x128xf32>, vector<128x128xf32>, vector<1024x128xf32> -> vector<1024x128xf32>
    %mul3A = vector.broadcast %rsqrt3A : vector<1024x1xf32> to vector<1024x128xf32>
    %mul3A_17 = arith.mulf %dot_general3A_16, %mul3A : vector<1024x128xf32>
    %swap3A = arith.constant 0 : index
    %swap3A_18 = arith.constant 0 : index
    %swap3A_19 = vector.load %arg5[%swap3A, %swap3A_18] : memref<1024x128xf32, #tpu.memory_space<vmem>>, vector<1024x128xf32>
    tpu.vector_store %arg5[%swap3A, %swap3A_18], %mul3A_17 {strides = array<i32>} : memref<1024x128xf32, #tpu.memory_space<vmem>>, vector<1024x128xf32>,
    return
  }
  func.func @transform_0(%arg0: i32) -> (i32, i32) {
    %c0_i32 = arith.constant 0 : i32
    %c0_i32_0 = arith.constant 0 : i32
    return %arg0, %c0_i32 : i32, i32
  }
  func.func @transform_1(%arg0: i32) -> (i32, i32) {
    %c0_i32 = arith.constant 0 : i32
    %c0_i32_0 = arith.constant 0 : i32
    %c0_i32_1 = arith.constant 0 : i32
    return %c0_i32, %c0_i32_0 : i32, i32
  }
  func.func @transform_2(%arg0: i32) -> (i32, i32) {
    %c0_i32 = arith.constant 0 : i32
    %c0_i32_0 = arith.constant 0 : i32
    return %arg0, %c0_i32 : i32, i32
  }
  func.func @transform_3(%arg0: i32) -> (i32, i32) {
    %c0_i32 = arith.constant 0 : i32
    %c0_i32_0 = arith.constant 0 : i32
    return %arg0, %c0_i32 : i32, i32
  }
  func.func @transform_4(%arg0: i32) -> (i32, i32) {
    %c0_i32 = arith.constant 0 : i32
    %c0_i32_0 = arith.constant 0 : i32
    return %arg0, %c0_i32 : i32, i32
  }
}

module attributes {stable_mosaic.version = 14 : i64} {
  func.func @_tc_layer_body(%arg0: i32, %arg1: memref<1024x128xf32, #tpu.memory_space<vmem>>, %arg2: memref<1024x128xf32, #tpu.memory_space<vmem>>, %arg3: memref<1024x128xf32, #tpu.memory_space<vmem>>, %arg4: memref<1024x128xf32, #tpu.memory_space<vmem>>, %arg5: memref<1024x128xf32, #tpu.memory_space<vmem>>, %arg6: memref<1x128xf32, #tpu.memory_space<vmem>>, %arg7: memref<128x128xf32, #tpu.memory_space<vmem>>, %arg8: memref<1024x128xf32, #tpu.memory_space<vmem>>) attributes {dimension_semantics = [#tpu.dimension_semantics<arbitrary>], iteration_bounds = array<i64: 10>, scalar_prefetch = 0 : i64, scratch_operands = 0 : i64, tpu.core_type = #tpu.core_type<tc>, window_params = [{transform_indices = @transform_0, window_bounds = array<i64: 1024, 128>}, {transform_indices = @transform_1, window_bounds = array<i64: 1024, 128>}, {transform_indices = @transform_2, window_bounds = array<i64: 1024, 128>}, {transform_indices = @transform_3, window_bounds = array<i64: 1024, 128>}, {transform_indices = @transform_4, window_bounds = array<i64: 1024, 128>}, {pipeline_mode = #tpu.pipeline_mode<synchronous>, transform_indices = @transform_5, window_bounds = array<i64: 1, 128>}, {pipeline_mode = #tpu.pipeline_mode<synchronous>, transform_indices = @transform_6, window_bounds = array<i64: 128, 128>}, {transform_indices = @transform_7, window_bounds = array<i64: 1024, 128>}]} {
    %get3A = arith.constant 0 : index
    %get3A_0 = arith.constant 0 : index
    %get3A_1 = vector.load %arg4[%get3A, %get3A_0] : memref<1024x128xf32, #tpu.memory_space<vmem>>, vector<1024x1xf32>
    %get3A_2 = arith.constant 0 : index
    %get3A_3 = arith.constant 0 : index
    %get3A_4 = vector.load %arg5[%get3A_2, %get3A_3] : memref<1024x128xf32, #tpu.memory_space<vmem>>, vector<1024x1xf32>
    %add3A = arith.addf %get3A_1, %get3A_4 : vector<1024x1xf32>
    %add3A_5 = arith.constant 1.000000e+00 : f32
    %add3A_6 = vector.broadcast %add3A_5 : f32 to vector<1024x1xf32>
    %add3A_7 = arith.addf %add3A, %add3A_6 : vector<1024x1xf32>
    %max3A = arith.constant 1.000000e+00 : f32
    %max3A_8 = vector.broadcast %max3A : f32 to vector<1024x1xf32>
    %max3A_9 = arith.maximumf %add3A_7, %max3A_8 : vector<1024x1xf32>
    %rsqrt3A = math.rsqrt %max3A_9 : vector<1024x1xf32>
    %get3A_10 = arith.constant 0 : index
    %get3A_11 = arith.constant 0 : index
    %get3A_12 = vector.load %arg1[%get3A_10, %get3A_11] : memref<1024x128xf32, #tpu.memory_space<vmem>>, vector<1024x128xf32>
    %get3A_13 = arith.constant 0 : index
    %get3A_14 = arith.constant 0 : index
    %get3A_15 = vector.load %arg2[%get3A_13, %get3A_14] : memref<1024x128xf32, #tpu.memory_space<vmem>>, vector<1024x128xf32>
    %add3A_16 = arith.addf %get3A_12, %get3A_15 : vector<1024x128xf32>
    %get3A_17 = arith.constant 0 : index
    %get3A_18 = arith.constant 0 : index
    %get3A_19 = vector.load %arg3[%get3A_17, %get3A_18] : memref<1024x128xf32, #tpu.memory_space<vmem>>, vector<1024x128xf32>
    %add3A_20 = arith.addf %add3A_16, %get3A_19 : vector<1024x128xf32>
    %mul3A = vector.broadcast %rsqrt3A : vector<1024x1xf32> to vector<1024x128xf32>
    %mul3A_21 = arith.mulf %mul3A, %add3A_20 : vector<1024x128xf32>
    %get3A_22 = arith.constant 0 : index
    %get3A_23 = arith.constant 0 : index
    %get3A_24 = vector.load %arg6[%get3A_22, %get3A_23] : memref<1x128xf32, #tpu.memory_space<vmem>>, vector<1x128xf32>
    %add3A_25 = vector.broadcast %get3A_24 : vector<1x128xf32> to vector<1024x128xf32>
    %add3A_26 = arith.addf %mul3A_21, %add3A_25 : vector<1024x128xf32>
    %max3A_27 = arith.constant 0.000000e+00 : f32
    %max3A_28 = vector.broadcast %max3A_27 : f32 to vector<1024x128xf32>
    %max3A_29 = arith.maximumf %add3A_26, %max3A_28 : vector<1024x128xf32>
    %get3A_30 = arith.constant 0 : index
    %get3A_31 = arith.constant 0 : index
    %get3A_32 = vector.load %arg7[%get3A_30, %get3A_31] : memref<128x128xf32, #tpu.memory_space<vmem>>, vector<128x128xf32>
    %dot_general3A = arith.constant dense<0.000000e+00> : vector<1024x128xf32>
    %dot_general3A_33 = tpu.matmul %max3A_29, %get3A_32, %dot_general3A {dimension_numbers = #tpu.dot_dimension_numbers<[1], [0], [0], [1], [0, 0, 1, 1], [], []>, transpose_lhs_hint = false} : vector<1024x128xf32>, vector<128x128xf32>, vector<1024x128xf32> -> vector<1024x128xf32>
    %mul3A_34 = vector.broadcast %rsqrt3A : vector<1024x1xf32> to vector<1024x128xf32>
    %mul3A_35 = arith.mulf %dot_general3A_33, %mul3A_34 : vector<1024x128xf32>
    %swap3A = arith.constant 0 : index
    %swap3A_36 = arith.constant 0 : index
    %swap3A_37 = vector.load %arg8[%swap3A, %swap3A_36] : memref<1024x128xf32, #tpu.memory_space<vmem>>, vector<1024x128xf32>
    tpu.vector_store %arg8[%swap3A, %swap3A_36], %mul3A_35 {strides = array<i32>} : memref<1024x128xf32, #tpu.memory_space<vmem>>, vector<1024x128xf32>,
    return
  }
  func.func @transform_0(%arg0: i32) -> (i32, i32) {
    %c0_i32 = arith.constant 0 : i32
    %c0_i32_0 = arith.constant 0 : i32
    return %arg0, %c0_i32 : i32, i32
  }
  func.func @transform_1(%arg0: i32) -> (i32, i32) {
    %c0_i32 = arith.constant 0 : i32
    %c0_i32_0 = arith.constant 0 : i32
    return %arg0, %c0_i32 : i32, i32
  }
  func.func @transform_2(%arg0: i32) -> (i32, i32) {
    %c0_i32 = arith.constant 0 : i32
    %c0_i32_0 = arith.constant 0 : i32
    return %arg0, %c0_i32 : i32, i32
  }
  func.func @transform_3(%arg0: i32) -> (i32, i32) {
    %c0_i32 = arith.constant 0 : i32
    %c0_i32_0 = arith.constant 0 : i32
    return %arg0, %c0_i32 : i32, i32
  }
  func.func @transform_4(%arg0: i32) -> (i32, i32) {
    %c0_i32 = arith.constant 0 : i32
    %c0_i32_0 = arith.constant 0 : i32
    return %arg0, %c0_i32 : i32, i32
  }
  func.func @transform_5(%arg0: i32) -> (i32, i32) {
    %c0_i32 = arith.constant 0 : i32
    %c0_i32_0 = arith.constant 0 : i32
    %c0_i32_1 = arith.constant 0 : i32
    return %c0_i32, %c0_i32_0 : i32, i32
  }
  func.func @transform_6(%arg0: i32) -> (i32, i32) {
    %c0_i32 = arith.constant 0 : i32
    %c0_i32_0 = arith.constant 0 : i32
    %c0_i32_1 = arith.constant 0 : i32
    return %c0_i32, %c0_i32_0 : i32, i32
  }
  func.func @transform_7(%arg0: i32) -> (i32, i32) {
    %c0_i32 = arith.constant 0 : i32
    %c0_i32_0 = arith.constant 0 : i32
    return %arg0, %c0_i32 : i32, i32
  }
}

module attributes {stable_mosaic.version = 14 : i64} {
  func.func @_tc_last_body(%arg0: i32, %arg1: memref<1024x128xf32, #tpu.memory_space<vmem>>, %arg2: memref<1024x128xf32, #tpu.memory_space<vmem>>, %arg3: memref<1024x128xf32, #tpu.memory_space<vmem>>, %arg4: memref<1024x128xf32, #tpu.memory_space<vmem>>, %arg5: memref<1024x128xf32, #tpu.memory_space<vmem>>, %arg6: memref<1x128xf32, #tpu.memory_space<vmem>>, %arg7: memref<1024x128xf32, #tpu.memory_space<vmem>>) attributes {dimension_semantics = [#tpu.dimension_semantics<arbitrary>], iteration_bounds = array<i64: 10>, scalar_prefetch = 0 : i64, scratch_operands = 0 : i64, tpu.core_type = #tpu.core_type<tc>, window_params = [{transform_indices = @transform_0, window_bounds = array<i64: 1024, 128>}, {transform_indices = @transform_1, window_bounds = array<i64: 1024, 128>}, {transform_indices = @transform_2, window_bounds = array<i64: 1024, 128>}, {transform_indices = @transform_3, window_bounds = array<i64: 1024, 128>}, {transform_indices = @transform_4, window_bounds = array<i64: 1024, 128>}, {pipeline_mode = #tpu.pipeline_mode<synchronous>, transform_indices = @transform_5, window_bounds = array<i64: 1, 128>}, {transform_indices = @transform_6, window_bounds = array<i64: 1024, 128>}]} {
    %get3A = arith.constant 0 : index
    %get3A_0 = arith.constant 0 : index
    %get3A_1 = vector.load %arg4[%get3A, %get3A_0] : memref<1024x128xf32, #tpu.memory_space<vmem>>, vector<1024x1xf32>
    %get3A_2 = arith.constant 0 : index
    %get3A_3 = arith.constant 0 : index
    %get3A_4 = vector.load %arg5[%get3A_2, %get3A_3] : memref<1024x128xf32, #tpu.memory_space<vmem>>, vector<1024x1xf32>
    %add3A = arith.addf %get3A_1, %get3A_4 : vector<1024x1xf32>
    %add3A_5 = arith.constant 1.000000e+00 : f32
    %add3A_6 = vector.broadcast %add3A_5 : f32 to vector<1024x1xf32>
    %add3A_7 = arith.addf %add3A, %add3A_6 : vector<1024x1xf32>
    %max3A = arith.constant 1.000000e+00 : f32
    %max3A_8 = vector.broadcast %max3A : f32 to vector<1024x1xf32>
    %max3A_9 = arith.maximumf %add3A_7, %max3A_8 : vector<1024x1xf32>
    %rsqrt3A = math.rsqrt %max3A_9 : vector<1024x1xf32>
    %get3A_10 = arith.constant 0 : index
    %get3A_11 = arith.constant 0 : index
    %get3A_12 = vector.load %arg1[%get3A_10, %get3A_11] : memref<1024x128xf32, #tpu.memory_space<vmem>>, vector<1024x128xf32>
    %get3A_13 = arith.constant 0 : index
    %get3A_14 = arith.constant 0 : index
    %get3A_15 = vector.load %arg2[%get3A_13, %get3A_14] : memref<1024x128xf32, #tpu.memory_space<vmem>>, vector<1024x128xf32>
    %add3A_16 = arith.addf %get3A_12, %get3A_15 : vector<1024x128xf32>
    %get3A_17 = arith.constant 0 : index
    %get3A_18 = arith.constant 0 : index
    %get3A_19 = vector.load %arg3[%get3A_17, %get3A_18] : memref<1024x128xf32, #tpu.memory_space<vmem>>, vector<1024x128xf32>
    %add3A_20 = arith.addf %add3A_16, %get3A_19 : vector<1024x128xf32>
    %mul3A = vector.broadcast %rsqrt3A : vector<1024x1xf32> to vector<1024x128xf32>
    %mul3A_21 = arith.mulf %mul3A, %add3A_20 : vector<1024x128xf32>
    %get3A_22 = arith.constant 0 : index
    %get3A_23 = arith.constant 0 : index
    %get3A_24 = vector.load %arg6[%get3A_22, %get3A_23] : memref<1x128xf32, #tpu.memory_space<vmem>>, vector<1x128xf32>
    %add3A_25 = vector.broadcast %get3A_24 : vector<1x128xf32> to vector<1024x128xf32>
    %add3A_26 = arith.addf %mul3A_21, %add3A_25 : vector<1024x128xf32>
    %max3A_27 = arith.constant 0.000000e+00 : f32
    %max3A_28 = vector.broadcast %max3A_27 : f32 to vector<1024x128xf32>
    %max3A_29 = arith.maximumf %add3A_26, %max3A_28 : vector<1024x128xf32>
    %swap3A = arith.constant 0 : index
    %swap3A_30 = arith.constant 0 : index
    %swap3A_31 = vector.load %arg7[%swap3A, %swap3A_30] : memref<1024x128xf32, #tpu.memory_space<vmem>>, vector<1024x128xf32>
    tpu.vector_store %arg7[%swap3A, %swap3A_30], %max3A_29 {strides = array<i32>} : memref<1024x128xf32, #tpu.memory_space<vmem>>, vector<1024x128xf32>,
    return
  }
  func.func @transform_0(%arg0: i32) -> (i32, i32) {
    %c0_i32 = arith.constant 0 : i32
    %c0_i32_0 = arith.constant 0 : i32
    return %arg0, %c0_i32 : i32, i32
  }
  func.func @transform_1(%arg0: i32) -> (i32, i32) {
    %c0_i32 = arith.constant 0 : i32
    %c0_i32_0 = arith.constant 0 : i32
    return %arg0, %c0_i32 : i32, i32
  }
  func.func @transform_2(%arg0: i32) -> (i32, i32) {
    %c0_i32 = arith.constant 0 : i32
    %c0_i32_0 = arith.constant 0 : i32
    return %arg0, %c0_i32 : i32, i32
  }
  func.func @transform_3(%arg0: i32) -> (i32, i32) {
    %c0_i32 = arith.constant 0 : i32
    %c0_i32_0 = arith.constant 0 : i32
    return %arg0, %c0_i32 : i32, i32
  }
  func.func @transform_4(%arg0: i32) -> (i32, i32) {
    %c0_i32 = arith.constant 0 : i32
    %c0_i32_0 = arith.constant 0 : i32
    return %arg0, %c0_i32 : i32, i32
  }
  func.func @transform_5(%arg0: i32) -> (i32, i32) {
    %c0_i32 = arith.constant 0 : i32
    %c0_i32_0 = arith.constant 0 : i32
    %c0_i32_1 = arith.constant 0 : i32
    return %c0_i32, %c0_i32_0 : i32, i32
  }
  func.func @transform_6(%arg0: i32) -> (i32, i32) {
    %c0_i32 = arith.constant 0 : i32
    %c0_i32_0 = arith.constant 0 : i32
    return %arg0, %c0_i32 : i32, i32
  }
}

module attributes {stable_mosaic.version = 14 : i64} {
  func.func @_tc_pred_body(%arg0: memref<512x128xf32, #tpu.memory_space<vmem>>, %arg1: memref<512x128xf32, #tpu.memory_space<vmem>>, %arg2: memref<512x128xf32, #tpu.memory_space<vmem>>, %arg3: memref<512x128xf32, #tpu.memory_space<vmem>>, %arg4: memref<128x128xf32, #tpu.memory_space<vmem>>, %arg5: memref<1x128xf32, #tpu.memory_space<vmem>>, %arg6: memref<512x128xf32, #tpu.memory_space<vmem>>, %arg7: memref<512x128xf32, #tpu.memory_space<vmem>>, %arg8: memref<1x1xf32, #tpu.memory_space<vmem>>) attributes {dimension_semantics = [], scalar_prefetch = 0 : i64, scratch_operands = 0 : i64, tpu.core_type = #tpu.core_type<tc>} {
    %get3A = arith.constant 0 : index
    %get3A_0 = arith.constant 0 : index
    %get3A_1 = vector.load %arg2[%get3A, %get3A_0] : memref<512x128xf32, #tpu.memory_space<vmem>>, vector<512x1xf32>
    %get3A_2 = arith.constant 0 : index
    %get3A_3 = arith.constant 0 : index
    %get3A_4 = vector.load %arg3[%get3A_2, %get3A_3] : memref<512x128xf32, #tpu.memory_space<vmem>>, vector<512x1xf32>
    %add3A = arith.addf %get3A_1, %get3A_4 : vector<512x1xf32>
    %get3A_5 = arith.constant 0 : index
    %get3A_6 = arith.constant 0 : index
    %get3A_7 = vector.load %arg0[%get3A_5, %get3A_6] : memref<512x128xf32, #tpu.memory_space<vmem>>, vector<512x128xf32>
    %get3A_8 = arith.constant 0 : index
    %get3A_9 = arith.constant 0 : index
    %get3A_10 = vector.load %arg1[%get3A_8, %get3A_9] : memref<512x128xf32, #tpu.memory_space<vmem>>, vector<512x128xf32>
    %add3A_11 = arith.addf %get3A_7, %get3A_10 : vector<512x128xf32>
    %max3A = arith.constant 1.000000e+00 : f32
    %max3A_12 = vector.broadcast %max3A : f32 to vector<512x1xf32>
    %max3A_13 = arith.maximumf %add3A, %max3A_12 : vector<512x1xf32>
    %div3A = vector.broadcast %max3A_13 : vector<512x1xf32> to vector<512x128xf32>
    %div3A_14 = arith.divf %add3A_11, %div3A : vector<512x128xf32>
    %get3A_15 = arith.constant 0 : index
    %get3A_16 = arith.constant 0 : index
    %get3A_17 = vector.load %arg4[%get3A_15, %get3A_16] : memref<128x128xf32, #tpu.memory_space<vmem>>, vector<128x128xf32>
    %dot_general3A = arith.constant dense<0.000000e+00> : vector<512x128xf32>
    %dot_general3A_18 = tpu.matmul %div3A_14, %get3A_17, %dot_general3A {dimension_numbers = #tpu.dot_dimension_numbers<[1], [0], [0], [1], [0, 0, 1, 1], [], []>, transpose_lhs_hint = false} : vector<512x128xf32>, vector<128x128xf32>, vector<512x128xf32> -> vector<512x128xf32>
    %get3A_19 = arith.constant 0 : index
    %get3A_20 = arith.constant 0 : index
    %get3A_21 = vector.load %arg5[%get3A_19, %get3A_20] : memref<1x128xf32, #tpu.memory_space<vmem>>, vector<1x128xf32>
    %add3A_22 = vector.broadcast %get3A_21 : vector<1x128xf32> to vector<512x128xf32>
    %add3A_23 = arith.addf %dot_general3A_18, %add3A_22 : vector<512x128xf32>
    %iota3A = tpu.iota {dimensions = array<i32: 1>} : vector<512x128xi32>
    %lt3A = arith.constant 41 : i32
    %lt3A_24 = vector.broadcast %lt3A : i32 to vector<512x128xi32>
    %lt3A_25 = arith.cmpi slt, %iota3A, %lt3A_24 : vector<512x128xi32>
    %jit3A = arith.constant -3.000000e+38 : f32
    %broadcast_in_dim3A = vector.broadcast %jit3A : f32 to vector<512x128xf32>
    %select_n3A = arith.select %lt3A_25, %add3A_23, %broadcast_in_dim3A : vector<512x128xi1>, vector<512x128xf32>
    %reduce_max3A = arith.constant dense<0xFF800000> : vector<512xf32>
    %reduce_max3A_26 = vector.multi_reduction <maximumf>, %select_n3A, %reduce_max3A [1] : vector<512x128xf32> to vector<512xf32>
    %broadcast_in_dim3A_27 = vector.shape_cast %reduce_max3A_26 : vector<512xf32> to vector<512x1xf32>
    %sub3A = vector.broadcast %broadcast_in_dim3A_27 : vector<512x1xf32> to vector<512x128xf32>
    %sub3A_28 = arith.subf %add3A_23, %sub3A : vector<512x128xf32>
    %exp3A = math.exp %sub3A_28 : vector<512x128xf32>
    %jit3A_29 = arith.constant 0.000000e+00 : f32
    %broadcast_in_dim3A_30 = vector.broadcast %jit3A_29 : f32 to vector<512x128xf32>
    %select_n3A_31 = arith.select %lt3A_25, %exp3A, %broadcast_in_dim3A_30 : vector<512x128xi1>, vector<512x128xf32>
    %reduce_sum3A = arith.constant dense<0.000000e+00> : vector<512xf32>
    %reduce_sum3A_32 = vector.multi_reduction <add>, %select_n3A_31, %reduce_sum3A [1] : vector<512x128xf32> to vector<512xf32>
    %broadcast_in_dim3A_33 = vector.shape_cast %reduce_sum3A_32 : vector<512xf32> to vector<512x1xf32>
    %div3A_34 = vector.broadcast %broadcast_in_dim3A_33 : vector<512x1xf32> to vector<512x128xf32>
    %div3A_35 = arith.divf %select_n3A_31, %div3A_34 : vector<512x128xf32>
    %swap3A = arith.constant 0 : index
    %swap3A_36 = arith.constant 0 : index
    %swap3A_37 = vector.load %arg7[%swap3A, %swap3A_36] : memref<512x128xf32, #tpu.memory_space<vmem>>, vector<512x128xf32>
    tpu.vector_store %arg7[%swap3A, %swap3A_36], %div3A_35 {strides = array<i32>} : memref<512x128xf32, #tpu.memory_space<vmem>>, vector<512x128xf32>,
    %sub3A_38 = vector.broadcast %broadcast_in_dim3A_27 : vector<512x1xf32> to vector<512x128xf32>
    %sub3A_39 = arith.subf %add3A_23, %sub3A_38 : vector<512x128xf32>
    %log3A = math.log %broadcast_in_dim3A_33 : vector<512x1xf32>
    %sub3A_40 = vector.broadcast %log3A : vector<512x1xf32> to vector<512x128xf32>
    %sub3A_41 = arith.subf %sub3A_39, %sub3A_40 : vector<512x128xf32>
    %get3A_42 = arith.constant 0 : index
    %get3A_43 = arith.constant 0 : index
    %get3A_44 = vector.load %arg6[%get3A_42, %get3A_43] : memref<512x128xf32, #tpu.memory_space<vmem>>, vector<512x128xf32>
    %gt3A = arith.constant 0.000000e+00 : f32
    %gt3A_45 = vector.broadcast %gt3A : f32 to vector<512x128xf32>
    %gt3A_46 = arith.cmpf ogt, %get3A_44, %gt3A_45 : vector<512x128xf32>
    %jit3A_47 = arith.constant 0.000000e+00 : f32
    %broadcast_in_dim3A_48 = vector.broadcast %jit3A_47 : f32 to vector<512x128xf32>
    %select_n3A_49 = arith.select %gt3A_46, %sub3A_41, %broadcast_in_dim3A_48 : vector<512x128xi1>, vector<512x128xf32>
    %reduce_sum3A_50 = vector.shape_cast %select_n3A_49 : vector<512x128xf32> to vector<1x512x128xf32>
    %reduce_sum3A_51 = arith.constant dense<0.000000e+00> : vector<1xf32>
    %reduce_sum3A_52 = vector.multi_reduction <add>, %reduce_sum3A_50, %reduce_sum3A_51 [1, 2] : vector<1x512x128xf32> to vector<1xf32>
    %reduce_sum3A_53 = vector.shape_cast %reduce_sum3A_52 : vector<1xf32> to vector<1x1x1xf32>
    %reduce_sum3A_54 = vector.extract %reduce_sum3A_53[0, 0, 0] : f32 from vector<1x1x1xf32>
    %broadcast_in_dim3A_55 = vector.broadcast %reduce_sum3A_54 : f32 to vector<1x1xf32>
    %neg3A = arith.constant 0.000000e+00 : f32
    %neg3A_56 = vector.broadcast %neg3A : f32 to vector<1x1xf32>
    %neg3A_57 = arith.subf %neg3A_56, %broadcast_in_dim3A_55 : vector<1x1xf32>
    %div3A_58 = arith.constant 5.120000e+02 : f32
    %div3A_59 = vector.broadcast %div3A_58 : f32 to vector<1x1xf32>
    %div3A_60 = arith.divf %neg3A_57, %div3A_59 : vector<1x1xf32>
    %swap3A_61 = arith.constant 0 : index
    %swap3A_62 = arith.constant 0 : index
    %swap3A_63 = vector.load %arg8[%swap3A_61, %swap3A_62] : memref<1x1xf32, #tpu.memory_space<vmem>>, vector<1x1xf32>
    tpu.vector_store %arg8[%swap3A_61, %swap3A_62], %div3A_60 {strides = array<i32>} : memref<1x1xf32, #tpu.memory_space<vmem>>, vector<1x1xf32>,
    return
  }
}

</mosaic_0001>

<sc_bundles>
// kernel: kernel.10.cloned.1.call-start
scs
__scs_entry_jumppad:
0x0: {  	(pc) =	sbr.rel $0x88, $3  }
0x1: {  	(tag) =	ssettag $0x0;
	lr =	simm.s32 $0x1  }
0x2: {  	[smem:$0x3F97] =	sst lr;
	_ =	strace $0xD0000000  }
0x3: {  	_ = 	snop  }
0x4: {  	_ = 	snop  }
0x5: {  	_ = 	snop  }
0x6: {  	_ = 	snop  }
0x7: {  	_ = 	snop  }
__scs_overlays_trampoline_lowered:
0x8: {  	[smem:$0x3FA6] =	sst s0  }
0x9: {  	[smem:$0x3FA7] =	sst s1  }
0xa: {  	[smem:$0x3FA8] =	sst s2  }
0xb: {  	[smem:$0x3FA9] =	sst s3  }
0xc: {  	[smem:$0x3FAA] =	sst s4  }
0xd: {  	[smem:$0x3FAB] =	sst s5  }
0xe: {  	[smem:$0x3FAC] =	sst s6  }
0xf: {  	[smem:$0x3FAD] =	sst s7  }
0x10: {  	[smem:$0x3FAE] =	sst s8  }
0x11: {  	[smem:$0x3FAF] =	sst s9;
	s0 =	simm.s32 @!p0 $0x0  }
0x12: {  	s1 =	sld [smem:$0x3F95];
	s0 =	simm.s32 @p0 $0x1  }
0x13: {  	[smem:$0x3FB0] =	sst s0;
	s0 =	simm.s32 @!p1 $0x0  }
0x14: {  	s2 =	sld [smem:$0x3F94];
	s0 =	simm.s32 @p1 $0x1  }
0x15: {  	[smem:$0x3FB1] =	sst s0;
	s0 =	simm.s32 @!p2 $0x0  }
0x16: {  	s3 =	sld [smem:$0x3FDB];
	s0 =	simm.s32 @p2 $0x1  }
0x17: {  	s4 =	simm.s32 $0x1BF5;
	[smem:$0x3FB3] =	sst s0  }
0x18: {  	s0 =	sld [smem:$0x3F96];
	_ =	swait.ge [sflag:s4], $0x0  }
0x19: {  	s7 =	sld [smem:$0x3F97]  }
0x1a: {  	s8 =	sadd.s32 $0xFFFFE003, lr  }
0x1b: {  	s9 =	sadd.s32 $0xFFFFFEF7, lr;
	s5 =	simm.s32 $0xFFFFFFFF;
	p2 =	slt.u32 s8, $0xFFFFF086  }
0x1c: {  	p1 =	slt.u32 s9, $0xF7A;
	s5 =	simm.s32 @!p2 $0x0  }
0x1d: {  	s5 =	simm.s32 @p1 $0x1;
	p0 =	seq.s32 s7, s2  }
0x1e: {  	s7 =	smul.u32 @!p0 $0xF7A, s2;
	p2 =	seq.s32 @!p0 s5, $0x0  }
0x1f: {  	s9 =	smul.u32 $0xF7A, s1;
	s8 =	simm.s32 @!p0 $0x1BF5;
	p2 =	por !p2, p0  }
0x20: {  	[sflag:s8] =	ssyncset.s32 @!p0 $0xFFFFF086;
	s6 =	sadd.s32 @!p0 s3, s7;
	s7 =	simm.s32 @!p0 $0x108  }
0x21: {  	s3 =	sadd.s32 s3, s9;
	s6 =	sadd.s32 @!p0 $0x88, s6;
	s7 =	simm.s32 @p2 $0x1082  }
0x22: {  	[simem:s7], [sflag:s8] =	dma.local @!p0 [hbm:s6], $0xF7A  }
0x23: {  	s9 =	sor.u32 $0xD0000000, s2;
	s6 =	simm.s32 $0x108;
	_ =	swait.ge @!p0 [sflag:s8], $0x0  }
0x24: {  	s3 =	sadd.s32 $0x88, s3;
	s6 =	simm.s32 @!p1 $0x1082;
	[sflag:s4] =	ssyncset.s32 $0xFFFFF086  }
0x25: {  	[simem:s6], [sflag:s4] =	dma.local [hbm:s3], $0xF7A  }
0x26: {  	[smem:$0x3F97] =	sst s1;
	(tag) =	ssettag s2;
	_ =	strace s9  }
0x27: {  	s1 =	sld [smem:$0x3FA7]  }
0x28: {  	s2 =	sld [smem:$0x3FA8]  }
0x29: {  	s4 =	sld [smem:$0x3FAA]  }
0x2a: {  	p0 =	seq.s32 s5, $0x0;
	s5 =	sld [smem:$0x3FAB]  }
0x2b: {  	s6 =	sld [smem:$0x3FAC]  }
0x2c: {  	s7 =	sld [smem:$0x3FAD]  }
0x2d: {  	s3 =	simm.s32 $0x108;
	s8 =	sld [smem:$0x3FAE]  }
0x2e: {  	s3 =	simm.s32 @!p0 $0x1082;
	s9 =	sld [smem:$0x3FAF]  }
0x2f: {  	lr =	sadd.s32 s0, s3;
	s0 =	sld [smem:$0x3FA6]  }
0x30: {  	s3 =	sld [smem:$0x3FA9]  }
0x31: {  	[smem:$0x3FB2] =	sst s10  }
0x32: {  	s10 =	sld [smem:$0x3FB0];
	_ =	sdelay $0x3  }
0x33: {  	p0 =	seq.s32 s10, $0x1;
	s10 =	sld [smem:$0x3FB2];
	_ =	sdelay $0x3  }
0x34: {  	[smem:$0x3FB2] =	sst s10  }
0x35: {  	s10 =	sld [smem:$0x3FB1];
	_ =	sdelay $0x3  }
0x36: {  	p1 =	seq.s32 s10, $0x1;
	s10 =	sld [smem:$0x3FB2];
	_ =	sdelay $0x3  }
0x37: {  	[smem:$0x3FB2] =	sst s10  }
0x38: {  	s10 =	sld [smem:$0x3FB3]  }
0x39: {  	_ = 	snop;
	(pc) =	sbr.ind lr, $3  }
0x3a: {  	_ = 	snop  }
0x3b: {  	_ = 	snop  }
0x3c: {  	p2 =	seq.s32 s10, $0x1;
	s10 =	sld [smem:$0x3FB2]  }
0x3d: {  	_ =	shalt  }
0x3e: {  	_ =	shalt  }
0x3f: {  	_ =	shalt  }
0x40: {  	_ =	shalt  }
0x41: {  	_ =	shalt  }
0x42: {  	_ =	shalt  }
0x43: {  	_ =	shalt  }
0x44: {  	_ =	shalt  }
0x45: {  	_ =	shalt  }
0x46: {  	_ =	shalt  }
0x47: {  	_ =	shalt  }
0x48: {  	_ =	shalt  }
0x49: {  	_ =	shalt  }
0x4a: {  	_ =	shalt  }
0x4b: {  	_ =	shalt  }
0x4c: {  	_ =	shalt  }
0x4d: {  	_ =	shalt  }
0x4e: {  	_ =	shalt  }
0x4f: {  	_ =	shalt  }
0x50: {  	_ =	shalt  }
0x51: {  	_ =	shalt  }
0x52: {  	_ =	shalt  }
0x53: {  	_ =	shalt  }
0x54: {  	_ =	shalt  }
0x55: {  	_ =	shalt  }
0x56: {  	_ =	shalt  }
0x57: {  	_ =	shalt  }
0x58: {  	_ =	shalt  }
0x59: {  	_ =	shalt  }
0x5a: {  	_ =	shalt  }
0x5b: {  	_ =	shalt  }
0x5c: {  	_ =	shalt  }
0x5d: {  	_ =	shalt  }
0x5e: {  	_ =	shalt  }
0x5f: {  	_ =	shalt  }
0x60: {  	_ =	shalt  }
0x61: {  	_ =	shalt  }
0x62: {  	_ =	shalt  }
0x63: {  	_ =	shalt  }
0x64: {  	_ =	shalt  }
0x65: {  	_ =	shalt  }
0x66: {  	_ =	shalt  }
0x67: {  	_ =	shalt  }
0x68: {  	_ =	shalt  }
0x69: {  	_ =	shalt  }
0x6a: {  	_ =	shalt  }
0x6b: {  	_ =	shalt  }
0x6c: {  	_ =	shalt  }
0x6d: {  	_ =	shalt  }
0x6e: {  	_ =	shalt  }
0x6f: {  	_ =	shalt  }
0x70: {  	_ =	shalt  }
0x71: {  	_ =	shalt  }
0x72: {  	_ =	shalt  }
0x73: {  	_ =	shalt  }
0x74: {  	_ =	shalt  }
0x75: {  	_ =	shalt  }
0x76: {  	_ =	shalt  }
0x77: {  	_ =	shalt  }
0x78: {  	_ =	shalt  }
0x79: {  	_ =	shalt  }
0x7a: {  	_ =	shalt  }
0x7b: {  	_ =	shalt  }
0x7c: {  	_ =	shalt  }
0x7d: {  	_ =	shalt  }
0x7e: {  	_ =	shalt  }
0x7f: {  	_ =	shalt  }
0x80: {  	_ =	shalt  }
0x81: {  	_ =	shalt  }
0x82: {  	_ =	shalt  }
0x83: {  	_ =	shalt  }
0x84: {  	_ =	shalt  }
0x85: {  	_ =	shalt  }
0x86: {  	_ =	shalt  }
0x87: {  	_ =	shalt  }
.Lfunc_end0:
.L_simem_size_0:
called_computation_lowered:
.L_overlay_start_0:
0x88: {  	s2 =	sld [smem:$0x3FD9]  }
0x89: {  	s3 =	sld [smem:$0x3FFE];
	_ =	sdelay $0x1  }
0x8a: {  	s1 =	srdreg.scid  }
0x8b: {  	s0 =	sand.u32 $0x1, s1  }
0x8c: {  	s16 =	sshll.u32 s0, $0xA;
	s2 =	sadd.s32 s3, s2  }
0x8d: {  	s2 =	sadd.s32 s2, s16  }
0x8e: {  	[smem:$0x3FBE] =	sst s2  }
0x8f: {  	_ = 	snop  }
0x90: {  	(tm) =	ssettm $0x1  }
0x91: {  	s17 =	sld [smem:$0x3FFB];
	_ =	sdelay $0x3  }
0x92: {  	_ =	strace s17  }
0x93: {  	s2 =	sld [smem:$0x3FFC];
	_ =	sdelay $0x3  }
0x94: {  	_ =	strace s2  }
0x95: {  	s2 =	sld [smem:$0x3FFD];
	_ =	sdelay $0x3  }
0x96: {  	_ =	strace s2  }
0x97: {  	_ =	strace $0x8FFFFFFF  }
0x98: {  	s18 =	sld [smem:$0x3FDB];
	_ =	sdelay $0x1  }
0x99: {  	s19 =	simm.s32 $_scs_section_size  }
0x9a: {  	s4 =	simm.s32 $_size__tile_overlayer_lowered;
	s5 =	simm.s32 $_tile_overlayer_lowered  }
0x9b: {  	s22 =	simm.s32 $0x1BFF;
	s21 =	sshll.u32 s5, $0x1;
	s2 =	sadd.s32 s19, s18  }
0x9c: {  	s6 =	simm.s32 $0x0;
	s20 =	sshll.u32 s4, $0x1;
	s4 =	sadd.s32 s21, s2  }
0x9d: {  	[timem:s6], [sflag:s22] =	dma.local [hbm:s4], s20  }
0x9e: {  	_ =	swait.ge [sflag:s22], s20  }
0x9f: {  	s3 =	ssub.s32 $0x0, s20;
	[sflag:s22] =	ssyncset.done $0x0  }
0xa0: {  	[sflag:s22] =	ssyncadd.s32 s3;
	_ =	sdelay $0x1  }
0xa1: {  	s23 =	simm.s32 $0x1B8B  }
0xa2: {  	_ =	swait.ge [sflag:s23], $0x1  }
0xa3: {  	[sflag:s23] =	ssyncset.done $0x0  }
0xa4: {  	s25 =	simm.s32 $0x1B8E;
	s24 =	sld [smem:$0x3FFE];
	[sflag:s23] =	ssyncadd.s32 $0xFFFFFFFF  }
0xa5: {  	s26 =	simm.s32 $execute0_lowered;
	[smem:$0x3FD2] =	sst s25  }
0xa6: {  	s4 =	sshll.u32 s26, $0x1;
	_ =	strace $0x80000046;
	[dreg:$0x1] =	wrdreg $0xFFFFFFFF  }
0xa7: {  	s28 =	simm.s32 $_size_execute0_lowered;
	s2 =	sadd.s32 s2, s4;
	[dreg:$0x0] =	wrdreg $0x0  }
0xa8: {  	s4 =	sshll.u32 s28, $0x1;
	[dreg:$0x2] =	wrdreg s2  }
0xa9: {  	[dreg:$0x3] =	wrdreg s4  }
0xaa: {  	[dreg:$0x4] =	wrdreg $0xC0  }
0xab: {  	_ =	task [dreg:s6], $0x5FFFF  }
0xac: {  	[dreg:$0x1] =	wrdreg $0xFFFFFFFF  }
0xad: {  	[dreg:$0x0] =	wrdreg $0x60  }
0xae: {  	[dreg:$0x2] =	wrdreg s24  }
0xaf: {  	[dreg:$0x3] =	wrdreg $0x68000  }
0xb0: {  	[dreg:$0x4] =	wrdreg $0x9  }
0xb1: {  	_ =	task.clear_ibuf [dreg:s6], $0x5FFFF;
	_ =	strace $0x90000046  }
0xb2: {  	s29 =	simm.s32 $0x9;
	_ =	strace $0x80000048  }
0xb3: {  	_ =	swait.ge [sflag:s29], $0x1  }
0xb4: {  	[sflag:s29] =	ssyncadd.s32 $0xFFFFFFFF  }
0xb5: {  	_ =	strace $0x90000048  }
0xb6: {  	_ =	sfence  }
0xb7: {  	s30 =	sld [smem:$0x0];
	_ =	sdelay $0x2  }
0xb8: {  	s31 =	sshll.u32 s1, $0xD;
	s1 =	sshrl.u32 s1, $0x2  }
0xb9: {  	s3 =	sand.u32 $0x4000, s31;
	s1 =	sadd.s32 s1, s30  }
0xba: {  	s0 =	sor.u32 s3, s0;
	s1 =	sshll.u32 s1, $0x11  }
0xbb: {  	s0 =	sor.u32 s1, s0  }
0xbc: {  	s0 =	sadd.s32 $0x8F2B, s0  }
0xbd: {  	[sflag:s0] =	ssyncadd.remote.s32 $0x1  }
0xbe: {  	_ =	sfence.sel $0xFFFF  }
0xbf: {  	[dreg:$0x0] =	wrdreg $0xFFFFFFFF;
	(pc) =	sbr.abs _section_cstart, $3  }
0xc0: {  	[dreg:$0x1] =	wrdreg $0xFFFFFFFF  }
0xc1: {  	_ =	task.clear_ibuf [dreg:s6], $0x2FFFF;
	_ =	strace $0x9FFFFFFF  }
0xc2: {  	(tm) =	ssettm $0x7FFFFFFF  }
0xc3: {  	_ =	shalt  }
tec
execute0_lowered:
.L_overlay_start_1:
0x0: {  	(tag) =	ssettag $0x1  }
0x1: {  	s0 =	srdreg.scid;
	s5 =	rddreg [dreg:$0x0]  }
0x2: {  	s2 =	rddreg [dreg:$0x1];
	s4 =	sand.u32 $0x1, s0  }
0x3: {  	s3 =	simm.s32 $0x0;
	s0 =	stileid.u32;
	s7 =	smul.u32 $0x140000, s4  }
0x4: {  	s13 =	simm.s32 $0x1;
	s14 =	simm.s32 $0x80;
	s8 =	smul.u32 $0x14000, s0  }
0x5: {  	[smem:$0x7FF] =	sst s3;
	s1 =	sshll.u32 s4, $0x4;
	s9 =	smul.u32 $0x50000, s0  }
0x6: {  	s29 =	ssub.s32 $0x2, s4;
	s15 =	sshll.u32 s0, $0x6;
	s1 =	sor.u32 s0, s1  }
0x7: {  	s31 =	sshrl.u32 s29, $0x1;
	s15 =	sor.u32 $0x1C01, s15;
	s6 =	smul.u32 $0x500, s1  }
0x8: {  	s1 =	rddreg [dreg:$0x2];
	_ =	strace $0x80000047;
	s30 =	sshrl.u32 s9, $0x2  }
0x9: {  	s28 =	sadd.s32 s8, s7;
	s12 =	ssub.s32 s29, s31;
	s4 =	sadd.s32 s30, s2  }
0xa: {  	s10 =	sadd.s32 s6, s5;
	s6 =	sshrl.u32 s28, $0x3;
	s7 =	sadd.s32 $0xC000, s4  }
0xb: {  	s8 =	sadd.s32 $0x10000, s4;
	s16 =	sshrl.u32 s4, $0x3;
	s11 =	sadd.s32 s6, s5  }
0xc: {  	s5 =	sadd.s32 $0x4000, s4;
	s6 =	sadd.s32 $0x8000, s4;
	s9 =	sadd.s32 $0x4600, s10  }
0xd: {  	v0 =	vimm.f32 $0.0e+00;
	v1 =	vimm.f32 $1.000000000e+00;
	s10 =	sadd.s32 $0x18600, s11;
	s11 =	smax.u32 s12, $0x1;
	s12 =	simm.s32 $0x2800  }
.LBB2_1:
0xe: {  	s17 =	simm.s32 $0x0;
	s18 =	simm.s32 $0x200  }
.LBB2_2:
0xf: {  	p0 =	sne.s32 s18, $0xFE00;
	[tilespmem:s17+$0x2870] =	vst v0  }
0x10: {  	[tilespmem:s17+$0x2800] =	vst v0  }
0x11: {  	[tilespmem:s17+$0x2810] =	vst v0  }
.Ltmp0:
0x12: {  	[tilespmem:s17+$0x2820] =	vst v0;
	(pc) =	sbr.rel @p0 .LBB2_2-.Ltmp0, $4  }
0x13: {  	[tilespmem:s17+$0x2830] =	vst v0  }
0x14: {  	[tilespmem:s17+$0x2840] =	vst v0  }
0x15: {  	[tilespmem:s17+$0x2850] =	vst v0  }
0x16: {  	[tilespmem:s17+$0x2860] =	vst v0;
	s17 =	sshra.s32 s18, $0x2;
	s18 =	sadd.s32 $0x200, s18  }
0x17: {  	[tilespmem:s17+$0x2870] =	vst v0  }
0x18: {  	[tilespmem:s17+$0x2800] =	vst v0  }
0x19: {  	[tilespmem:s17+$0x2810] =	vst v0  }
0x1a: {  	[tilespmem:s17+$0x2820] =	vst v0  }
0x1b: {  	[tilespmem:s17+$0x2830] =	vst v0  }
0x1c: {  	[tilespmem:s17+$0x2840] =	vst v0  }
0x1d: {  	[tilespmem:s17+$0x2850] =	vst v0  }
0x1e: {  	[tilespmem:s17+$0x2860] =	vst v0  }
0x1f: {  	[spmem:s4] =	stream.linear.scatter [tilespmem:s12], [sflag:$0x1], $0x4000, $0x38;
	[tilespmem:$0x1A800] =	vst v63  }
0x20: {  	_ =	swait.ge [sflag:s13], $0x4000  }
0x21: {  	[sflag:s13] =	ssyncset.done $0x0  }
0x22: {  	[sflag:s13] =	ssyncadd.s32 $0xFFFFC000  }
0x23: {  	[spmem:s5] =	stream.linear.scatter [tilespmem:s12], [sflag:$0x1], $0x4000, $0x38;
	[tilespmem:$0x1A800] =	vst v63  }
0x24: {  	_ =	swait.ge [sflag:s13], $0x4000  }
0x25: {  	[sflag:s13] =	ssyncset.done $0x0  }
0x26: {  	[sflag:s13] =	ssyncadd.s32 $0xFFFFC000  }
0x27: {  	[spmem:s6] =	stream.linear.scatter [tilespmem:s12], [sflag:$0x1], $0x4000, $0x38;
	[tilespmem:$0x1A800] =	vst v63  }
0x28: {  	_ =	swait.ge [sflag:s13], $0x4000  }
0x29: {  	[sflag:s13] =	ssyncset.done $0x0  }
0x2a: {  	[sflag:s13] =	ssyncadd.s32 $0xFFFFC000  }
0x2b: {  	[spmem:s7] =	stream.linear.scatter [tilespmem:s12], [sflag:$0x1], $0x4000, $0x38;
	[tilespmem:$0x1A800] =	vst v63  }
0x2c: {  	_ =	swait.ge [sflag:s13], $0x4000  }
0x2d: {  	[sflag:s13] =	ssyncset.done $0x0  }
0x2e: {  	[sflag:s13] =	ssyncadd.s32 $0xFFFFC000  }
0x2f: {  	[spmem:s8] =	stream.linear.scatter [tilespmem:s12], [sflag:$0x1], $0x4000, $0x38;
	[tilespmem:$0x1A800] =	vst v63  }
0x30: {  	_ =	swait.ge [sflag:s13], $0x4000  }
0x31: {  	[sflag:s13] =	ssyncset.done $0x0  }
0x32: {  	s17 =	simm.s32 $0x0;
	s18 =	simm.s32 $0x200;
	[sflag:s13] =	ssyncadd.s32 $0xFFFFC000  }
.LBB2_4:
0x33: {  	p0 =	sne.s32 s18, $0xFE00;
	[tilespmem:s17+$0x2870] =	vst v1  }
0x34: {  	[tilespmem:s17+$0x2800] =	vst v1  }
0x35: {  	[tilespmem:s17+$0x2810] =	vst v1  }
.Ltmp1:
0x36: {  	[tilespmem:s17+$0x2820] =	vst v1;
	(pc) =	sbr.rel @p0 .LBB2_4-.Ltmp1, $4  }
0x37: {  	[tilespmem:s17+$0x2830] =	vst v1  }
0x38: {  	[tilespmem:s17+$0x2840] =	vst v1  }
0x39: {  	[tilespmem:s17+$0x2850] =	vst v1  }
0x3a: {  	[tilespmem:s17+$0x2860] =	vst v1;
	s17 =	sshra.s32 s18, $0x2;
	s18 =	sadd.s32 $0x200, s18  }
0x3b: {  	[tilespmem:s17+$0x2870] =	vst v1  }
0x3c: {  	[tilespmem:s17+$0x2800] =	vst v1  }
0x3d: {  	[tilespmem:s17+$0x2810] =	vst v1  }
0x3e: {  	[tilespmem:s17+$0x2820] =	vst v1  }
0x3f: {  	[tilespmem:s17+$0x2830] =	vst v1  }
0x40: {  	[tilespmem:s17+$0x2840] =	vst v1  }
0x41: {  	[tilespmem:s17+$0x2850] =	vst v1  }
0x42: {  	[tilespmem:s17+$0x2860] =	vst v1  }
0x43: {  	s30 =	simm.s32 $0x0;
	[bflag:$0x0] =	sbarrier.arrive $0xFFFF  }
0x44: {  	[tilespmem:s30], [sflag:$0x1] =	stream.linear.gather [hbm4b:s9+s30], $0x2800, $0x38;
	[tilespmem:$0x1A800] =	vst v63  }
0x45: {  	_ =	swait.ge [sflag:s13], $0x2800  }
0x46: {  	[sflag:s13] =	ssyncset.done $0x0  }
0x47: {  	s31 =	simm.s32 $0x0;
	[sflag:s13] =	ssyncadd.s32 $0xFFFFD800  }
0x48: {  	[spmem:s2] =	stream.indirect.scatter.add.f32 [tilespmem:s12], [sflag:$0x1], $0x80, s31, s14, $0xb8;
	[tilespmem:$0x1A800] =	vst v63  }
0x49: {  	_ =	swait.ge [sflag:s13], $0x4000  }
0x4a: {  	s17 =	simm.s32 $0x200;
	[sflag:s13] =	ssyncset.done $0x0  }
.LBB2_6:
0x4b: {  	s18 =	sshra.s32 s17, $0x2;
	[sflag:s13] =	ssyncadd.s32 $0xFFFFC000;
	p0 =	sne.s32 s17, $0x9E00  }
0x4c: {  	[spmem:s2] =	stream.indirect.scatter.add.f32 [tilespmem:s12], [sflag:$0x1], $0x80, s18, s14, $0xb8;
	[tilespmem:$0x1A800] =	vst v63  }
.Ltmp2:
0x4d: {  	_ = 	snop;
	(pc) =	sbr.rel @p0 .LBB2_6-.Ltmp2, $4  }
0x4e: {  	_ = 	snop  }
0x4f: {  	s17 =	sadd.s32 $0x200, s17  }
0x50: {  	_ =	swait.ge [sflag:s13], $0x4000  }
0x51: {  	[sflag:s13] =	ssyncset.done $0x0  }
0x52: {  	s3 =	sadd.s32 $0x1, s3  }
0x53: {  	[sflag:s13] =	ssyncadd.s32 $0xFFFFC000;
	p0 =	sne.s32 s3, s11  }
.Ltmp3:
0x54: {  	[bflag:$0x0] =	sbarrier.arrive $0xFFFF;
	(pc) =	sbr.rel @p0 .LBB2_1-.Ltmp3, $4  }
0x55: {  	[hbm:s10], [sflag:s15] =	dma.local [spmem:s16], $0x2800  }
0x56: {  	_ =	swait.ge [sflag:s13], $0x2800  }
0x57: {  	[sflag:s13] =	ssyncset.done $0x0  }
0x58: {  	[sflag:s13] =	ssyncadd.s32 $0xFFFFD800  }
0x59: {  	_ =	sfence.sel $0x180000  }
0x5a: {  	[bflag:$0x0] =	sbarrier.arrive $0xFFFF  }
0x5b: {  	p0 =	sne.s32 s0, $0x0;
	_ =	strace $0x90000047  }
0x5c: {  	s0 =	sadd.s32 @!p0 $0x100000, s1;
	[bflag:$0x2] =	sbarrier.arrive $0xFFFF  }
0x5d: {  	[sflag:s0] =	ssyncadd.tile.s32 @!p0 $0x1;
	_ =	shalt  }
.Lfunc_end2:
_tile_overlayer_lowered:
.L_overlay_start_2:
0x5e: {  	(tag) =	ssettag $0x2  }
0x5f: {  	s0 =	rddreg [dreg:$0x0];
	s2 =	stileid.u32  }
0x60: {  	s1 =	rddreg [dreg:$0x1];
	p0 =	sne.s32 s2, $0x0  }
0x61: {  	s3 =	rddreg [dreg:$0x2];
	[bflag:$0x3] =	sbarrier.arrive $0xFFFF;
	s2 =	simm.s32 @!p0 $0x1C01  }
0x62: {  	[timem:s3], [sflag:s2] =	dma.local @!p0 [hbm:s0], s1  }
0x63: {  	s0 =	simm.s32 @!p0 $0x1  }
0x64: {  	_ =	swait.ge @!p0 [sflag:s0], s1  }
0x65: {  	s1 =	ssub.s32 @!p0 $0x0, s1;
	[sflag:s0] =	ssyncset.done @!p0 $0x0  }
0x66: {  	[sflag:s0] =	ssyncadd.s32 @!p0 s1  }
0x67: {  	[bflag:$0x3] =	sbarrier.arrive $0xFFFF  }
0x68: {  	_ =	shalt  }

// kernel: kernel.13.cloned.1.call-start
scs
__scs_entry_jumppad:
0x0: {  	(pc) =	sbr.rel $0x88, $3  }
0x1: {  	(tag) =	ssettag $0x0;
	lr =	simm.s32 $0x1  }
0x2: {  	[smem:$0x3F97] =	sst lr;
	_ =	strace $0xD0000000  }
0x3: {  	_ = 	snop  }
0x4: {  	_ = 	snop  }
0x5: {  	_ = 	snop  }
0x6: {  	_ = 	snop  }
0x7: {  	_ = 	snop  }
__scs_overlays_trampoline_lowered:
0x8: {  	[smem:$0x3FA6] =	sst s0  }
0x9: {  	[smem:$0x3FA7] =	sst s1  }
0xa: {  	[smem:$0x3FA8] =	sst s2  }
0xb: {  	[smem:$0x3FA9] =	sst s3  }
0xc: {  	[smem:$0x3FAA] =	sst s4  }
0xd: {  	[smem:$0x3FAB] =	sst s5  }
0xe: {  	[smem:$0x3FAC] =	sst s6  }
0xf: {  	[smem:$0x3FAD] =	sst s7  }
0x10: {  	[smem:$0x3FAE] =	sst s8  }
0x11: {  	[smem:$0x3FAF] =	sst s9;
	s0 =	simm.s32 @!p0 $0x0  }
0x12: {  	s1 =	sld [smem:$0x3F95];
	s0 =	simm.s32 @p0 $0x1  }
0x13: {  	[smem:$0x3FB0] =	sst s0;
	s0 =	simm.s32 @!p1 $0x0  }
0x14: {  	s2 =	sld [smem:$0x3F94];
	s0 =	simm.s32 @p1 $0x1  }
0x15: {  	[smem:$0x3FB1] =	sst s0;
	s0 =	simm.s32 @!p2 $0x0  }
0x16: {  	s3 =	sld [smem:$0x3FDB];
	s0 =	simm.s32 @p2 $0x1  }
0x17: {  	s4 =	simm.s32 $0x1BF5;
	[smem:$0x3FB3] =	sst s0  }
0x18: {  	s0 =	sld [smem:$0x3F96];
	_ =	swait.ge [sflag:s4], $0x0  }
0x19: {  	s7 =	sld [smem:$0x3F97]  }
0x1a: {  	s8 =	sadd.s32 $0xFFFFE003, lr  }
0x1b: {  	s9 =	sadd.s32 $0xFFFFFEF7, lr;
	s5 =	simm.s32 $0xFFFFFFFF;
	p2 =	slt.u32 s8, $0xFFFFF086  }
0x1c: {  	p1 =	slt.u32 s9, $0xF7A;
	s5 =	simm.s32 @!p2 $0x0  }
0x1d: {  	s5 =	simm.s32 @p1 $0x1;
	p0 =	seq.s32 s7, s2  }
0x1e: {  	s7 =	smul.u32 @!p0 $0xF7A, s2;
	p2 =	seq.s32 @!p0 s5, $0x0  }
0x1f: {  	s9 =	smul.u32 $0xF7A, s1;
	s8 =	simm.s32 @!p0 $0x1BF5;
	p2 =	por !p2, p0  }
0x20: {  	[sflag:s8] =	ssyncset.s32 @!p0 $0xFFFFF086;
	s6 =	sadd.s32 @!p0 s3, s7;
	s7 =	simm.s32 @!p0 $0x108  }
0x21: {  	s3 =	sadd.s32 s3, s9;
	s6 =	sadd.s32 @!p0 $0x88, s6;
	s7 =	simm.s32 @p2 $0x1082  }
0x22: {  	[simem:s7], [sflag:s8] =	dma.local @!p0 [hbm:s6], $0xF7A  }
0x23: {  	s9 =	sor.u32 $0xD0000000, s2;
	s6 =	simm.s32 $0x108;
	_ =	swait.ge @!p0 [sflag:s8], $0x0  }
0x24: {  	s3 =	sadd.s32 $0x88, s3;
	s6 =	simm.s32 @!p1 $0x1082;
	[sflag:s4] =	ssyncset.s32 $0xFFFFF086  }
0x25: {  	[simem:s6], [sflag:s4] =	dma.local [hbm:s3], $0xF7A  }
0x26: {  	[smem:$0x3F97] =	sst s1;
	(tag) =	ssettag s2;
	_ =	strace s9  }
0x27: {  	s1 =	sld [smem:$0x3FA7]  }
0x28: {  	s2 =	sld [smem:$0x3FA8]  }
0x29: {  	s4 =	sld [smem:$0x3FAA]  }
0x2a: {  	p0 =	seq.s32 s5, $0x0;
	s5 =	sld [smem:$0x3FAB]  }
0x2b: {  	s6 =	sld [smem:$0x3FAC]  }
0x2c: {  	s7 =	sld [smem:$0x3FAD]  }
0x2d: {  	s3 =	simm.s32 $0x108;
	s8 =	sld [smem:$0x3FAE]  }
0x2e: {  	s3 =	simm.s32 @!p0 $0x1082;
	s9 =	sld [smem:$0x3FAF]  }
0x2f: {  	lr =	sadd.s32 s0, s3;
	s0 =	sld [smem:$0x3FA6]  }
0x30: {  	s3 =	sld [smem:$0x3FA9]  }
0x31: {  	[smem:$0x3FB2] =	sst s10  }
0x32: {  	s10 =	sld [smem:$0x3FB0];
	_ =	sdelay $0x3  }
0x33: {  	p0 =	seq.s32 s10, $0x1;
	s10 =	sld [smem:$0x3FB2];
	_ =	sdelay $0x3  }
0x34: {  	[smem:$0x3FB2] =	sst s10  }
0x35: {  	s10 =	sld [smem:$0x3FB1];
	_ =	sdelay $0x3  }
0x36: {  	p1 =	seq.s32 s10, $0x1;
	s10 =	sld [smem:$0x3FB2];
	_ =	sdelay $0x3  }
0x37: {  	[smem:$0x3FB2] =	sst s10  }
0x38: {  	s10 =	sld [smem:$0x3FB3]  }
0x39: {  	_ = 	snop;
	(pc) =	sbr.ind lr, $3  }
0x3a: {  	_ = 	snop  }
0x3b: {  	_ = 	snop  }
0x3c: {  	p2 =	seq.s32 s10, $0x1;
	s10 =	sld [smem:$0x3FB2]  }
0x3d: {  	_ =	shalt  }
0x3e: {  	_ =	shalt  }
0x3f: {  	_ =	shalt  }
0x40: {  	_ =	shalt  }
0x41: {  	_ =	shalt  }
0x42: {  	_ =	shalt  }
0x43: {  	_ =	shalt  }
0x44: {  	_ =	shalt  }
0x45: {  	_ =	shalt  }
0x46: {  	_ =	shalt  }
0x47: {  	_ =	shalt  }
0x48: {  	_ =	shalt  }
0x49: {  	_ =	shalt  }
0x4a: {  	_ =	shalt  }
0x4b: {  	_ =	shalt  }
0x4c: {  	_ =	shalt  }
0x4d: {  	_ =	shalt  }
0x4e: {  	_ =	shalt  }
0x4f: {  	_ =	shalt  }
0x50: {  	_ =	shalt  }
0x51: {  	_ =	shalt  }
0x52: {  	_ =	shalt  }
0x53: {  	_ =	shalt  }
0x54: {  	_ =	shalt  }
0x55: {  	_ =	shalt  }
0x56: {  	_ =	shalt  }
0x57: {  	_ =	shalt  }
0x58: {  	_ =	shalt  }
0x59: {  	_ =	shalt  }
0x5a: {  	_ =	shalt  }
0x5b: {  	_ =	shalt  }
0x5c: {  	_ =	shalt  }
0x5d: {  	_ =	shalt  }
0x5e: {  	_ =	shalt  }
0x5f: {  	_ =	shalt  }
0x60: {  	_ =	shalt  }
0x61: {  	_ =	shalt  }
0x62: {  	_ =	shalt  }
0x63: {  	_ =	shalt  }
0x64: {  	_ =	shalt  }
0x65: {  	_ =	shalt  }
0x66: {  	_ =	shalt  }
0x67: {  	_ =	shalt  }
0x68: {  	_ =	shalt  }
0x69: {  	_ =	shalt  }
0x6a: {  	_ =	shalt  }
0x6b: {  	_ =	shalt  }
0x6c: {  	_ =	shalt  }
0x6d: {  	_ =	shalt  }
0x6e: {  	_ =	shalt  }
0x6f: {  	_ =	shalt  }
0x70: {  	_ =	shalt  }
0x71: {  	_ =	shalt  }
0x72: {  	_ =	shalt  }
0x73: {  	_ =	shalt  }
0x74: {  	_ =	shalt  }
0x75: {  	_ =	shalt  }
0x76: {  	_ =	shalt  }
0x77: {  	_ =	shalt  }
0x78: {  	_ =	shalt  }
0x79: {  	_ =	shalt  }
0x7a: {  	_ =	shalt  }
0x7b: {  	_ =	shalt  }
0x7c: {  	_ =	shalt  }
0x7d: {  	_ =	shalt  }
0x7e: {  	_ =	shalt  }
0x7f: {  	_ =	shalt  }
0x80: {  	_ =	shalt  }
0x81: {  	_ =	shalt  }
0x82: {  	_ =	shalt  }
0x83: {  	_ =	shalt  }
0x84: {  	_ =	shalt  }
0x85: {  	_ =	shalt  }
0x86: {  	_ =	shalt  }
0x87: {  	_ =	shalt  }
.Lfunc_end0:
.L_simem_size_0:
called_computation.1_lowered:
.L_overlay_start_0:
0x88: {  	s2 =	sld [smem:$0x3FD9]  }
0x89: {  	s3 =	sld [smem:$0x3FFE];
	_ =	sdelay $0x1  }
0x8a: {  	s1 =	srdreg.scid  }
0x8b: {  	s0 =	sand.u32 $0x1, s1  }
0x8c: {  	s16 =	sshll.u32 s0, $0xA;
	s2 =	sadd.s32 s3, s2  }
0x8d: {  	s2 =	sadd.s32 s2, s16  }
0x8e: {  	[smem:$0x3FBE] =	sst s2  }
0x8f: {  	_ = 	snop  }
0x90: {  	(tm) =	ssettm $0x1  }
0x91: {  	s17 =	sld [smem:$0x3FFB];
	_ =	sdelay $0x3  }
0x92: {  	_ =	strace s17  }
0x93: {  	s2 =	sld [smem:$0x3FFC];
	_ =	sdelay $0x3  }
0x94: {  	_ =	strace s2  }
0x95: {  	s2 =	sld [smem:$0x3FFD];
	_ =	sdelay $0x3  }
0x96: {  	_ =	strace s2  }
0x97: {  	_ =	strace $0x8FFFFFFF  }
0x98: {  	s18 =	sld [smem:$0x3FDB];
	_ =	sdelay $0x1  }
0x99: {  	s19 =	simm.s32 $_scs_section_size  }
0x9a: {  	s4 =	simm.s32 $_size__tile_overlayer_lowered;
	s5 =	simm.s32 $_tile_overlayer_lowered  }
0x9b: {  	s22 =	simm.s32 $0x1BFF;
	s21 =	sshll.u32 s5, $0x1;
	s2 =	sadd.s32 s19, s18  }
0x9c: {  	s6 =	simm.s32 $0x0;
	s20 =	sshll.u32 s4, $0x1;
	s4 =	sadd.s32 s21, s2  }
0x9d: {  	[timem:s6], [sflag:s22] =	dma.local [hbm:s4], s20  }
0x9e: {  	_ =	swait.ge [sflag:s22], s20  }
0x9f: {  	s3 =	ssub.s32 $0x0, s20;
	[sflag:s22] =	ssyncset.done $0x0  }
0xa0: {  	[sflag:s22] =	ssyncadd.s32 s3;
	_ =	sdelay $0x1  }
0xa1: {  	s23 =	simm.s32 $0x1B8B  }
0xa2: {  	_ =	swait.ge [sflag:s23], $0x1  }
0xa3: {  	[sflag:s23] =	ssyncset.done $0x0  }
0xa4: {  	s25 =	simm.s32 $0x1B8E;
	s24 =	sld [smem:$0x3FFE];
	[sflag:s23] =	ssyncadd.s32 $0xFFFFFFFF  }
0xa5: {  	s26 =	simm.s32 $execute0_lowered;
	[smem:$0x3FD2] =	sst s25  }
0xa6: {  	s4 =	sshll.u32 s26, $0x1;
	_ =	strace $0x80000049;
	[dreg:$0x1] =	wrdreg $0xFFFFFFFF  }
0xa7: {  	s28 =	simm.s32 $_size_execute0_lowered;
	s2 =	sadd.s32 s2, s4;
	[dreg:$0x0] =	wrdreg $0x0  }
0xa8: {  	s4 =	sshll.u32 s28, $0x1;
	[dreg:$0x2] =	wrdreg s2  }
0xa9: {  	[dreg:$0x3] =	wrdreg s4  }
0xaa: {  	[dreg:$0x4] =	wrdreg $0xC0  }
0xab: {  	_ =	task [dreg:s6], $0x5FFFF  }
0xac: {  	[dreg:$0x1] =	wrdreg $0xFFFFFFFF  }
0xad: {  	[dreg:$0x0] =	wrdreg $0x60  }
0xae: {  	[dreg:$0x2] =	wrdreg s24  }
0xaf: {  	[dreg:$0x3] =	wrdreg $0x88000  }
0xb0: {  	[dreg:$0x4] =	wrdreg $0x9  }
0xb1: {  	_ =	task.clear_ibuf [dreg:s6], $0x5FFFF;
	_ =	strace $0x90000049  }
0xb2: {  	s29 =	simm.s32 $0x9;
	_ =	strace $0x8000004B  }
0xb3: {  	_ =	swait.ge [sflag:s29], $0x1  }
0xb4: {  	[sflag:s29] =	ssyncadd.s32 $0xFFFFFFFF  }
0xb5: {  	_ =	strace $0x9000004B  }
0xb6: {  	_ =	sfence  }
0xb7: {  	s30 =	sld [smem:$0x0];
	_ =	sdelay $0x2  }
0xb8: {  	s31 =	sshll.u32 s1, $0xD;
	s1 =	sshrl.u32 s1, $0x2  }
0xb9: {  	s3 =	sand.u32 $0x4000, s31;
	s1 =	sadd.s32 s1, s30  }
0xba: {  	s0 =	sor.u32 s3, s0;
	s1 =	sshll.u32 s1, $0x11  }
0xbb: {  	s0 =	sor.u32 s1, s0  }
0xbc: {  	s0 =	sadd.s32 $0x8F2B, s0  }
0xbd: {  	[sflag:s0] =	ssyncadd.remote.s32 $0x1  }
0xbe: {  	_ =	sfence.sel $0xFFFF  }
0xbf: {  	[dreg:$0x0] =	wrdreg $0xFFFFFFFF;
	(pc) =	sbr.abs _section_cstart, $3  }
0xc0: {  	[dreg:$0x1] =	wrdreg $0xFFFFFFFF  }
0xc1: {  	_ =	task.clear_ibuf [dreg:s6], $0x2FFFF;
	_ =	strace $0x9FFFFFFF  }
0xc2: {  	(tm) =	ssettm $0x7FFFFFFF  }
0xc3: {  	_ =	shalt  }
tec
execute0_lowered:
.L_overlay_start_1:
0x0: {  	(tag) =	ssettag $0x1  }
0x1: {  	s0 =	srdreg.scid;
	s1 =	rddreg [dreg:$0x0]  }
0x2: {  	s8 =	stileid.u32;
	s2 =	rddreg [dreg:$0x1]  }
0x3: {  	s3 =	simm.s32 $0x0;
	s14 =	simm.s32 $0x800;
	s15 =	simm.s32 $0x3  }
0x4: {  	s16 =	simm.s32 $0x400;
	s17 =	simm.s32 $0x80;
	s5 =	smul.u32 $0x2800, s8  }
0x5: {  	s18 =	simm.s32 $0x4800;
	s19 =	simm.s32 $0x1;
	s20 =	smul.u32 $0x14000, s8  }
0x6: {  	s28 =	simm.s32 $0x280;
	s0 =	sand.u32 $0x1, s0;
	s8 =	smul.u32 $0x50000, s8  }
0x7: {  	s29 =	simm.s32 $0x600;
	s30 =	simm.s32 $0x300;
	s4 =	smul.u32 $0x28000, s0  }
0x8: {  	s31 =	simm.s32 $0x680;
	[smem:$0x7FF] =	sst s3;
	s6 =	smul.u32 $0x140000, s0  }
0x9: {  	_ =	strace $0x8000004A;
	s0 =	ssub.s32 $0x2, s0;
	s21 =	sshrl.u32 s8, $0x2  }
0xa: {  	s22 =	sshrl.u32 s0, $0x1;
	s4 =	sadd.s32 s5, s4;
	s5 =	sadd.s32 s20, s6  }
0xb: {  	s10 =	sadd.s32 s21, s2;
	s0 =	ssub.s32 s0, s22;
	s20 =	simm.s32 $0x100  }
0xc: {  	s21 =	simm.s32 $0x2;
	s22 =	simm.s32 $0x480;
	s6 =	simm.s32 $0x780  }
0xd: {  	s7 =	sshrl.u32 s4, $0x3;
	s23 =	sadd.s32 $0x4000, s10;
	[dreg:$0x3] =	wrdreg s10  }
0xe: {  	s4 =	sadd.s32 $0x68600, s1;
	s24 =	sadd.s32 $0x8000, s10;
	[dreg:$0x4] =	wrdreg s23  }
0xf: {  	s5 =	sshrl.u32 s5, $0x3;
	s25 =	sadd.s32 $0xC000, s10;
	[dreg:$0x5] =	wrdreg s24  }
0x10: {  	s26 =	sadd.s32 $0x10000, s10;
	s0 =	smax.u32 s0, $0x1;
	[dreg:$0x6] =	wrdreg s25  }
0x11: {  	s7 =	sadd.s32 s7, s1;
	s1 =	sadd.s32 s5, s1;
	[dreg:$0x7] =	wrdreg s26  }
0x12: {  	[dreg:$0x9] =	wrdreg s0;
	s23 =	simm.s32 $0x180;
	s24 =	simm.s32 $0x500  }
0x13: {  	s25 =	simm.s32 $0x200;
	s26 =	simm.s32 $0x580;
	s0 =	simm.s32 $0x700  }
0x14: {  	s1 =	sadd.s32 $0x90600, s1;
	s12 =	sadd.s32 $0x4600, s7;
	s13 =	sadd.s32 $0xE600, s7  }
0x15: {  	v0 =	vimm.f32 $0.0e+00;
	s7 =	simm.s32 $0x0;
	[dreg:$0x8] =	wrdreg s1;
	s1 =	simm.s32 $0x380  }
.LBB2_1:
0x16: {  	s8 =	simm.s32 $0x0;
	s9 =	simm.s32 $0x200  }
.LBB2_2:
0x17: {  	p0 =	sne.s32 s9, $0xFE00;
	[tilespmem:s8+$0x870] =	vst v0  }
0x18: {  	[tilespmem:s8+$0x800] =	vst v0  }
0x19: {  	[tilespmem:s8+$0x810] =	vst v0  }
.Ltmp0:
0x1a: {  	[tilespmem:s8+$0x820] =	vst v0;
	(pc) =	sbr.rel @p0 .LBB2_2-.Ltmp0, $4  }
0x1b: {  	[tilespmem:s8+$0x830] =	vst v0  }
0x1c: {  	[tilespmem:s8+$0x840] =	vst v0  }
0x1d: {  	[tilespmem:s8+$0x850] =	vst v0  }
0x1e: {  	[tilespmem:s8+$0x860] =	vst v0;
	s8 =	sshra.s32 s9, $0x2;
	s9 =	sadd.s32 $0x200, s9  }
0x1f: {  	[tilespmem:s8+$0x870] =	vst v0  }
0x20: {  	[tilespmem:s8+$0x800] =	vst v0  }
0x21: {  	[tilespmem:s8+$0x810] =	vst v0  }
0x22: {  	[tilespmem:s8+$0x820] =	vst v0  }
0x23: {  	[tilespmem:s8+$0x830] =	vst v0  }
0x24: {  	[tilespmem:s8+$0x840] =	vst v0  }
0x25: {  	[tilespmem:s8+$0x850] =	vst v0  }
0x26: {  	[tilespmem:s8+$0x860] =	vst v0  }
0x27: {  	[spmem:s10] =	stream.linear.scatter [tilespmem:s14], [sflag:$0x3], $0x4000, $0x38;
	[tilespmem:$0x1C800] =	vst v63  }
0x28: {  	_ =	swait.ge [sflag:s15], $0x4000  }
0x29: {  	[sflag:s15] =	ssyncset.done $0x0  }
0x2a: {  	s5 =	rddreg [dreg:$0x4];
	[sflag:s15] =	ssyncadd.s32 $0xFFFFC000  }
0x2b: {  	[spmem:s5] =	stream.linear.scatter [tilespmem:s14], [sflag:$0x3], $0x4000, $0x38;
	[tilespmem:$0x1C800] =	vst v63  }
0x2c: {  	_ =	swait.ge [sflag:s15], $0x4000  }
0x2d: {  	[sflag:s15] =	ssyncset.done $0x0  }
0x2e: {  	s11 =	rddreg [dreg:$0x5];
	[sflag:s15] =	ssyncadd.s32 $0xFFFFC000  }
0x2f: {  	[spmem:s11] =	stream.linear.scatter [tilespmem:s14], [sflag:$0x3], $0x4000, $0x38;
	[tilespmem:$0x1C800] =	vst v63  }
0x30: {  	_ =	swait.ge [sflag:s15], $0x4000  }
0x31: {  	[sflag:s15] =	ssyncset.done $0x0  }
0x32: {  	s8 =	rddreg [dreg:$0x6];
	[sflag:s15] =	ssyncadd.s32 $0xFFFFC000  }
0x33: {  	[spmem:s8] =	stream.linear.scatter [tilespmem:s14], [sflag:$0x3], $0x4000, $0x38;
	[tilespmem:$0x1C800] =	vst v63  }
0x34: {  	_ =	swait.ge [sflag:s15], $0x4000  }
0x35: {  	[sflag:s15] =	ssyncset.done $0x0  }
0x36: {  	s9 =	rddreg [dreg:$0x7];
	[sflag:s15] =	ssyncadd.s32 $0xFFFFC000  }
0x37: {  	[spmem:s9] =	stream.linear.scatter [tilespmem:s14], [sflag:$0x3], $0x4000, $0x38;
	[tilespmem:$0x1C800] =	vst v63  }
0x38: {  	_ =	swait.ge [sflag:s15], $0x4000  }
0x39: {  	[sflag:s15] =	ssyncset.done $0x0  }
0x3a: {  	[sflag:s15] =	ssyncadd.s32 $0xFFFFC000  }
0x3b: {  	s10 =	sadd.s32 $0x0, s13;
	[bflag:$0x0] =	sbarrier.arrive $0xFFFF  }
0x3c: {  	[tilespmem:s3], [sflag:$0x3] =	stream.linear.gather [hbm4b:s10+s3], $0x400, $0x38;
	[tilespmem:$0x1C800] =	vst v63  }
0x3d: {  	_ =	swait.ge [sflag:s15], $0x400  }
0x3e: {  	[sflag:s15] =	ssyncset.done $0x0  }
0x3f: {  	s11 =	sadd.s32 $0x0, s12;
	[sflag:s15] =	ssyncadd.s32 $0xFFFFFC00  }
0x40: {  	[tilespmem:s16], [sflag:$0x3] =	stream.linear.gather [hbm4b:s11+s3], $0x400, $0x38;
	[tilespmem:$0x1C800] =	vst v63  }
0x41: {  	_ =	swait.ge [sflag:s15], $0x400  }
0x42: {  	[sflag:s15] =	ssyncset.done $0x0  }
0x43: {  	[sflag:s15] =	ssyncadd.s32 $0xFFFFFC00  }
0x44: {  	[tilespmem:s14], [sflag:$0x1] =	stream.indirect.gather [hbm4b:s4+s17], $0x80, s3, s17, $0xb8;
	[tilespmem:$0x1C800] =	vst v63  }
0x45: {  	_ = 	snop  }
0x46: {  	[tilespmem:s18], [sflag:$0x2] =	stream.indirect.gather [hbm4b:s4+s17], $0x80, s17, s17, $0xb8;
	[tilespmem:$0x1C800] =	vst v63  }
0x47: {  	_ =	swait.ge [sflag:s19], $0x4000  }
0x48: {  	[sflag:s19] =	ssyncset.done $0x0  }
0x49: {  	[sflag:s19] =	ssyncadd.s32 $0xFFFFC000  }
0x4a: {  	[spmem:s2] =	stream.indirect.scatter.add.f32 [tilespmem:s14], [sflag:$0x3], $0x80, s16, s17, $0xb8;
	[tilespmem:$0x1C800] =	vst v63  }
0x4b: {  	_ =	swait.ge [sflag:s15], $0x4000  }
0x4c: {  	[sflag:s15] =	ssyncset.done $0x0  }
0x4d: {  	[sflag:s15] =	ssyncadd.s32 $0xFFFFC000  }
0x4e: {  	[tilespmem:s14], [sflag:$0x1] =	stream.indirect.gather [hbm4b:s4+s17], $0x80, s20, s17, $0xb8;
	[tilespmem:$0x1C800] =	vst v63  }
0x4f: {  	_ =	swait.ge [sflag:s21], $0x4000  }
0x50: {  	[sflag:s21] =	ssyncset.done $0x0  }
0x51: {  	[sflag:s21] =	ssyncadd.s32 $0xFFFFC000  }
0x52: {  	[spmem:s2] =	stream.indirect.scatter.add.f32 [tilespmem:s18], [sflag:$0x3], $0x80, s22, s17, $0xb8;
	[tilespmem:$0x1C800] =	vst v63  }
0x53: {  	_ =	swait.ge [sflag:s15], $0x4000  }
0x54: {  	[sflag:s15] =	ssyncset.done $0x0  }
0x55: {  	[sflag:s15] =	ssyncadd.s32 $0xFFFFC000  }
0x56: {  	[tilespmem:s18], [sflag:$0x2] =	stream.indirect.gather [hbm4b:s4+s17], $0x80, s23, s17, $0xb8;
	[tilespmem:$0x1C800] =	vst v63  }
0x57: {  	_ =	swait.ge [sflag:s19], $0x4000  }
0x58: {  	[sflag:s19] =	ssyncset.done $0x0  }
0x59: {  	[sflag:s19] =	ssyncadd.s32 $0xFFFFC000  }
0x5a: {  	[spmem:s2] =	stream.indirect.scatter.add.f32 [tilespmem:s14], [sflag:$0x3], $0x80, s24, s17, $0xb8;
	[tilespmem:$0x1C800] =	vst v63  }
0x5b: {  	_ =	swait.ge [sflag:s15], $0x4000  }
0x5c: {  	[sflag:s15] =	ssyncset.done $0x0  }
0x5d: {  	[sflag:s15] =	ssyncadd.s32 $0xFFFFC000  }
0x5e: {  	[tilespmem:s14], [sflag:$0x1] =	stream.indirect.gather [hbm4b:s4+s17], $0x80, s25, s17, $0xb8;
	[tilespmem:$0x1C800] =	vst v63  }
0x5f: {  	_ =	swait.ge [sflag:s21], $0x4000  }
0x60: {  	[sflag:s21] =	ssyncset.done $0x0  }
0x61: {  	[sflag:s21] =	ssyncadd.s32 $0xFFFFC000  }
0x62: {  	[spmem:s2] =	stream.indirect.scatter.add.f32 [tilespmem:s18], [sflag:$0x3], $0x80, s26, s17, $0xb8;
	[tilespmem:$0x1C800] =	vst v63  }
0x63: {  	_ =	swait.ge [sflag:s15], $0x4000  }
0x64: {  	[sflag:s15] =	ssyncset.done $0x0  }
0x65: {  	[sflag:s15] =	ssyncadd.s32 $0xFFFFC000  }
0x66: {  	[tilespmem:s18], [sflag:$0x2] =	stream.indirect.gather [hbm4b:s4+s17], $0x80, s28, s17, $0xb8;
	[tilespmem:$0x1C800] =	vst v63  }
0x67: {  	_ =	swait.ge [sflag:s19], $0x4000  }
0x68: {  	[sflag:s19] =	ssyncset.done $0x0  }
0x69: {  	[sflag:s19] =	ssyncadd.s32 $0xFFFFC000  }
0x6a: {  	[spmem:s2] =	stream.indirect.scatter.add.f32 [tilespmem:s14], [sflag:$0x3], $0x80, s29, s17, $0xb8;
	[tilespmem:$0x1C800] =	vst v63  }
0x6b: {  	_ =	swait.ge [sflag:s15], $0x4000  }
0x6c: {  	[sflag:s15] =	ssyncset.done $0x0  }
0x6d: {  	[sflag:s15] =	ssyncadd.s32 $0xFFFFC000  }
0x6e: {  	[tilespmem:s14], [sflag:$0x1] =	stream.indirect.gather [hbm4b:s4+s17], $0x80, s30, s17, $0xb8;
	[tilespmem:$0x1C800] =	vst v63  }
0x6f: {  	_ =	swait.ge [sflag:s21], $0x4000  }
0x70: {  	[sflag:s21] =	ssyncset.done $0x0  }
0x71: {  	[sflag:s21] =	ssyncadd.s32 $0xFFFFC000  }
0x72: {  	[spmem:s2] =	stream.indirect.scatter.add.f32 [tilespmem:s18], [sflag:$0x3], $0x80, s31, s17, $0xb8;
	[tilespmem:$0x1C800] =	vst v63  }
0x73: {  	_ =	swait.ge [sflag:s15], $0x4000  }
0x74: {  	[sflag:s15] =	ssyncset.done $0x0  }
0x75: {  	[sflag:s15] =	ssyncadd.s32 $0xFFFFC000  }
0x76: {  	[tilespmem:s18], [sflag:$0x2] =	stream.indirect.gather [hbm4b:s4+s17], $0x80, s1, s17, $0xb8;
	[tilespmem:$0x1C800] =	vst v63  }
0x77: {  	_ =	swait.ge [sflag:s19], $0x4000  }
0x78: {  	[sflag:s19] =	ssyncset.done $0x0  }
0x79: {  	[sflag:s19] =	ssyncadd.s32 $0xFFFFC000  }
0x7a: {  	[spmem:s2] =	stream.indirect.scatter.add.f32 [tilespmem:s14], [sflag:$0x3], $0x80, s0, s17, $0xb8;
	[tilespmem:$0x1C800] =	vst v63  }
0x7b: {  	_ =	swait.ge [sflag:s15], $0x4000  }
0x7c: {  	[sflag:s15] =	ssyncset.done $0x0  }
0x7d: {  	[sflag:s15] =	ssyncadd.s32 $0xFFFFC000  }
0x7e: {  	_ =	swait.ge [sflag:s21], $0x4000  }
0x7f: {  	[sflag:s21] =	ssyncset.done $0x0  }
0x80: {  	[sflag:s21] =	ssyncadd.s32 $0xFFFFC000  }
0x81: {  	[spmem:s2] =	stream.indirect.scatter.add.f32 [tilespmem:s18], [sflag:$0x3], $0x80, s6, s17, $0xb8;
	[tilespmem:$0x1C800] =	vst v63  }
0x82: {  	_ =	swait.ge [sflag:s15], $0x4000  }
0x83: {  	s8 =	simm.s32 $0x80;
	s9 =	simm.s32 $0x100;
	[sflag:s15] =	ssyncset.done $0x0  }
.LBB2_4:
0x84: {  	s11 =	sadd.s32 s8, s13  }
0x85: {  	[sflag:s15] =	ssyncadd.s32 $0xFFFFC000;
	s5 =	smov.u32 s9;
	s10 =	sadd.s32 $0x80, s9  }
0x86: {  	[tilespmem:s3], [sflag:$0x3] =	stream.linear.gather [hbm4b:s11+s3], $0x400, $0x38;
	[tilespmem:$0x1C800] =	vst v63  }
0x87: {  	p0 =	sne.s32 s9, $0x480;
	_ =	swait.ge [sflag:s15], $0x400  }
0x88: {  	[sflag:s15] =	ssyncset.done $0x0  }
0x89: {  	s9 =	sadd.s32 s8, s12;
	s8 =	smov.u32 s5;
	[sflag:s15] =	ssyncadd.s32 $0xFFFFFC00  }
0x8a: {  	[tilespmem:s16], [sflag:$0x3] =	stream.linear.gather [hbm4b:s9+s3], $0x400, $0x38;
	[tilespmem:$0x1C800] =	vst v63  }
0x8b: {  	_ =	swait.ge [sflag:s15], $0x400  }
0x8c: {  	[sflag:s15] =	ssyncset.done $0x0  }
0x8d: {  	[sflag:s15] =	ssyncadd.s32 $0xFFFFFC00  }
0x8e: {  	[tilespmem:s14], [sflag:$0x1] =	stream.indirect.gather [hbm4b:s4+s17], $0x80, s3, s17, $0xb8;
	[tilespmem:$0x1C800] =	vst v63  }
0x8f: {  	_ = 	snop  }
0x90: {  	[tilespmem:s18], [sflag:$0x2] =	stream.indirect.gather [hbm4b:s4+s17], $0x80, s17, s17, $0xb8;
	[tilespmem:$0x1C800] =	vst v63  }
0x91: {  	_ =	swait.ge [sflag:s19], $0x4000  }
0x92: {  	[sflag:s19] =	ssyncset.done $0x0  }
0x93: {  	[sflag:s19] =	ssyncadd.s32 $0xFFFFC000  }
0x94: {  	[spmem:s2] =	stream.indirect.scatter.add.f32 [tilespmem:s14], [sflag:$0x3], $0x80, s16, s17, $0xb8;
	[tilespmem:$0x1C800] =	vst v63  }
0x95: {  	_ =	swait.ge [sflag:s15], $0x4000  }
0x96: {  	[sflag:s15] =	ssyncset.done $0x0  }
0x97: {  	[sflag:s15] =	ssyncadd.s32 $0xFFFFC000  }
0x98: {  	[tilespmem:s14], [sflag:$0x1] =	stream.indirect.gather [hbm4b:s4+s17], $0x80, s20, s17, $0xb8;
	[tilespmem:$0x1C800] =	vst v63  }
0x99: {  	_ =	swait.ge [sflag:s21], $0x4000  }
0x9a: {  	[sflag:s21] =	ssyncset.done $0x0  }
0x9b: {  	[sflag:s21] =	ssyncadd.s32 $0xFFFFC000  }
0x9c: {  	[spmem:s2] =	stream.indirect.scatter.add.f32 [tilespmem:s18], [sflag:$0x3], $0x80, s22, s17, $0xb8;
	[tilespmem:$0x1C800] =	vst v63  }
0x9d: {  	_ =	swait.ge [sflag:s15], $0x4000  }
0x9e: {  	[sflag:s15] =	ssyncset.done $0x0  }
0x9f: {  	[sflag:s15] =	ssyncadd.s32 $0xFFFFC000  }
0xa0: {  	[tilespmem:s18], [sflag:$0x2] =	stream.indirect.gather [hbm4b:s4+s17], $0x80, s23, s17, $0xb8;
	[tilespmem:$0x1C800] =	vst v63  }
0xa1: {  	_ =	swait.ge [sflag:s19], $0x4000  }
0xa2: {  	[sflag:s19] =	ssyncset.done $0x0  }
0xa3: {  	[sflag:s19] =	ssyncadd.s32 $0xFFFFC000  }
0xa4: {  	[spmem:s2] =	stream.indirect.scatter.add.f32 [tilespmem:s14], [sflag:$0x3], $0x80, s24, s17, $0xb8;
	[tilespmem:$0x1C800] =	vst v63  }
0xa5: {  	_ =	swait.ge [sflag:s15], $0x4000  }
0xa6: {  	[sflag:s15] =	ssyncset.done $0x0  }
0xa7: {  	[sflag:s15] =	ssyncadd.s32 $0xFFFFC000  }
0xa8: {  	[tilespmem:s14], [sflag:$0x1] =	stream.indirect.gather [hbm4b:s4+s17], $0x80, s25, s17, $0xb8;
	[tilespmem:$0x1C800] =	vst v63  }
0xa9: {  	_ =	swait.ge [sflag:s21], $0x4000  }
0xaa: {  	[sflag:s21] =	ssyncset.done $0x0  }
0xab: {  	[sflag:s21] =	ssyncadd.s32 $0xFFFFC000  }
0xac: {  	[spmem:s2] =	stream.indirect.scatter.add.f32 [tilespmem:s18], [sflag:$0x3], $0x80, s26, s17, $0xb8;
	[tilespmem:$0x1C800] =	vst v63  }
0xad: {  	_ =	swait.ge [sflag:s15], $0x4000  }
0xae: {  	[sflag:s15] =	ssyncset.done $0x0  }
0xaf: {  	[sflag:s15] =	ssyncadd.s32 $0xFFFFC000  }
0xb0: {  	[tilespmem:s18], [sflag:$0x2] =	stream.indirect.gather [hbm4b:s4+s17], $0x80, s28, s17, $0xb8;
	[tilespmem:$0x1C800] =	vst v63  }
0xb1: {  	_ =	swait.ge [sflag:s19], $0x4000  }
0xb2: {  	[sflag:s19] =	ssyncset.done $0x0  }
0xb3: {  	[sflag:s19] =	ssyncadd.s32 $0xFFFFC000  }
0xb4: {  	[spmem:s2] =	stream.indirect.scatter.add.f32 [tilespmem:s14], [sflag:$0x3], $0x80, s29, s17, $0xb8;
	[tilespmem:$0x1C800] =	vst v63  }
0xb5: {  	_ =	swait.ge [sflag:s15], $0x4000  }
0xb6: {  	[sflag:s15] =	ssyncset.done $0x0  }
0xb7: {  	[sflag:s15] =	ssyncadd.s32 $0xFFFFC000  }
0xb8: {  	[tilespmem:s14], [sflag:$0x1] =	stream.indirect.gather [hbm4b:s4+s17], $0x80, s30, s17, $0xb8;
	[tilespmem:$0x1C800] =	vst v63  }
0xb9: {  	_ =	swait.ge [sflag:s21], $0x4000  }
0xba: {  	[sflag:s21] =	ssyncset.done $0x0  }
0xbb: {  	[sflag:s21] =	ssyncadd.s32 $0xFFFFC000  }
0xbc: {  	[spmem:s2] =	stream.indirect.scatter.add.f32 [tilespmem:s18], [sflag:$0x3], $0x80, s31, s17, $0xb8;
	[tilespmem:$0x1C800] =	vst v63  }
0xbd: {  	_ =	swait.ge [sflag:s15], $0x4000  }
0xbe: {  	[sflag:s15] =	ssyncset.done $0x0  }
0xbf: {  	[sflag:s15] =	ssyncadd.s32 $0xFFFFC000  }
0xc0: {  	[tilespmem:s18], [sflag:$0x2] =	stream.indirect.gather [hbm4b:s4+s17], $0x80, s1, s17, $0xb8;
	[tilespmem:$0x1C800] =	vst v63  }
0xc1: {  	_ =	swait.ge [sflag:s19], $0x4000  }
0xc2: {  	[sflag:s19] =	ssyncset.done $0x0  }
0xc3: {  	[sflag:s19] =	ssyncadd.s32 $0xFFFFC000  }
0xc4: {  	[spmem:s2] =	stream.indirect.scatter.add.f32 [tilespmem:s14], [sflag:$0x3], $0x80, s0, s17, $0xb8;
	[tilespmem:$0x1C800] =	vst v63  }
0xc5: {  	_ =	swait.ge [sflag:s15], $0x4000  }
0xc6: {  	[sflag:s15] =	ssyncset.done $0x0  }
0xc7: {  	[sflag:s15] =	ssyncadd.s32 $0xFFFFC000  }
0xc8: {  	_ =	swait.ge [sflag:s21], $0x4000  }
.Ltmp1:
0xc9: {  	[sflag:s21] =	ssyncset.done $0x0;
	(pc) =	sbr.rel @p0 .LBB2_4-.Ltmp1, $4  }
0xca: {  	[sflag:s21] =	ssyncadd.s32 $0xFFFFC000  }
0xcb: {  	[spmem:s2] =	stream.indirect.scatter.add.f32 [tilespmem:s18], [sflag:$0x3], $0x80, s6, s17, $0xb8;
	[tilespmem:$0x1C800] =	vst v63  }
0xcc: {  	_ =	swait.ge [sflag:s15], $0x4000  }
0xcd: {  	s9 =	smov.u32 s10;
	[sflag:s15] =	ssyncset.done $0x0  }
0xce: {  	s5 =	sadd.s32 s8, s13;
	[sflag:s15] =	ssyncadd.s32 $0xFFFFC000  }
0xcf: {  	[tilespmem:s3], [sflag:$0x3] =	stream.linear.gather [hbm4b:s5+s3], $0x400, $0x38;
	[tilespmem:$0x1C800] =	vst v63  }
0xd0: {  	_ =	swait.ge [sflag:s15], $0x400  }
0xd1: {  	[sflag:s15] =	ssyncset.done $0x0  }
0xd2: {  	s9 =	sadd.s32 s8, s12;
	[sflag:s15] =	ssyncadd.s32 $0xFFFFFC00  }
0xd3: {  	[tilespmem:s16], [sflag:$0x3] =	stream.linear.gather [hbm4b:s9+s3], $0x400, $0x38;
	[tilespmem:$0x1C800] =	vst v63  }
0xd4: {  	_ =	swait.ge [sflag:s15], $0x400  }
0xd5: {  	[sflag:s15] =	ssyncset.done $0x0  }
0xd6: {  	[sflag:s15] =	ssyncadd.s32 $0xFFFFFC00  }
0xd7: {  	[tilespmem:s14], [sflag:$0x1] =	stream.indirect.gather [hbm4b:s4+s17], $0x80, s3, s17, $0xb8;
	[tilespmem:$0x1C800] =	vst v63  }
0xd8: {  	_ = 	snop  }
0xd9: {  	[tilespmem:s18], [sflag:$0x2] =	stream.indirect.gather [hbm4b:s4+s17], $0x80, s17, s17, $0xb8;
	[tilespmem:$0x1C800] =	vst v63  }
0xda: {  	_ =	swait.ge [sflag:s19], $0x4000  }
0xdb: {  	[sflag:s19] =	ssyncset.done $0x0  }
0xdc: {  	[sflag:s19] =	ssyncadd.s32 $0xFFFFC000  }
0xdd: {  	[spmem:s2] =	stream.indirect.scatter.add.f32 [tilespmem:s14], [sflag:$0x3], $0x80, s16, s17, $0xb8;
	[tilespmem:$0x1C800] =	vst v63  }
0xde: {  	_ =	swait.ge [sflag:s15], $0x4000  }
0xdf: {  	[sflag:s15] =	ssyncset.done $0x0  }
0xe0: {  	[sflag:s15] =	ssyncadd.s32 $0xFFFFC000  }
0xe1: {  	[tilespmem:s14], [sflag:$0x1] =	stream.indirect.gather [hbm4b:s4+s17], $0x80, s20, s17, $0xb8;
	[tilespmem:$0x1C800] =	vst v63  }
0xe2: {  	_ =	swait.ge [sflag:s21], $0x4000  }
0xe3: {  	[sflag:s21] =	ssyncset.done $0x0  }
0xe4: {  	[sflag:s21] =	ssyncadd.s32 $0xFFFFC000  }
0xe5: {  	[spmem:s2] =	stream.indirect.scatter.add.f32 [tilespmem:s18], [sflag:$0x3], $0x80, s22, s17, $0xb8;
	[tilespmem:$0x1C800] =	vst v63  }
0xe6: {  	_ =	swait.ge [sflag:s15], $0x4000  }
0xe7: {  	[sflag:s15] =	ssyncset.done $0x0  }
0xe8: {  	[sflag:s15] =	ssyncadd.s32 $0xFFFFC000  }
0xe9: {  	[tilespmem:s18], [sflag:$0x2] =	stream.indirect.gather [hbm4b:s4+s17], $0x80, s23, s17, $0xb8;
	[tilespmem:$0x1C800] =	vst v63  }
0xea: {  	_ =	swait.ge [sflag:s19], $0x4000  }
0xeb: {  	[sflag:s19] =	ssyncset.done $0x0  }
0xec: {  	[sflag:s19] =	ssyncadd.s32 $0xFFFFC000  }
0xed: {  	[spmem:s2] =	stream.indirect.scatter.add.f32 [tilespmem:s14], [sflag:$0x3], $0x80, s24, s17, $0xb8;
	[tilespmem:$0x1C800] =	vst v63  }
0xee: {  	_ =	swait.ge [sflag:s15], $0x4000  }
0xef: {  	[sflag:s15] =	ssyncset.done $0x0  }
0xf0: {  	[sflag:s15] =	ssyncadd.s32 $0xFFFFC000  }
0xf1: {  	[tilespmem:s14], [sflag:$0x1] =	stream.indirect.gather [hbm4b:s4+s17], $0x80, s25, s17, $0xb8;
	[tilespmem:$0x1C800] =	vst v63  }
0xf2: {  	_ =	swait.ge [sflag:s21], $0x4000  }
0xf3: {  	[sflag:s21] =	ssyncset.done $0x0  }
0xf4: {  	[sflag:s21] =	ssyncadd.s32 $0xFFFFC000  }
0xf5: {  	[spmem:s2] =	stream.indirect.scatter.add.f32 [tilespmem:s18], [sflag:$0x3], $0x80, s26, s17, $0xb8;
	[tilespmem:$0x1C800] =	vst v63  }
0xf6: {  	_ =	swait.ge [sflag:s15], $0x4000  }
0xf7: {  	[sflag:s15] =	ssyncset.done $0x0  }
0xf8: {  	[sflag:s15] =	ssyncadd.s32 $0xFFFFC000  }
0xf9: {  	[tilespmem:s18], [sflag:$0x2] =	stream.indirect.gather [hbm4b:s4+s17], $0x80, s28, s17, $0xb8;
	[tilespmem:$0x1C800] =	vst v63  }
0xfa: {  	_ =	swait.ge [sflag:s19], $0x4000  }
0xfb: {  	[sflag:s19] =	ssyncset.done $0x0  }
0xfc: {  	[sflag:s19] =	ssyncadd.s32 $0xFFFFC000  }
0xfd: {  	[spmem:s2] =	stream.indirect.scatter.add.f32 [tilespmem:s14], [sflag:$0x3], $0x80, s29, s17, $0xb8;
	[tilespmem:$0x1C800] =	vst v63  }
0xfe: {  	_ =	swait.ge [sflag:s15], $0x4000  }
0xff: {  	[sflag:s15] =	ssyncset.done $0x0  }
0x100: {  	[sflag:s15] =	ssyncadd.s32 $0xFFFFC000  }
0x101: {  	[tilespmem:s14], [sflag:$0x1] =	stream.indirect.gather [hbm4b:s4+s17], $0x80, s30, s17, $0xb8;
	[tilespmem:$0x1C800] =	vst v63  }
0x102: {  	_ =	swait.ge [sflag:s21], $0x4000  }
0x103: {  	[sflag:s21] =	ssyncset.done $0x0  }
0x104: {  	[sflag:s21] =	ssyncadd.s32 $0xFFFFC000  }
0x105: {  	[spmem:s2] =	stream.indirect.scatter.add.f32 [tilespmem:s18], [sflag:$0x3], $0x80, s31, s17, $0xb8;
	[tilespmem:$0x1C800] =	vst v63  }
0x106: {  	_ =	swait.ge [sflag:s15], $0x4000  }
0x107: {  	[sflag:s15] =	ssyncset.done $0x0  }
0x108: {  	[sflag:s15] =	ssyncadd.s32 $0xFFFFC000  }
0x109: {  	[tilespmem:s18], [sflag:$0x2] =	stream.indirect.gather [hbm4b:s4+s17], $0x80, s1, s17, $0xb8;
	[tilespmem:$0x1C800] =	vst v63  }
0x10a: {  	_ =	swait.ge [sflag:s19], $0x4000  }
0x10b: {  	[sflag:s19] =	ssyncset.done $0x0  }
0x10c: {  	[sflag:s19] =	ssyncadd.s32 $0xFFFFC000  }
0x10d: {  	[spmem:s2] =	stream.indirect.scatter.add.f32 [tilespmem:s14], [sflag:$0x3], $0x80, s0, s17, $0xb8;
	[tilespmem:$0x1C800] =	vst v63  }
0x10e: {  	_ =	swait.ge [sflag:s15], $0x4000  }
0x10f: {  	[sflag:s15] =	ssyncset.done $0x0  }
0x110: {  	[sflag:s15] =	ssyncadd.s32 $0xFFFFC000  }
0x111: {  	_ =	swait.ge [sflag:s21], $0x4000  }
0x112: {  	[sflag:s21] =	ssyncset.done $0x0  }
0x113: {  	[sflag:s21] =	ssyncadd.s32 $0xFFFFC000  }
0x114: {  	[spmem:s2] =	stream.indirect.scatter.add.f32 [tilespmem:s18], [sflag:$0x3], $0x80, s6, s17, $0xb8;
	[tilespmem:$0x1C800] =	vst v63  }
0x115: {  	_ =	swait.ge [sflag:s15], $0x4000  }
0x116: {  	[sflag:s15] =	ssyncset.done $0x0  }
0x117: {  	[sflag:s15] =	ssyncadd.s32 $0xFFFFC000  }
0x118: {  	s10 =	stileid.u32;
	[bflag:$0x0] =	sbarrier.arrive $0xFFFF  }
0x119: {  	s5 =	sshll.u32 s10, $0x6;
	s10 =	rddreg [dreg:$0x3]  }
0x11a: {  	s5 =	sor.u32 $0x1C03, s5;
	s9 =	rddreg [dreg:$0x8];
	s11 =	sshrl.u32 s10, $0x3  }
0x11b: {  	[hbm:s9], [sflag:s5] =	dma.local [spmem:s11], $0x2800  }
0x11c: {  	_ =	swait.ge [sflag:s15], $0x2800  }
0x11d: {  	s7 =	sadd.s32 $0x1, s7;
	s11 =	rddreg [dreg:$0x9]  }
0x11e: {  	p0 =	sne.s32 s7, s11  }
.Ltmp2:
0x11f: {  	_ = 	snop;
	(pc) =	sbr.rel @p0 .LBB2_1-.Ltmp2, $3  }
0x120: {  	_ =	sdelay $0x1  }
0x121: {  	[sflag:s15] =	ssyncset.done $0x0  }
0x122: {  	[sflag:s15] =	ssyncadd.s32 $0xFFFFD800  }
0x123: {  	_ =	sfence.sel $0x180000  }
0x124: {  	[bflag:$0x0] =	sbarrier.arrive $0xFFFF  }
0x125: {  	_ =	strace $0x9000004A  }
0x126: {  	s0 =	stileid.u32;
	[bflag:$0x2] =	sbarrier.arrive $0xFFFF  }
0x127: {  	p0 =	sne.s32 s0, $0x0;
	s0 =	rddreg [dreg:$0x2]  }
0x128: {  	s0 =	sadd.s32 @!p0 $0x100000, s0  }
0x129: {  	[sflag:s0] =	ssyncadd.tile.s32 @!p0 $0x1;
	_ =	shalt  }
.Lfunc_end2:
_tile_overlayer_lowered:
.L_overlay_start_2:
0x12a: {  	(tag) =	ssettag $0x2  }
0x12b: {  	s0 =	rddreg [dreg:$0x0];
	s2 =	stileid.u32  }
0x12c: {  	s1 =	rddreg [dreg:$0x1];
	p0 =	sne.s32 s2, $0x0  }
0x12d: {  	s3 =	rddreg [dreg:$0x2];
	[bflag:$0x3] =	sbarrier.arrive $0xFFFF;
	s2 =	simm.s32 @!p0 $0x1C03  }
0x12e: {  	[timem:s3], [sflag:s2] =	dma.local @!p0 [hbm:s0], s1  }
0x12f: {  	s0 =	simm.s32 @!p0 $0x3  }
0x130: {  	_ =	swait.ge @!p0 [sflag:s0], s1  }
0x131: {  	s1 =	ssub.s32 @!p0 $0x0, s1;
	[sflag:s0] =	ssyncset.done @!p0 $0x0  }
0x132: {  	[sflag:s0] =	ssyncadd.s32 @!p0 s1  }
0x133: {  	[bflag:$0x3] =	sbarrier.arrive $0xFFFF  }
0x134: {  	_ =	shalt  }

// kernel: kernel.16.cloned.1.call-start
scs
__scs_entry_jumppad:
0x0: {  	(pc) =	sbr.rel $0x88, $3  }
0x1: {  	(tag) =	ssettag $0x0;
	lr =	simm.s32 $0x1  }
0x2: {  	[smem:$0x3F97] =	sst lr;
	_ =	strace $0xD0000000  }
0x3: {  	_ = 	snop  }
0x4: {  	_ = 	snop  }
0x5: {  	_ = 	snop  }
0x6: {  	_ = 	snop  }
0x7: {  	_ = 	snop  }
__scs_overlays_trampoline_lowered:
0x8: {  	[smem:$0x3FA6] =	sst s0  }
0x9: {  	[smem:$0x3FA7] =	sst s1  }
0xa: {  	[smem:$0x3FA8] =	sst s2  }
0xb: {  	[smem:$0x3FA9] =	sst s3  }
0xc: {  	[smem:$0x3FAA] =	sst s4  }
0xd: {  	[smem:$0x3FAB] =	sst s5  }
0xe: {  	[smem:$0x3FAC] =	sst s6  }
0xf: {  	[smem:$0x3FAD] =	sst s7  }
0x10: {  	[smem:$0x3FAE] =	sst s8  }
0x11: {  	[smem:$0x3FAF] =	sst s9;
	s0 =	simm.s32 @!p0 $0x0  }
0x12: {  	s1 =	sld [smem:$0x3F95];
	s0 =	simm.s32 @p0 $0x1  }
0x13: {  	[smem:$0x3FB0] =	sst s0;
	s0 =	simm.s32 @!p1 $0x0  }
0x14: {  	s2 =	sld [smem:$0x3F94];
	s0 =	simm.s32 @p1 $0x1  }
0x15: {  	[smem:$0x3FB1] =	sst s0;
	s0 =	simm.s32 @!p2 $0x0  }
0x16: {  	s3 =	sld [smem:$0x3FDB];
	s0 =	simm.s32 @p2 $0x1  }
0x17: {  	s4 =	simm.s32 $0x1BF5;
	[smem:$0x3FB3] =	sst s0  }
0x18: {  	s0 =	sld [smem:$0x3F96];
	_ =	swait.ge [sflag:s4], $0x0  }
0x19: {  	s7 =	sld [smem:$0x3F97]  }
0x1a: {  	s8 =	sadd.s32 $0xFFFFE003, lr  }
0x1b: {  	s9 =	sadd.s32 $0xFFFFFEF7, lr;
	s5 =	simm.s32 $0xFFFFFFFF;
	p2 =	slt.u32 s8, $0xFFFFF086  }
0x1c: {  	p1 =	slt.u32 s9, $0xF7A;
	s5 =	simm.s32 @!p2 $0x0  }
0x1d: {  	s5 =	simm.s32 @p1 $0x1;
	p0 =	seq.s32 s7, s2  }
0x1e: {  	s7 =	smul.u32 @!p0 $0xF7A, s2;
	p2 =	seq.s32 @!p0 s5, $0x0  }
0x1f: {  	s9 =	smul.u32 $0xF7A, s1;
	s8 =	simm.s32 @!p0 $0x1BF5;
	p2 =	por !p2, p0  }
0x20: {  	[sflag:s8] =	ssyncset.s32 @!p0 $0xFFFFF086;
	s6 =	sadd.s32 @!p0 s3, s7;
	s7 =	simm.s32 @!p0 $0x108  }
0x21: {  	s3 =	sadd.s32 s3, s9;
	s6 =	sadd.s32 @!p0 $0x88, s6;
	s7 =	simm.s32 @p2 $0x1082  }
0x22: {  	[simem:s7], [sflag:s8] =	dma.local @!p0 [hbm:s6], $0xF7A  }
0x23: {  	s9 =	sor.u32 $0xD0000000, s2;
	s6 =	simm.s32 $0x108;
	_ =	swait.ge @!p0 [sflag:s8], $0x0  }
0x24: {  	s3 =	sadd.s32 $0x88, s3;
	s6 =	simm.s32 @!p1 $0x1082;
	[sflag:s4] =	ssyncset.s32 $0xFFFFF086  }
0x25: {  	[simem:s6], [sflag:s4] =	dma.local [hbm:s3], $0xF7A  }
0x26: {  	[smem:$0x3F97] =	sst s1;
	(tag) =	ssettag s2;
	_ =	strace s9  }
0x27: {  	s1 =	sld [smem:$0x3FA7]  }
0x28: {  	s2 =	sld [smem:$0x3FA8]  }
0x29: {  	s4 =	sld [smem:$0x3FAA]  }
0x2a: {  	p0 =	seq.s32 s5, $0x0;
	s5 =	sld [smem:$0x3FAB]  }
0x2b: {  	s6 =	sld [smem:$0x3FAC]  }
0x2c: {  	s7 =	sld [smem:$0x3FAD]  }
0x2d: {  	s3 =	simm.s32 $0x108;
	s8 =	sld [smem:$0x3FAE]  }
0x2e: {  	s3 =	simm.s32 @!p0 $0x1082;
	s9 =	sld [smem:$0x3FAF]  }
0x2f: {  	lr =	sadd.s32 s0, s3;
	s0 =	sld [smem:$0x3FA6]  }
0x30: {  	s3 =	sld [smem:$0x3FA9]  }
0x31: {  	[smem:$0x3FB2] =	sst s10  }
0x32: {  	s10 =	sld [smem:$0x3FB0];
	_ =	sdelay $0x3  }
0x33: {  	p0 =	seq.s32 s10, $0x1;
	s10 =	sld [smem:$0x3FB2];
	_ =	sdelay $0x3  }
0x34: {  	[smem:$0x3FB2] =	sst s10  }
0x35: {  	s10 =	sld [smem:$0x3FB1];
	_ =	sdelay $0x3  }
0x36: {  	p1 =	seq.s32 s10, $0x1;
	s10 =	sld [smem:$0x3FB2];
	_ =	sdelay $0x3  }
0x37: {  	[smem:$0x3FB2] =	sst s10  }
0x38: {  	s10 =	sld [smem:$0x3FB3]  }
0x39: {  	_ = 	snop;
	(pc) =	sbr.ind lr, $3  }
0x3a: {  	_ = 	snop  }
0x3b: {  	_ = 	snop  }
0x3c: {  	p2 =	seq.s32 s10, $0x1;
	s10 =	sld [smem:$0x3FB2]  }
0x3d: {  	_ =	shalt  }
0x3e: {  	_ =	shalt  }
0x3f: {  	_ =	shalt  }
0x40: {  	_ =	shalt  }
0x41: {  	_ =	shalt  }
0x42: {  	_ =	shalt  }
0x43: {  	_ =	shalt  }
0x44: {  	_ =	shalt  }
0x45: {  	_ =	shalt  }
0x46: {  	_ =	shalt  }
0x47: {  	_ =	shalt  }
0x48: {  	_ =	shalt  }
0x49: {  	_ =	shalt  }
0x4a: {  	_ =	shalt  }
0x4b: {  	_ =	shalt  }
0x4c: {  	_ =	shalt  }
0x4d: {  	_ =	shalt  }
0x4e: {  	_ =	shalt  }
0x4f: {  	_ =	shalt  }
0x50: {  	_ =	shalt  }
0x51: {  	_ =	shalt  }
0x52: {  	_ =	shalt  }
0x53: {  	_ =	shalt  }
0x54: {  	_ =	shalt  }
0x55: {  	_ =	shalt  }
0x56: {  	_ =	shalt  }
0x57: {  	_ =	shalt  }
0x58: {  	_ =	shalt  }
0x59: {  	_ =	shalt  }
0x5a: {  	_ =	shalt  }
0x5b: {  	_ =	shalt  }
0x5c: {  	_ =	shalt  }
0x5d: {  	_ =	shalt  }
0x5e: {  	_ =	shalt  }
0x5f: {  	_ =	shalt  }
0x60: {  	_ =	shalt  }
0x61: {  	_ =	shalt  }
0x62: {  	_ =	shalt  }
0x63: {  	_ =	shalt  }
0x64: {  	_ =	shalt  }
0x65: {  	_ =	shalt  }
0x66: {  	_ =	shalt  }
0x67: {  	_ =	shalt  }
0x68: {  	_ =	shalt  }
0x69: {  	_ =	shalt  }
0x6a: {  	_ =	shalt  }
0x6b: {  	_ =	shalt  }
0x6c: {  	_ =	shalt  }
0x6d: {  	_ =	shalt  }
0x6e: {  	_ =	shalt  }
0x6f: {  	_ =	shalt  }
0x70: {  	_ =	shalt  }
0x71: {  	_ =	shalt  }
0x72: {  	_ =	shalt  }
0x73: {  	_ =	shalt  }
0x74: {  	_ =	shalt  }
0x75: {  	_ =	shalt  }
0x76: {  	_ =	shalt  }
0x77: {  	_ =	shalt  }
0x78: {  	_ =	shalt  }
0x79: {  	_ =	shalt  }
0x7a: {  	_ =	shalt  }
0x7b: {  	_ =	shalt  }
0x7c: {  	_ =	shalt  }
0x7d: {  	_ =	shalt  }
0x7e: {  	_ =	shalt  }
0x7f: {  	_ =	shalt  }
0x80: {  	_ =	shalt  }
0x81: {  	_ =	shalt  }
0x82: {  	_ =	shalt  }
0x83: {  	_ =	shalt  }
0x84: {  	_ =	shalt  }
0x85: {  	_ =	shalt  }
0x86: {  	_ =	shalt  }
0x87: {  	_ =	shalt  }
.Lfunc_end0:
.L_simem_size_0:
called_computation.2_lowered:
.L_overlay_start_0:
0x88: {  	s2 =	sld [smem:$0x3FD9]  }
0x89: {  	s3 =	sld [smem:$0x3FFE];
	_ =	sdelay $0x1  }
0x8a: {  	s1 =	srdreg.scid  }
0x8b: {  	s0 =	sand.u32 $0x1, s1  }
0x8c: {  	s16 =	sshll.u32 s0, $0xA;
	s2 =	sadd.s32 s3, s2  }
0x8d: {  	s2 =	sadd.s32 s2, s16  }
0x8e: {  	[smem:$0x3FBE] =	sst s2  }
0x8f: {  	_ = 	snop  }
0x90: {  	(tm) =	ssettm $0x1  }
0x91: {  	s17 =	sld [smem:$0x3FFB];
	_ =	sdelay $0x3  }
0x92: {  	_ =	strace s17  }
0x93: {  	s2 =	sld [smem:$0x3FFC];
	_ =	sdelay $0x3  }
0x94: {  	_ =	strace s2  }
0x95: {  	s2 =	sld [smem:$0x3FFD];
	_ =	sdelay $0x3  }
0x96: {  	_ =	strace s2  }
0x97: {  	_ =	strace $0x8FFFFFFF  }
0x98: {  	s18 =	sld [smem:$0x3FDB];
	_ =	sdelay $0x1  }
0x99: {  	s19 =	simm.s32 $_scs_section_size  }
0x9a: {  	s4 =	simm.s32 $_size__tile_overlayer_lowered;
	s5 =	simm.s32 $_tile_overlayer_lowered  }
0x9b: {  	s22 =	simm.s32 $0x1BFF;
	s21 =	sshll.u32 s5, $0x1;
	s2 =	sadd.s32 s19, s18  }
0x9c: {  	s6 =	simm.s32 $0x0;
	s20 =	sshll.u32 s4, $0x1;
	s4 =	sadd.s32 s21, s2  }
0x9d: {  	[timem:s6], [sflag:s22] =	dma.local [hbm:s4], s20  }
0x9e: {  	_ =	swait.ge [sflag:s22], s20  }
0x9f: {  	s3 =	ssub.s32 $0x0, s20;
	[sflag:s22] =	ssyncset.done $0x0  }
0xa0: {  	[sflag:s22] =	ssyncadd.s32 s3;
	_ =	sdelay $0x1  }
0xa1: {  	s23 =	simm.s32 $0x1B8B  }
0xa2: {  	_ =	swait.ge [sflag:s23], $0x1  }
0xa3: {  	[sflag:s23] =	ssyncset.done $0x0  }
0xa4: {  	s25 =	simm.s32 $0x1B8E;
	s24 =	sld [smem:$0x3FFE];
	[sflag:s23] =	ssyncadd.s32 $0xFFFFFFFF  }
0xa5: {  	s26 =	simm.s32 $execute0_lowered;
	[smem:$0x3FD2] =	sst s25  }
0xa6: {  	s4 =	sshll.u32 s26, $0x1;
	_ =	strace $0x8000004C;
	[dreg:$0x1] =	wrdreg $0xFFFFFFFF  }
0xa7: {  	s28 =	simm.s32 $_size_execute0_lowered;
	s2 =	sadd.s32 s2, s4;
	[dreg:$0x0] =	wrdreg $0x0  }
0xa8: {  	s4 =	sshll.u32 s28, $0x1;
	[dreg:$0x2] =	wrdreg s2  }
0xa9: {  	[dreg:$0x3] =	wrdreg s4  }
0xaa: {  	[dreg:$0x4] =	wrdreg $0xC0  }
0xab: {  	_ =	task [dreg:s6], $0x5FFFF  }
0xac: {  	[dreg:$0x1] =	wrdreg $0xFFFFFFFF  }
0xad: {  	[dreg:$0x0] =	wrdreg $0x60  }
0xae: {  	[dreg:$0x2] =	wrdreg s24  }
0xaf: {  	[dreg:$0x3] =	wrdreg $0x88000  }
0xb0: {  	[dreg:$0x4] =	wrdreg $0x9  }
0xb1: {  	_ =	task.clear_ibuf [dreg:s6], $0x5FFFF;
	_ =	strace $0x9000004C  }
0xb2: {  	s29 =	simm.s32 $0x9;
	_ =	strace $0x8000004E  }
0xb3: {  	_ =	swait.ge [sflag:s29], $0x1  }
0xb4: {  	[sflag:s29] =	ssyncadd.s32 $0xFFFFFFFF  }
0xb5: {  	_ =	strace $0x9000004E  }
0xb6: {  	_ =	sfence  }
0xb7: {  	s30 =	sld [smem:$0x0];
	_ =	sdelay $0x2  }
0xb8: {  	s31 =	sshll.u32 s1, $0xD;
	s1 =	sshrl.u32 s1, $0x2  }
0xb9: {  	s3 =	sand.u32 $0x4000, s31;
	s1 =	sadd.s32 s1, s30  }
0xba: {  	s0 =	sor.u32 s3, s0;
	s1 =	sshll.u32 s1, $0x11  }
0xbb: {  	s0 =	sor.u32 s1, s0  }
0xbc: {  	s0 =	sadd.s32 $0x8F2B, s0  }
0xbd: {  	[sflag:s0] =	ssyncadd.remote.s32 $0x1  }
0xbe: {  	_ =	sfence.sel $0xFFFF  }
0xbf: {  	[dreg:$0x0] =	wrdreg $0xFFFFFFFF;
	(pc) =	sbr.abs _section_cstart, $3  }
0xc0: {  	[dreg:$0x1] =	wrdreg $0xFFFFFFFF  }
0xc1: {  	_ =	task.clear_ibuf [dreg:s6], $0x2FFFF;
	_ =	strace $0x9FFFFFFF  }
0xc2: {  	(tm) =	ssettm $0x7FFFFFFF  }
0xc3: {  	_ =	shalt  }
tec
execute0_lowered:
.L_overlay_start_1:
0x0: {  	(tag) =	ssettag $0x1  }
0x1: {  	s0 =	srdreg.scid;
	s1 =	rddreg [dreg:$0x0]  }
0x2: {  	s8 =	stileid.u32;
	s2 =	rddreg [dreg:$0x1]  }
0x3: {  	s3 =	simm.s32 $0x0;
	s14 =	simm.s32 $0x800;
	s15 =	simm.s32 $0x3  }
0x4: {  	s16 =	simm.s32 $0x400;
	s17 =	simm.s32 $0x80;
	s5 =	smul.u32 $0x2800, s8  }
0x5: {  	s18 =	simm.s32 $0x4800;
	s19 =	simm.s32 $0x1;
	s20 =	smul.u32 $0x14000, s8  }
0x6: {  	s28 =	simm.s32 $0x280;
	s0 =	sand.u32 $0x1, s0;
	s8 =	smul.u32 $0x50000, s8  }
0x7: {  	s29 =	simm.s32 $0x600;
	s30 =	simm.s32 $0x300;
	s4 =	smul.u32 $0x28000, s0  }
0x8: {  	s31 =	simm.s32 $0x680;
	[smem:$0x7FF] =	sst s3;
	s6 =	smul.u32 $0x140000, s0  }
0x9: {  	_ =	strace $0x8000004D;
	s0 =	ssub.s32 $0x2, s0;
	s21 =	sshrl.u32 s8, $0x2  }
0xa: {  	s22 =	sshrl.u32 s0, $0x1;
	s4 =	sadd.s32 s5, s4;
	s5 =	sadd.s32 s20, s6  }
0xb: {  	s10 =	sadd.s32 s21, s2;
	s0 =	ssub.s32 s0, s22;
	s20 =	simm.s32 $0x100  }
0xc: {  	s21 =	simm.s32 $0x2;
	s22 =	simm.s32 $0x480;
	s6 =	simm.s32 $0x780  }
0xd: {  	s7 =	sshrl.u32 s4, $0x3;
	s23 =	sadd.s32 $0x4000, s10;
	[dreg:$0x3] =	wrdreg s10  }
0xe: {  	s4 =	sadd.s32 $0x68600, s1;
	s24 =	sadd.s32 $0x8000, s10;
	[dreg:$0x4] =	wrdreg s23  }
0xf: {  	s5 =	sshrl.u32 s5, $0x3;
	s25 =	sadd.s32 $0xC000, s10;
	[dreg:$0x5] =	wrdreg s24  }
0x10: {  	s26 =	sadd.s32 $0x10000, s10;
	s0 =	smax.u32 s0, $0x1;
	[dreg:$0x6] =	wrdreg s25  }
0x11: {  	s7 =	sadd.s32 s7, s1;
	s1 =	sadd.s32 s5, s1;
	[dreg:$0x7] =	wrdreg s26  }
0x12: {  	[dreg:$0x9] =	wrdreg s0;
	s23 =	simm.s32 $0x180;
	s24 =	simm.s32 $0x500  }
0x13: {  	s25 =	simm.s32 $0x200;
	s26 =	simm.s32 $0x580;
	s0 =	simm.s32 $0x700  }
0x14: {  	s1 =	sadd.s32 $0x90600, s1;
	s12 =	sadd.s32 $0x4600, s7;
	s13 =	sadd.s32 $0xE600, s7  }
0x15: {  	v0 =	vimm.f32 $0.0e+00;
	s7 =	simm.s32 $0x0;
	[dreg:$0x8] =	wrdreg s1;
	s1 =	simm.s32 $0x380  }
.LBB2_1:
0x16: {  	s8 =	simm.s32 $0x0;
	s9 =	simm.s32 $0x200  }
.LBB2_2:
0x17: {  	p0 =	sne.s32 s9, $0xFE00;
	[tilespmem:s8+$0x870] =	vst v0  }
0x18: {  	[tilespmem:s8+$0x800] =	vst v0  }
0x19: {  	[tilespmem:s8+$0x810] =	vst v0  }
.Ltmp0:
0x1a: {  	[tilespmem:s8+$0x820] =	vst v0;
	(pc) =	sbr.rel @p0 .LBB2_2-.Ltmp0, $4  }
0x1b: {  	[tilespmem:s8+$0x830] =	vst v0  }
0x1c: {  	[tilespmem:s8+$0x840] =	vst v0  }
0x1d: {  	[tilespmem:s8+$0x850] =	vst v0  }
0x1e: {  	[tilespmem:s8+$0x860] =	vst v0;
	s8 =	sshra.s32 s9, $0x2;
	s9 =	sadd.s32 $0x200, s9  }
0x1f: {  	[tilespmem:s8+$0x870] =	vst v0  }
0x20: {  	[tilespmem:s8+$0x800] =	vst v0  }
0x21: {  	[tilespmem:s8+$0x810] =	vst v0  }
0x22: {  	[tilespmem:s8+$0x820] =	vst v0  }
0x23: {  	[tilespmem:s8+$0x830] =	vst v0  }
0x24: {  	[tilespmem:s8+$0x840] =	vst v0  }
0x25: {  	[tilespmem:s8+$0x850] =	vst v0  }
0x26: {  	[tilespmem:s8+$0x860] =	vst v0  }
0x27: {  	[spmem:s10] =	stream.linear.scatter [tilespmem:s14], [sflag:$0x3], $0x4000, $0x38;
	[tilespmem:$0x1C800] =	vst v63  }
0x28: {  	_ =	swait.ge [sflag:s15], $0x4000  }
0x29: {  	[sflag:s15] =	ssyncset.done $0x0  }
0x2a: {  	s5 =	rddreg [dreg:$0x4];
	[sflag:s15] =	ssyncadd.s32 $0xFFFFC000  }
0x2b: {  	[spmem:s5] =	stream.linear.scatter [tilespmem:s14], [sflag:$0x3], $0x4000, $0x38;
	[tilespmem:$0x1C800] =	vst v63  }
0x2c: {  	_ =	swait.ge [sflag:s15], $0x4000  }
0x2d: {  	[sflag:s15] =	ssyncset.done $0x0  }
0x2e: {  	s11 =	rddreg [dreg:$0x5];
	[sflag:s15] =	ssyncadd.s32 $0xFFFFC000  }
0x2f: {  	[spmem:s11] =	stream.linear.scatter [tilespmem:s14], [sflag:$0x3], $0x4000, $0x38;
	[tilespmem:$0x1C800] =	vst v63  }
0x30: {  	_ =	swait.ge [sflag:s15], $0x4000  }
0x31: {  	[sflag:s15] =	ssyncset.done $0x0  }
0x32: {  	s8 =	rddreg [dreg:$0x6];
	[sflag:s15] =	ssyncadd.s32 $0xFFFFC000  }
0x33: {  	[spmem:s8] =	stream.linear.scatter [tilespmem:s14], [sflag:$0x3], $0x4000, $0x38;
	[tilespmem:$0x1C800] =	vst v63  }
0x34: {  	_ =	swait.ge [sflag:s15], $0x4000  }
0x35: {  	[sflag:s15] =	ssyncset.done $0x0  }
0x36: {  	s9 =	rddreg [dreg:$0x7];
	[sflag:s15] =	ssyncadd.s32 $0xFFFFC000  }
0x37: {  	[spmem:s9] =	stream.linear.scatter [tilespmem:s14], [sflag:$0x3], $0x4000, $0x38;
	[tilespmem:$0x1C800] =	vst v63  }
0x38: {  	_ =	swait.ge [sflag:s15], $0x4000  }
0x39: {  	[sflag:s15] =	ssyncset.done $0x0  }
0x3a: {  	[sflag:s15] =	ssyncadd.s32 $0xFFFFC000  }
0x3b: {  	s10 =	sadd.s32 $0x0, s13;
	[bflag:$0x0] =	sbarrier.arrive $0xFFFF  }
0x3c: {  	[tilespmem:s3], [sflag:$0x3] =	stream.linear.gather [hbm4b:s10+s3], $0x400, $0x38;
	[tilespmem:$0x1C800] =	vst v63  }
0x3d: {  	_ =	swait.ge [sflag:s15], $0x400  }
0x3e: {  	[sflag:s15] =	ssyncset.done $0x0  }
0x3f: {  	s11 =	sadd.s32 $0x0, s12;
	[sflag:s15] =	ssyncadd.s32 $0xFFFFFC00  }
0x40: {  	[tilespmem:s16], [sflag:$0x3] =	stream.linear.gather [hbm4b:s11+s3], $0x400, $0x38;
	[tilespmem:$0x1C800] =	vst v63  }
0x41: {  	_ =	swait.ge [sflag:s15], $0x400  }
0x42: {  	[sflag:s15] =	ssyncset.done $0x0  }
0x43: {  	[sflag:s15] =	ssyncadd.s32 $0xFFFFFC00  }
0x44: {  	[tilespmem:s14], [sflag:$0x1] =	stream.indirect.gather [hbm4b:s4+s17], $0x80, s3, s17, $0xb8;
	[tilespmem:$0x1C800] =	vst v63  }
0x45: {  	_ = 	snop  }
0x46: {  	[tilespmem:s18], [sflag:$0x2] =	stream.indirect.gather [hbm4b:s4+s17], $0x80, s17, s17, $0xb8;
	[tilespmem:$0x1C800] =	vst v63  }
0x47: {  	_ =	swait.ge [sflag:s19], $0x4000  }
0x48: {  	[sflag:s19] =	ssyncset.done $0x0  }
0x49: {  	[sflag:s19] =	ssyncadd.s32 $0xFFFFC000  }
0x4a: {  	[spmem:s2] =	stream.indirect.scatter.add.f32 [tilespmem:s14], [sflag:$0x3], $0x80, s16, s17, $0xb8;
	[tilespmem:$0x1C800] =	vst v63  }
0x4b: {  	_ =	swait.ge [sflag:s15], $0x4000  }
0x4c: {  	[sflag:s15] =	ssyncset.done $0x0  }
0x4d: {  	[sflag:s15] =	ssyncadd.s32 $0xFFFFC000  }
0x4e: {  	[tilespmem:s14], [sflag:$0x1] =	stream.indirect.gather [hbm4b:s4+s17], $0x80, s20, s17, $0xb8;
	[tilespmem:$0x1C800] =	vst v63  }
0x4f: {  	_ =	swait.ge [sflag:s21], $0x4000  }
0x50: {  	[sflag:s21] =	ssyncset.done $0x0  }
0x51: {  	[sflag:s21] =	ssyncadd.s32 $0xFFFFC000  }
0x52: {  	[spmem:s2] =	stream.indirect.scatter.add.f32 [tilespmem:s18], [sflag:$0x3], $0x80, s22, s17, $0xb8;
	[tilespmem:$0x1C800] =	vst v63  }
0x53: {  	_ =	swait.ge [sflag:s15], $0x4000  }
0x54: {  	[sflag:s15] =	ssyncset.done $0x0  }
0x55: {  	[sflag:s15] =	ssyncadd.s32 $0xFFFFC000  }
0x56: {  	[tilespmem:s18], [sflag:$0x2] =	stream.indirect.gather [hbm4b:s4+s17], $0x80, s23, s17, $0xb8;
	[tilespmem:$0x1C800] =	vst v63  }
0x57: {  	_ =	swait.ge [sflag:s19], $0x4000  }
0x58: {  	[sflag:s19] =	ssyncset.done $0x0  }
0x59: {  	[sflag:s19] =	ssyncadd.s32 $0xFFFFC000  }
0x5a: {  	[spmem:s2] =	stream.indirect.scatter.add.f32 [tilespmem:s14], [sflag:$0x3], $0x80, s24, s17, $0xb8;
	[tilespmem:$0x1C800] =	vst v63  }
0x5b: {  	_ =	swait.ge [sflag:s15], $0x4000  }
0x5c: {  	[sflag:s15] =	ssyncset.done $0x0  }
0x5d: {  	[sflag:s15] =	ssyncadd.s32 $0xFFFFC000  }
0x5e: {  	[tilespmem:s14], [sflag:$0x1] =	stream.indirect.gather [hbm4b:s4+s17], $0x80, s25, s17, $0xb8;
	[tilespmem:$0x1C800] =	vst v63  }
0x5f: {  	_ =	swait.ge [sflag:s21], $0x4000  }
0x60: {  	[sflag:s21] =	ssyncset.done $0x0  }
0x61: {  	[sflag:s21] =	ssyncadd.s32 $0xFFFFC000  }
0x62: {  	[spmem:s2] =	stream.indirect.scatter.add.f32 [tilespmem:s18], [sflag:$0x3], $0x80, s26, s17, $0xb8;
	[tilespmem:$0x1C800] =	vst v63  }
0x63: {  	_ =	swait.ge [sflag:s15], $0x4000  }
0x64: {  	[sflag:s15] =	ssyncset.done $0x0  }
0x65: {  	[sflag:s15] =	ssyncadd.s32 $0xFFFFC000  }
0x66: {  	[tilespmem:s18], [sflag:$0x2] =	stream.indirect.gather [hbm4b:s4+s17], $0x80, s28, s17, $0xb8;
	[tilespmem:$0x1C800] =	vst v63  }
0x67: {  	_ =	swait.ge [sflag:s19], $0x4000  }
0x68: {  	[sflag:s19] =	ssyncset.done $0x0  }
0x69: {  	[sflag:s19] =	ssyncadd.s32 $0xFFFFC000  }
0x6a: {  	[spmem:s2] =	stream.indirect.scatter.add.f32 [tilespmem:s14], [sflag:$0x3], $0x80, s29, s17, $0xb8;
	[tilespmem:$0x1C800] =	vst v63  }
0x6b: {  	_ =	swait.ge [sflag:s15], $0x4000  }
0x6c: {  	[sflag:s15] =	ssyncset.done $0x0  }
0x6d: {  	[sflag:s15] =	ssyncadd.s32 $0xFFFFC000  }
0x6e: {  	[tilespmem:s14], [sflag:$0x1] =	stream.indirect.gather [hbm4b:s4+s17], $0x80, s30, s17, $0xb8;
	[tilespmem:$0x1C800] =	vst v63  }
0x6f: {  	_ =	swait.ge [sflag:s21], $0x4000  }
0x70: {  	[sflag:s21] =	ssyncset.done $0x0  }
0x71: {  	[sflag:s21] =	ssyncadd.s32 $0xFFFFC000  }
0x72: {  	[spmem:s2] =	stream.indirect.scatter.add.f32 [tilespmem:s18], [sflag:$0x3], $0x80, s31, s17, $0xb8;
	[tilespmem:$0x1C800] =	vst v63  }
0x73: {  	_ =	swait.ge [sflag:s15], $0x4000  }
0x74: {  	[sflag:s15] =	ssyncset.done $0x0  }
0x75: {  	[sflag:s15] =	ssyncadd.s32 $0xFFFFC000  }
0x76: {  	[tilespmem:s18], [sflag:$0x2] =	stream.indirect.gather [hbm4b:s4+s17], $0x80, s1, s17, $0xb8;
	[tilespmem:$0x1C800] =	vst v63  }
0x77: {  	_ =	swait.ge [sflag:s19], $0x4000  }
0x78: {  	[sflag:s19] =	ssyncset.done $0x0  }
0x79: {  	[sflag:s19] =	ssyncadd.s32 $0xFFFFC000  }
0x7a: {  	[spmem:s2] =	stream.indirect.scatter.add.f32 [tilespmem:s14], [sflag:$0x3], $0x80, s0, s17, $0xb8;
	[tilespmem:$0x1C800] =	vst v63  }
0x7b: {  	_ =	swait.ge [sflag:s15], $0x4000  }
0x7c: {  	[sflag:s15] =	ssyncset.done $0x0  }
0x7d: {  	[sflag:s15] =	ssyncadd.s32 $0xFFFFC000  }
0x7e: {  	_ =	swait.ge [sflag:s21], $0x4000  }
0x7f: {  	[sflag:s21] =	ssyncset.done $0x0  }
0x80: {  	[sflag:s21] =	ssyncadd.s32 $0xFFFFC000  }
0x81: {  	[spmem:s2] =	stream.indirect.scatter.add.f32 [tilespmem:s18], [sflag:$0x3], $0x80, s6, s17, $0xb8;
	[tilespmem:$0x1C800] =	vst v63  }
0x82: {  	_ =	swait.ge [sflag:s15], $0x4000  }
0x83: {  	s8 =	simm.s32 $0x80;
	s9 =	simm.s32 $0x100;
	[sflag:s15] =	ssyncset.done $0x0  }
.LBB2_4:
0x84: {  	s11 =	sadd.s32 s8, s13  }
0x85: {  	[sflag:s15] =	ssyncadd.s32 $0xFFFFC000;
	s5 =	smov.u32 s9;
	s10 =	sadd.s32 $0x80, s9  }
0x86: {  	[tilespmem:s3], [sflag:$0x3] =	stream.linear.gather [hbm4b:s11+s3], $0x400, $0x38;
	[tilespmem:$0x1C800] =	vst v63  }
0x87: {  	p0 =	sne.s32 s9, $0x480;
	_ =	swait.ge [sflag:s15], $0x400  }
0x88: {  	[sflag:s15] =	ssyncset.done $0x0  }
0x89: {  	s9 =	sadd.s32 s8, s12;
	s8 =	smov.u32 s5;
	[sflag:s15] =	ssyncadd.s32 $0xFFFFFC00  }
0x8a: {  	[tilespmem:s16], [sflag:$0x3] =	stream.linear.gather [hbm4b:s9+s3], $0x400, $0x38;
	[tilespmem:$0x1C800] =	vst v63  }
0x8b: {  	_ =	swait.ge [sflag:s15], $0x400  }
0x8c: {  	[sflag:s15] =	ssyncset.done $0x0  }
0x8d: {  	[sflag:s15] =	ssyncadd.s32 $0xFFFFFC00  }
0x8e: {  	[tilespmem:s14], [sflag:$0x1] =	stream.indirect.gather [hbm4b:s4+s17], $0x80, s3, s17, $0xb8;
	[tilespmem:$0x1C800] =	vst v63  }
0x8f: {  	_ = 	snop  }
0x90: {  	[tilespmem:s18], [sflag:$0x2] =	stream.indirect.gather [hbm4b:s4+s17], $0x80, s17, s17, $0xb8;
	[tilespmem:$0x1C800] =	vst v63  }
0x91: {  	_ =	swait.ge [sflag:s19], $0x4000  }
0x92: {  	[sflag:s19] =	ssyncset.done $0x0  }
0x93: {  	[sflag:s19] =	ssyncadd.s32 $0xFFFFC000  }
0x94: {  	[spmem:s2] =	stream.indirect.scatter.add.f32 [tilespmem:s14], [sflag:$0x3], $0x80, s16, s17, $0xb8;
	[tilespmem:$0x1C800] =	vst v63  }
0x95: {  	_ =	swait.ge [sflag:s15], $0x4000  }
0x96: {  	[sflag:s15] =	ssyncset.done $0x0  }
0x97: {  	[sflag:s15] =	ssyncadd.s32 $0xFFFFC000  }
0x98: {  	[tilespmem:s14], [sflag:$0x1] =	stream.indirect.gather [hbm4b:s4+s17], $0x80, s20, s17, $0xb8;
	[tilespmem:$0x1C800] =	vst v63  }
0x99: {  	_ =	swait.ge [sflag:s21], $0x4000  }
0x9a: {  	[sflag:s21] =	ssyncset.done $0x0  }
0x9b: {  	[sflag:s21] =	ssyncadd.s32 $0xFFFFC000  }
0x9c: {  	[spmem:s2] =	stream.indirect.scatter.add.f32 [tilespmem:s18], [sflag:$0x3], $0x80, s22, s17, $0xb8;
	[tilespmem:$0x1C800] =	vst v63  }
0x9d: {  	_ =	swait.ge [sflag:s15], $0x4000  }
0x9e: {  	[sflag:s15] =	ssyncset.done $0x0  }
0x9f: {  	[sflag:s15] =	ssyncadd.s32 $0xFFFFC000  }
0xa0: {  	[tilespmem:s18], [sflag:$0x2] =	stream.indirect.gather [hbm4b:s4+s17], $0x80, s23, s17, $0xb8;
	[tilespmem:$0x1C800] =	vst v63  }
0xa1: {  	_ =	swait.ge [sflag:s19], $0x4000  }
0xa2: {  	[sflag:s19] =	ssyncset.done $0x0  }
0xa3: {  	[sflag:s19] =	ssyncadd.s32 $0xFFFFC000  }
0xa4: {  	[spmem:s2] =	stream.indirect.scatter.add.f32 [tilespmem:s14], [sflag:$0x3], $0x80, s24, s17, $0xb8;
	[tilespmem:$0x1C800] =	vst v63  }
0xa5: {  	_ =	swait.ge [sflag:s15], $0x4000  }
0xa6: {  	[sflag:s15] =	ssyncset.done $0x0  }
0xa7: {  	[sflag:s15] =	ssyncadd.s32 $0xFFFFC000  }
0xa8: {  	[tilespmem:s14], [sflag:$0x1] =	stream.indirect.gather [hbm4b:s4+s17], $0x80, s25, s17, $0xb8;
	[tilespmem:$0x1C800] =	vst v63  }
0xa9: {  	_ =	swait.ge [sflag:s21], $0x4000  }
0xaa: {  	[sflag:s21] =	ssyncset.done $0x0  }
0xab: {  	[sflag:s21] =	ssyncadd.s32 $0xFFFFC000  }
0xac: {  	[spmem:s2] =	stream.indirect.scatter.add.f32 [tilespmem:s18], [sflag:$0x3], $0x80, s26, s17, $0xb8;
	[tilespmem:$0x1C800] =	vst v63  }
0xad: {  	_ =	swait.ge [sflag:s15], $0x4000  }
0xae: {  	[sflag:s15] =	ssyncset.done $0x0  }
0xaf: {  	[sflag:s15] =	ssyncadd.s32 $0xFFFFC000  }
0xb0: {  	[tilespmem:s18], [sflag:$0x2] =	stream.indirect.gather [hbm4b:s4+s17], $0x80, s28, s17, $0xb8;
	[tilespmem:$0x1C800] =	vst v63  }
0xb1: {  	_ =	swait.ge [sflag:s19], $0x4000  }
0xb2: {  	[sflag:s19] =	ssyncset.done $0x0  }
0xb3: {  	[sflag:s19] =	ssyncadd.s32 $0xFFFFC000  }
0xb4: {  	[spmem:s2] =	stream.indirect.scatter.add.f32 [tilespmem:s14], [sflag:$0x3], $0x80, s29, s17, $0xb8;
	[tilespmem:$0x1C800] =	vst v63  }
0xb5: {  	_ =	swait.ge [sflag:s15], $0x4000  }
0xb6: {  	[sflag:s15] =	ssyncset.done $0x0  }
0xb7: {  	[sflag:s15] =	ssyncadd.s32 $0xFFFFC000  }
0xb8: {  	[tilespmem:s14], [sflag:$0x1] =	stream.indirect.gather [hbm4b:s4+s17], $0x80, s30, s17, $0xb8;
	[tilespmem:$0x1C800] =	vst v63  }
0xb9: {  	_ =	swait.ge [sflag:s21], $0x4000  }
0xba: {  	[sflag:s21] =	ssyncset.done $0x0  }
0xbb: {  	[sflag:s21] =	ssyncadd.s32 $0xFFFFC000  }
0xbc: {  	[spmem:s2] =	stream.indirect.scatter.add.f32 [tilespmem:s18], [sflag:$0x3], $0x80, s31, s17, $0xb8;
	[tilespmem:$0x1C800] =	vst v63  }
0xbd: {  	_ =	swait.ge [sflag:s15], $0x4000  }
0xbe: {  	[sflag:s15] =	ssyncset.done $0x0  }
0xbf: {  	[sflag:s15] =	ssyncadd.s32 $0xFFFFC000  }
0xc0: {  	[tilespmem:s18], [sflag:$0x2] =	stream.indirect.gather [hbm4b:s4+s17], $0x80, s1, s17, $0xb8;
	[tilespmem:$0x1C800] =	vst v63  }
0xc1: {  	_ =	swait.ge [sflag:s19], $0x4000  }
0xc2: {  	[sflag:s19] =	ssyncset.done $0x0  }
0xc3: {  	[sflag:s19] =	ssyncadd.s32 $0xFFFFC000  }
0xc4: {  	[spmem:s2] =	stream.indirect.scatter.add.f32 [tilespmem:s14], [sflag:$0x3], $0x80, s0, s17, $0xb8;
	[tilespmem:$0x1C800] =	vst v63  }
0xc5: {  	_ =	swait.ge [sflag:s15], $0x4000  }
0xc6: {  	[sflag:s15] =	ssyncset.done $0x0  }
0xc7: {  	[sflag:s15] =	ssyncadd.s32 $0xFFFFC000  }
0xc8: {  	_ =	swait.ge [sflag:s21], $0x4000  }
.Ltmp1:
0xc9: {  	[sflag:s21] =	ssyncset.done $0x0;
	(pc) =	sbr.rel @p0 .LBB2_4-.Ltmp1, $4  }
0xca: {  	[sflag:s21] =	ssyncadd.s32 $0xFFFFC000  }
0xcb: {  	[spmem:s2] =	stream.indirect.scatter.add.f32 [tilespmem:s18], [sflag:$0x3], $0x80, s6, s17, $0xb8;
	[tilespmem:$0x1C800] =	vst v63  }
0xcc: {  	_ =	swait.ge [sflag:s15], $0x4000  }
0xcd: {  	s9 =	smov.u32 s10;
	[sflag:s15] =	ssyncset.done $0x0  }
0xce: {  	s5 =	sadd.s32 s8, s13;
	[sflag:s15] =	ssyncadd.s32 $0xFFFFC000  }
0xcf: {  	[tilespmem:s3], [sflag:$0x3] =	stream.linear.gather [hbm4b:s5+s3], $0x400, $0x38;
	[tilespmem:$0x1C800] =	vst v63  }
0xd0: {  	_ =	swait.ge [sflag:s15], $0x400  }
0xd1: {  	[sflag:s15] =	ssyncset.done $0x0  }
0xd2: {  	s9 =	sadd.s32 s8, s12;
	[sflag:s15] =	ssyncadd.s32 $0xFFFFFC00  }
0xd3: {  	[tilespmem:s16], [sflag:$0x3] =	stream.linear.gather [hbm4b:s9+s3], $0x400, $0x38;
	[tilespmem:$0x1C800] =	vst v63  }
0xd4: {  	_ =	swait.ge [sflag:s15], $0x400  }
0xd5: {  	[sflag:s15] =	ssyncset.done $0x0  }
0xd6: {  	[sflag:s15] =	ssyncadd.s32 $0xFFFFFC00  }
0xd7: {  	[tilespmem:s14], [sflag:$0x1] =	stream.indirect.gather [hbm4b:s4+s17], $0x80, s3, s17, $0xb8;
	[tilespmem:$0x1C800] =	vst v63  }
0xd8: {  	_ = 	snop  }
0xd9: {  	[tilespmem:s18], [sflag:$0x2] =	stream.indirect.gather [hbm4b:s4+s17], $0x80, s17, s17, $0xb8;
	[tilespmem:$0x1C800] =	vst v63  }
0xda: {  	_ =	swait.ge [sflag:s19], $0x4000  }
0xdb: {  	[sflag:s19] =	ssyncset.done $0x0  }
0xdc: {  	[sflag:s19] =	ssyncadd.s32 $0xFFFFC000  }
0xdd: {  	[spmem:s2] =	stream.indirect.scatter.add.f32 [tilespmem:s14], [sflag:$0x3], $0x80, s16, s17, $0xb8;
	[tilespmem:$0x1C800] =	vst v63  }
0xde: {  	_ =	swait.ge [sflag:s15], $0x4000  }
0xdf: {  	[sflag:s15] =	ssyncset.done $0x0  }
0xe0: {  	[sflag:s15] =	ssyncadd.s32 $0xFFFFC000  }
0xe1: {  	[tilespmem:s14], [sflag:$0x1] =	stream.indirect.gather [hbm4b:s4+s17], $0x80, s20, s17, $0xb8;
	[tilespmem:$0x1C800] =	vst v63  }
0xe2: {  	_ =	swait.ge [sflag:s21], $0x4000  }
0xe3: {  	[sflag:s21] =	ssyncset.done $0x0  }
0xe4: {  	[sflag:s21] =	ssyncadd.s32 $0xFFFFC000  }
0xe5: {  	[spmem:s2] =	stream.indirect.scatter.add.f32 [tilespmem:s18], [sflag:$0x3], $0x80, s22, s17, $0xb8;
	[tilespmem:$0x1C800] =	vst v63  }
0xe6: {  	_ =	swait.ge [sflag:s15], $0x4000  }
0xe7: {  	[sflag:s15] =	ssyncset.done $0x0  }
0xe8: {  	[sflag:s15] =	ssyncadd.s32 $0xFFFFC000  }
0xe9: {  	[tilespmem:s18], [sflag:$0x2] =	stream.indirect.gather [hbm4b:s4+s17], $0x80, s23, s17, $0xb8;
	[tilespmem:$0x1C800] =	vst v63  }
0xea: {  	_ =	swait.ge [sflag:s19], $0x4000  }
0xeb: {  	[sflag:s19] =	ssyncset.done $0x0  }
0xec: {  	[sflag:s19] =	ssyncadd.s32 $0xFFFFC000  }
0xed: {  	[spmem:s2] =	stream.indirect.scatter.add.f32 [tilespmem:s14], [sflag:$0x3], $0x80, s24, s17, $0xb8;
	[tilespmem:$0x1C800] =	vst v63  }
0xee: {  	_ =	swait.ge [sflag:s15], $0x4000  }
0xef: {  	[sflag:s15] =	ssyncset.done $0x0  }
0xf0: {  	[sflag:s15] =	ssyncadd.s32 $0xFFFFC000  }
0xf1: {  	[tilespmem:s14], [sflag:$0x1] =	stream.indirect.gather [hbm4b:s4+s17], $0x80, s25, s17, $0xb8;
	[tilespmem:$0x1C800] =	vst v63  }
0xf2: {  	_ =	swait.ge [sflag:s21], $0x4000  }
0xf3: {  	[sflag:s21] =	ssyncset.done $0x0  }
0xf4: {  	[sflag:s21] =	ssyncadd.s32 $0xFFFFC000  }
0xf5: {  	[spmem:s2] =	stream.indirect.scatter.add.f32 [tilespmem:s18], [sflag:$0x3], $0x80, s26, s17, $0xb8;
	[tilespmem:$0x1C800] =	vst v63  }
0xf6: {  	_ =	swait.ge [sflag:s15], $0x4000  }
0xf7: {  	[sflag:s15] =	ssyncset.done $0x0  }
0xf8: {  	[sflag:s15] =	ssyncadd.s32 $0xFFFFC000  }
0xf9: {  	[tilespmem:s18], [sflag:$0x2] =	stream.indirect.gather [hbm4b:s4+s17], $0x80, s28, s17, $0xb8;
	[tilespmem:$0x1C800] =	vst v63  }
0xfa: {  	_ =	swait.ge [sflag:s19], $0x4000  }
0xfb: {  	[sflag:s19] =	ssyncset.done $0x0  }
0xfc: {  	[sflag:s19] =	ssyncadd.s32 $0xFFFFC000  }
0xfd: {  	[spmem:s2] =	stream.indirect.scatter.add.f32 [tilespmem:s14], [sflag:$0x3], $0x80, s29, s17, $0xb8;
	[tilespmem:$0x1C800] =	vst v63  }
0xfe: {  	_ =	swait.ge [sflag:s15], $0x4000  }
0xff: {  	[sflag:s15] =	ssyncset.done $0x0  }
0x100: {  	[sflag:s15] =	ssyncadd.s32 $0xFFFFC000  }
0x101: {  	[tilespmem:s14], [sflag:$0x1] =	stream.indirect.gather [hbm4b:s4+s17], $0x80, s30, s17, $0xb8;
	[tilespmem:$0x1C800] =	vst v63  }
0x102: {  	_ =	swait.ge [sflag:s21], $0x4000  }
0x103: {  	[sflag:s21] =	ssyncset.done $0x0  }
0x104: {  	[sflag:s21] =	ssyncadd.s32 $0xFFFFC000  }
0x105: {  	[spmem:s2] =	stream.indirect.scatter.add.f32 [tilespmem:s18], [sflag:$0x3], $0x80, s31, s17, $0xb8;
	[tilespmem:$0x1C800] =	vst v63  }
0x106: {  	_ =	swait.ge [sflag:s15], $0x4000  }
0x107: {  	[sflag:s15] =	ssyncset.done $0x0  }
0x108: {  	[sflag:s15] =	ssyncadd.s32 $0xFFFFC000  }
0x109: {  	[tilespmem:s18], [sflag:$0x2] =	stream.indirect.gather [hbm4b:s4+s17], $0x80, s1, s17, $0xb8;
	[tilespmem:$0x1C800] =	vst v63  }
0x10a: {  	_ =	swait.ge [sflag:s19], $0x4000  }
0x10b: {  	[sflag:s19] =	ssyncset.done $0x0  }
0x10c: {  	[sflag:s19] =	ssyncadd.s32 $0xFFFFC000  }
0x10d: {  	[spmem:s2] =	stream.indirect.scatter.add.f32 [tilespmem:s14], [sflag:$0x3], $0x80, s0, s17, $0xb8;
	[tilespmem:$0x1C800] =	vst v63  }
0x10e: {  	_ =	swait.ge [sflag:s15], $0x4000  }
0x10f: {  	[sflag:s15] =	ssyncset.done $0x0  }
0x110: {  	[sflag:s15] =	ssyncadd.s32 $0xFFFFC000  }
0x111: {  	_ =	swait.ge [sflag:s21], $0x4000  }
0x112: {  	[sflag:s21] =	ssyncset.done $0x0  }
0x113: {  	[sflag:s21] =	ssyncadd.s32 $0xFFFFC000  }
0x114: {  	[spmem:s2] =	stream.indirect.scatter.add.f32 [tilespmem:s18], [sflag:$0x3], $0x80, s6, s17, $0xb8;
	[tilespmem:$0x1C800] =	vst v63  }
0x115: {  	_ =	swait.ge [sflag:s15], $0x4000  }
0x116: {  	[sflag:s15] =	ssyncset.done $0x0  }
0x117: {  	[sflag:s15] =	ssyncadd.s32 $0xFFFFC000  }
0x118: {  	s10 =	stileid.u32;
	[bflag:$0x0] =	sbarrier.arrive $0xFFFF  }
0x119: {  	s5 =	sshll.u32 s10, $0x6;
	s10 =	rddreg [dreg:$0x3]  }
0x11a: {  	s5 =	sor.u32 $0x1C03, s5;
	s9 =	rddreg [dreg:$0x8];
	s11 =	sshrl.u32 s10, $0x3  }
0x11b: {  	[hbm:s9], [sflag:s5] =	dma.local [spmem:s11], $0x2800  }
0x11c: {  	_ =	swait.ge [sflag:s15], $0x2800  }
0x11d: {  	s7 =	sadd.s32 $0x1, s7;
	s11 =	rddreg [dreg:$0x9]  }
0x11e: {  	p0 =	sne.s32 s7, s11  }
.Ltmp2:
0x11f: {  	_ = 	snop;
	(pc) =	sbr.rel @p0 .LBB2_1-.Ltmp2, $3  }
0x120: {  	_ =	sdelay $0x1  }
0x121: {  	[sflag:s15] =	ssyncset.done $0x0  }
0x122: {  	[sflag:s15] =	ssyncadd.s32 $0xFFFFD800  }
0x123: {  	_ =	sfence.sel $0x180000  }
0x124: {  	[bflag:$0x0] =	sbarrier.arrive $0xFFFF  }
0x125: {  	_ =	strace $0x9000004D  }
0x126: {  	s0 =	stileid.u32;
	[bflag:$0x2] =	sbarrier.arrive $0xFFFF  }
0x127: {  	p0 =	sne.s32 s0, $0x0;
	s0 =	rddreg [dreg:$0x2]  }
0x128: {  	s0 =	sadd.s32 @!p0 $0x100000, s0  }
0x129: {  	[sflag:s0] =	ssyncadd.tile.s32 @!p0 $0x1;
	_ =	shalt  }
.Lfunc_end2:
_tile_overlayer_lowered:
.L_overlay_start_2:
0x12a: {  	(tag) =	ssettag $0x2  }
0x12b: {  	s0 =	rddreg [dreg:$0x0];
	s2 =	stileid.u32  }
0x12c: {  	s1 =	rddreg [dreg:$0x1];
	p0 =	sne.s32 s2, $0x0  }
0x12d: {  	s3 =	rddreg [dreg:$0x2];
	[bflag:$0x3] =	sbarrier.arrive $0xFFFF;
	s2 =	simm.s32 @!p0 $0x1C03  }
0x12e: {  	[timem:s3], [sflag:s2] =	dma.local @!p0 [hbm:s0], s1  }
0x12f: {  	s0 =	simm.s32 @!p0 $0x3  }
0x130: {  	_ =	swait.ge @!p0 [sflag:s0], s1  }
0x131: {  	s1 =	ssub.s32 @!p0 $0x0, s1;
	[sflag:s0] =	ssyncset.done @!p0 $0x0  }
0x132: {  	[sflag:s0] =	ssyncadd.s32 @!p0 s1  }
0x133: {  	[bflag:$0x3] =	sbarrier.arrive $0xFFFF  }
0x134: {  	_ =	shalt  }

// kernel: kernel.19.cloned.1.call-start
scs
__scs_entry_jumppad:
0x0: {  	(pc) =	sbr.rel $0x88, $3  }
0x1: {  	(tag) =	ssettag $0x0;
	lr =	simm.s32 $0x1  }
0x2: {  	[smem:$0x3F97] =	sst lr;
	_ =	strace $0xD0000000  }
0x3: {  	_ = 	snop  }
0x4: {  	_ = 	snop  }
0x5: {  	_ = 	snop  }
0x6: {  	_ = 	snop  }
0x7: {  	_ = 	snop  }
__scs_overlays_trampoline_lowered:
0x8: {  	[smem:$0x3FA6] =	sst s0  }
0x9: {  	[smem:$0x3FA7] =	sst s1  }
0xa: {  	[smem:$0x3FA8] =	sst s2  }
0xb: {  	[smem:$0x3FA9] =	sst s3  }
0xc: {  	[smem:$0x3FAA] =	sst s4  }
0xd: {  	[smem:$0x3FAB] =	sst s5  }
0xe: {  	[smem:$0x3FAC] =	sst s6  }
0xf: {  	[smem:$0x3FAD] =	sst s7  }
0x10: {  	[smem:$0x3FAE] =	sst s8  }
0x11: {  	[smem:$0x3FAF] =	sst s9;
	s0 =	simm.s32 @!p0 $0x0  }
0x12: {  	s1 =	sld [smem:$0x3F95];
	s0 =	simm.s32 @p0 $0x1  }
0x13: {  	[smem:$0x3FB0] =	sst s0;
	s0 =	simm.s32 @!p1 $0x0  }
0x14: {  	s2 =	sld [smem:$0x3F94];
	s0 =	simm.s32 @p1 $0x1  }
0x15: {  	[smem:$0x3FB1] =	sst s0;
	s0 =	simm.s32 @!p2 $0x0  }
0x16: {  	s3 =	sld [smem:$0x3FDB];
	s0 =	simm.s32 @p2 $0x1  }
0x17: {  	s4 =	simm.s32 $0x1BF5;
	[smem:$0x3FB3] =	sst s0  }
0x18: {  	s0 =	sld [smem:$0x3F96];
	_ =	swait.ge [sflag:s4], $0x0  }
0x19: {  	s7 =	sld [smem:$0x3F97]  }
0x1a: {  	s8 =	sadd.s32 $0xFFFFE003, lr  }
0x1b: {  	s9 =	sadd.s32 $0xFFFFFEF7, lr;
	s5 =	simm.s32 $0xFFFFFFFF;
	p2 =	slt.u32 s8, $0xFFFFF086  }
0x1c: {  	p1 =	slt.u32 s9, $0xF7A;
	s5 =	simm.s32 @!p2 $0x0  }
0x1d: {  	s5 =	simm.s32 @p1 $0x1;
	p0 =	seq.s32 s7, s2  }
0x1e: {  	s7 =	smul.u32 @!p0 $0xF7A, s2;
	p2 =	seq.s32 @!p0 s5, $0x0  }
0x1f: {  	s9 =	smul.u32 $0xF7A, s1;
	s8 =	simm.s32 @!p0 $0x1BF5;
	p2 =	por !p2, p0  }
0x20: {  	[sflag:s8] =	ssyncset.s32 @!p0 $0xFFFFF086;
	s6 =	sadd.s32 @!p0 s3, s7;
	s7 =	simm.s32 @!p0 $0x108  }
0x21: {  	s3 =	sadd.s32 s3, s9;
	s6 =	sadd.s32 @!p0 $0x88, s6;
	s7 =	simm.s32 @p2 $0x1082  }
0x22: {  	[simem:s7], [sflag:s8] =	dma.local @!p0 [hbm:s6], $0xF7A  }
0x23: {  	s9 =	sor.u32 $0xD0000000, s2;
	s6 =	simm.s32 $0x108;
	_ =	swait.ge @!p0 [sflag:s8], $0x0  }
0x24: {  	s3 =	sadd.s32 $0x88, s3;
	s6 =	simm.s32 @!p1 $0x1082;
	[sflag:s4] =	ssyncset.s32 $0xFFFFF086  }
0x25: {  	[simem:s6], [sflag:s4] =	dma.local [hbm:s3], $0xF7A  }
0x26: {  	[smem:$0x3F97] =	sst s1;
	(tag) =	ssettag s2;
	_ =	strace s9  }
0x27: {  	s1 =	sld [smem:$0x3FA7]  }
0x28: {  	s2 =	sld [smem:$0x3FA8]  }
0x29: {  	s4 =	sld [smem:$0x3FAA]  }
0x2a: {  	p0 =	seq.s32 s5, $0x0;
	s5 =	sld [smem:$0x3FAB]  }
0x2b: {  	s6 =	sld [smem:$0x3FAC]  }
0x2c: {  	s7 =	sld [smem:$0x3FAD]  }
0x2d: {  	s3 =	simm.s32 $0x108;
	s8 =	sld [smem:$0x3FAE]  }
0x2e: {  	s3 =	simm.s32 @!p0 $0x1082;
	s9 =	sld [smem:$0x3FAF]  }
0x2f: {  	lr =	sadd.s32 s0, s3;
	s0 =	sld [smem:$0x3FA6]  }
0x30: {  	s3 =	sld [smem:$0x3FA9]  }
0x31: {  	[smem:$0x3FB2] =	sst s10  }
0x32: {  	s10 =	sld [smem:$0x3FB0];
	_ =	sdelay $0x3  }
0x33: {  	p0 =	seq.s32 s10, $0x1;
	s10 =	sld [smem:$0x3FB2];
	_ =	sdelay $0x3  }
0x34: {  	[smem:$0x3FB2] =	sst s10  }
0x35: {  	s10 =	sld [smem:$0x3FB1];
	_ =	sdelay $0x3  }
0x36: {  	p1 =	seq.s32 s10, $0x1;
	s10 =	sld [smem:$0x3FB2];
	_ =	sdelay $0x3  }
0x37: {  	[smem:$0x3FB2] =	sst s10  }
0x38: {  	s10 =	sld [smem:$0x3FB3]  }
0x39: {  	_ = 	snop;
	(pc) =	sbr.ind lr, $3  }
0x3a: {  	_ = 	snop  }
0x3b: {  	_ = 	snop  }
0x3c: {  	p2 =	seq.s32 s10, $0x1;
	s10 =	sld [smem:$0x3FB2]  }
0x3d: {  	_ =	shalt  }
0x3e: {  	_ =	shalt  }
0x3f: {  	_ =	shalt  }
0x40: {  	_ =	shalt  }
0x41: {  	_ =	shalt  }
0x42: {  	_ =	shalt  }
0x43: {  	_ =	shalt  }
0x44: {  	_ =	shalt  }
0x45: {  	_ =	shalt  }
0x46: {  	_ =	shalt  }
0x47: {  	_ =	shalt  }
0x48: {  	_ =	shalt  }
0x49: {  	_ =	shalt  }
0x4a: {  	_ =	shalt  }
0x4b: {  	_ =	shalt  }
0x4c: {  	_ =	shalt  }
0x4d: {  	_ =	shalt  }
0x4e: {  	_ =	shalt  }
0x4f: {  	_ =	shalt  }
0x50: {  	_ =	shalt  }
0x51: {  	_ =	shalt  }
0x52: {  	_ =	shalt  }
0x53: {  	_ =	shalt  }
0x54: {  	_ =	shalt  }
0x55: {  	_ =	shalt  }
0x56: {  	_ =	shalt  }
0x57: {  	_ =	shalt  }
0x58: {  	_ =	shalt  }
0x59: {  	_ =	shalt  }
0x5a: {  	_ =	shalt  }
0x5b: {  	_ =	shalt  }
0x5c: {  	_ =	shalt  }
0x5d: {  	_ =	shalt  }
0x5e: {  	_ =	shalt  }
0x5f: {  	_ =	shalt  }
0x60: {  	_ =	shalt  }
0x61: {  	_ =	shalt  }
0x62: {  	_ =	shalt  }
0x63: {  	_ =	shalt  }
0x64: {  	_ =	shalt  }
0x65: {  	_ =	shalt  }
0x66: {  	_ =	shalt  }
0x67: {  	_ =	shalt  }
0x68: {  	_ =	shalt  }
0x69: {  	_ =	shalt  }
0x6a: {  	_ =	shalt  }
0x6b: {  	_ =	shalt  }
0x6c: {  	_ =	shalt  }
0x6d: {  	_ =	shalt  }
0x6e: {  	_ =	shalt  }
0x6f: {  	_ =	shalt  }
0x70: {  	_ =	shalt  }
0x71: {  	_ =	shalt  }
0x72: {  	_ =	shalt  }
0x73: {  	_ =	shalt  }
0x74: {  	_ =	shalt  }
0x75: {  	_ =	shalt  }
0x76: {  	_ =	shalt  }
0x77: {  	_ =	shalt  }
0x78: {  	_ =	shalt  }
0x79: {  	_ =	shalt  }
0x7a: {  	_ =	shalt  }
0x7b: {  	_ =	shalt  }
0x7c: {  	_ =	shalt  }
0x7d: {  	_ =	shalt  }
0x7e: {  	_ =	shalt  }
0x7f: {  	_ =	shalt  }
0x80: {  	_ =	shalt  }
0x81: {  	_ =	shalt  }
0x82: {  	_ =	shalt  }
0x83: {  	_ =	shalt  }
0x84: {  	_ =	shalt  }
0x85: {  	_ =	shalt  }
0x86: {  	_ =	shalt  }
0x87: {  	_ =	shalt  }
.Lfunc_end0:
.L_simem_size_0:
called_computation.3_lowered:
.L_overlay_start_0:
0x88: {  	s2 =	sld [smem:$0x3FD9]  }
0x89: {  	s3 =	sld [smem:$0x3FFE];
	_ =	sdelay $0x1  }
0x8a: {  	s1 =	srdreg.scid  }
0x8b: {  	s0 =	sand.u32 $0x1, s1  }
0x8c: {  	s16 =	sshll.u32 s0, $0xA;
	s2 =	sadd.s32 s3, s2  }
0x8d: {  	s2 =	sadd.s32 s2, s16  }
0x8e: {  	[smem:$0x3FBE] =	sst s2  }
0x8f: {  	_ = 	snop  }
0x90: {  	(tm) =	ssettm $0x1  }
0x91: {  	s17 =	sld [smem:$0x3FFB];
	_ =	sdelay $0x3  }
0x92: {  	_ =	strace s17  }
0x93: {  	s2 =	sld [smem:$0x3FFC];
	_ =	sdelay $0x3  }
0x94: {  	_ =	strace s2  }
0x95: {  	s2 =	sld [smem:$0x3FFD];
	_ =	sdelay $0x3  }
0x96: {  	_ =	strace s2  }
0x97: {  	_ =	strace $0x8FFFFFFF  }
0x98: {  	s18 =	sld [smem:$0x3FDB];
	_ =	sdelay $0x1  }
0x99: {  	s19 =	simm.s32 $_scs_section_size  }
0x9a: {  	s4 =	simm.s32 $_size__tile_overlayer_lowered;
	s5 =	simm.s32 $_tile_overlayer_lowered  }
0x9b: {  	s22 =	simm.s32 $0x1BFF;
	s21 =	sshll.u32 s5, $0x1;
	s2 =	sadd.s32 s19, s18  }
0x9c: {  	s6 =	simm.s32 $0x0;
	s20 =	sshll.u32 s4, $0x1;
	s4 =	sadd.s32 s21, s2  }
0x9d: {  	[timem:s6], [sflag:s22] =	dma.local [hbm:s4], s20  }
0x9e: {  	_ =	swait.ge [sflag:s22], s20  }
0x9f: {  	s3 =	ssub.s32 $0x0, s20;
	[sflag:s22] =	ssyncset.done $0x0  }
0xa0: {  	[sflag:s22] =	ssyncadd.s32 s3;
	_ =	sdelay $0x1  }
0xa1: {  	s23 =	simm.s32 $0x1B8B  }
0xa2: {  	_ =	swait.ge [sflag:s23], $0x1  }
0xa3: {  	[sflag:s23] =	ssyncset.done $0x0  }
0xa4: {  	s25 =	simm.s32 $0x1B8E;
	s24 =	sld [smem:$0x3FFE];
	[sflag:s23] =	ssyncadd.s32 $0xFFFFFFFF  }
0xa5: {  	s26 =	simm.s32 $execute0_lowered;
	[smem:$0x3FD2] =	sst s25  }
0xa6: {  	s4 =	sshll.u32 s26, $0x1;
	_ =	strace $0x8000004F;
	[dreg:$0x1] =	wrdreg $0xFFFFFFFF  }
0xa7: {  	s28 =	simm.s32 $_size_execute0_lowered;
	s2 =	sadd.s32 s2, s4;
	[dreg:$0x0] =	wrdreg $0x0  }
0xa8: {  	s4 =	sshll.u32 s28, $0x1;
	[dreg:$0x2] =	wrdreg s2  }
0xa9: {  	[dreg:$0x3] =	wrdreg s4  }
0xaa: {  	[dreg:$0x4] =	wrdreg $0xC0  }
0xab: {  	_ =	task [dreg:s6], $0x5FFFF  }
0xac: {  	[dreg:$0x1] =	wrdreg $0xFFFFFFFF  }
0xad: {  	[dreg:$0x0] =	wrdreg $0x60  }
0xae: {  	[dreg:$0x2] =	wrdreg s24  }
0xaf: {  	[dreg:$0x3] =	wrdreg $0xC4000  }
0xb0: {  	[dreg:$0x4] =	wrdreg $0xDC000  }
0xb1: {  	[dreg:$0x5] =	wrdreg $0x9  }
0xb2: {  	_ =	task.clear_ibuf [dreg:s6], $0x6FFFF;
	_ =	strace $0x9000004F  }
0xb3: {  	s29 =	simm.s32 $0x9;
	_ =	strace $0x80000051  }
0xb4: {  	_ =	swait.ge [sflag:s29], $0x1  }
0xb5: {  	[sflag:s29] =	ssyncadd.s32 $0xFFFFFFFF  }
0xb6: {  	_ =	strace $0x90000051  }
0xb7: {  	_ =	sfence  }
0xb8: {  	s30 =	sld [smem:$0x0];
	_ =	sdelay $0x2  }
0xb9: {  	s31 =	sshll.u32 s1, $0xD;
	s1 =	sshrl.u32 s1, $0x2  }
0xba: {  	s3 =	sand.u32 $0x4000, s31;
	s1 =	sadd.s32 s1, s30  }
0xbb: {  	s0 =	sor.u32 s3, s0;
	s1 =	sshll.u32 s1, $0x11  }
0xbc: {  	s0 =	sor.u32 s1, s0  }
0xbd: {  	s0 =	sadd.s32 $0x8F2B, s0  }
0xbe: {  	[sflag:s0] =	ssyncadd.remote.s32 $0x1  }
0xbf: {  	_ =	sfence.sel $0xFFFF  }
0xc0: {  	[dreg:$0x0] =	wrdreg $0xFFFFFFFF;
	(pc) =	sbr.abs _section_cstart, $3  }
0xc1: {  	[dreg:$0x1] =	wrdreg $0xFFFFFFFF  }
0xc2: {  	_ =	task.clear_ibuf [dreg:s6], $0x2FFFF;
	_ =	strace $0x9FFFFFFF  }
0xc3: {  	(tm) =	ssettm $0x7FFFFFFF  }
tec
execute0_lowered:
.L_overlay_start_1:
0x0: {  	(tag) =	ssettag $0x1  }
0x1: {  	s6 =	rddreg [dreg:$0x0]  }
0x2: {  	s2 =	rddreg [dreg:$0x1]  }
0x3: {  	s0 =	srdreg.scid;
	s3 =	rddreg [dreg:$0x2];
	s4 =	simm.s32 $0x0  }
0x4: {  	s13 =	simm.s32 $0x1;
	s14 =	simm.s32 $0xA000;
	s15 =	simm.s32 $0x40  }
0x5: {  	s16 =	simm.s32 $0xA080;
	s17 =	simm.s32 $0x2000;
	s18 =	simm.s32 $0xA100  }
0x6: {  	s19 =	simm.s32 $0x4000;
	s20 =	simm.s32 $0xA180;
	s21 =	simm.s32 $0x6000  }
0x7: {  	s22 =	simm.s32 $0xA200;
	s5 =	sand.u32 $0x1, s0;
	s0 =	stileid.u32  }
0x8: {  	s23 =	simm.s32 $0x8000;
	s24 =	simm.s32 $0x0;
	s9 =	smul.u32 $0x1800, s0  }
0x9: {  	[smem:$0x7FF] =	sst s4;
	s1 =	sshll.u32 s5, $0x4;
	s10 =	smul.u32 $0x18000, s5  }
0xa: {  	s5 =	ssub.s32 $0x2, s5;
	s7 =	sor.u32 s0, s1;
	s1 =	rddreg [dreg:$0x3]  }
0xb: {  	_ =	strace $0x80000050;
	s31 =	sshrl.u32 s5, $0x1;
	s8 =	smul.u32 $0x1400, s7  }
0xc: {  	s10 =	sadd.s32 s9, s10;
	s7 =	sshll.u32 s7, $0x7;
	s12 =	ssub.s32 s5, s31  }
0xd: {  	s5 =	sadd.s32 s9, s2;
	s10 =	sshrl.u32 s10, $0x3;
	s11 =	sadd.s32 s7, s6  }
0xe: {  	s8 =	sadd.s32 s8, s6;
	s10 =	sadd.s32 s10, s6;
	s6 =	sadd.s32 s9, s3  }
0xf: {  	s7 =	sadd.s32 $0x4600, s8;
	s8 =	sadd.s32 $0xE0600, s11;
	s9 =	sadd.s32 $0x32600, s10  }
0x10: {  	v0 =	vimm.f32 $0.0e+00;
	v1 =	vimm.f32 $1.000000000e+00;
	s10 =	sadd.s32 $0x2C600, s10;
	s11 =	smax.u32 s12, $0x1;
	s12 =	simm.s32 $0xA400  }
.LBB2_1:
0x11: {  	s25 =	simm.s32 $0x0;
	s26 =	simm.s32 $0x200  }
.LBB2_2:
0x12: {  	p0 =	sne.s32 s26, $0x7E00;
	[tilespmem:s25+$0xA470] =	vst v0  }
0x13: {  	[tilespmem:s25+$0xA400] =	vst v0  }
0x14: {  	[tilespmem:s25+$0xA410] =	vst v0  }
.Ltmp0:
0x15: {  	[tilespmem:s25+$0xA420] =	vst v0;
	(pc) =	sbr.rel @p0 .LBB2_2-.Ltmp0, $4  }
0x16: {  	[tilespmem:s25+$0xA430] =	vst v0  }
0x17: {  	[tilespmem:s25+$0xA440] =	vst v0  }
0x18: {  	[tilespmem:s25+$0xA450] =	vst v0  }
0x19: {  	[tilespmem:s25+$0xA460] =	vst v0;
	s25 =	sshra.s32 s26, $0x2;
	s26 =	sadd.s32 $0x200, s26  }
0x1a: {  	[tilespmem:s25+$0xA470] =	vst v0  }
0x1b: {  	[tilespmem:s25+$0xA400] =	vst v0  }
0x1c: {  	[tilespmem:s25+$0xA410] =	vst v0  }
0x1d: {  	[tilespmem:s25+$0xA420] =	vst v0  }
0x1e: {  	[tilespmem:s25+$0xA430] =	vst v0  }
0x1f: {  	[tilespmem:s25+$0xA440] =	vst v0  }
0x20: {  	[tilespmem:s25+$0xA450] =	vst v0  }
0x21: {  	[tilespmem:s25+$0xA460] =	vst v0  }
0x22: {  	[spmem:s5] =	stream.linear.scatter [tilespmem:s12], [sflag:$0x1], $0x1800, $0x38;
	[tilespmem:$0xF400] =	vst v63  }
0x23: {  	_ =	swait.ge [sflag:s13], $0x1800  }
0x24: {  	[sflag:s13] =	ssyncset.done $0x0  }
0x25: {  	[sflag:s13] =	ssyncadd.s32 $0xFFFFE800  }
0x26: {  	[spmem:s6] =	stream.linear.scatter [tilespmem:s12], [sflag:$0x1], $0x1800, $0x38;
	[tilespmem:$0xF400] =	vst v63  }
0x27: {  	_ =	swait.ge [sflag:s13], $0x1800  }
0x28: {  	[sflag:s13] =	ssyncset.done $0x0  }
0x29: {  	s25 =	simm.s32 $0x0;
	s26 =	simm.s32 $0x200;
	[sflag:s13] =	ssyncadd.s32 $0xFFFFE800  }
.LBB2_4:
0x2a: {  	p0 =	sne.s32 s26, $0x7E00;
	[tilespmem:s25+$0xA470] =	vst v1  }
0x2b: {  	[tilespmem:s25+$0xA400] =	vst v1  }
0x2c: {  	[tilespmem:s25+$0xA410] =	vst v1  }
.Ltmp1:
0x2d: {  	[tilespmem:s25+$0xA420] =	vst v1;
	(pc) =	sbr.rel @p0 .LBB2_4-.Ltmp1, $4  }
0x2e: {  	[tilespmem:s25+$0xA430] =	vst v1  }
0x2f: {  	[tilespmem:s25+$0xA440] =	vst v1  }
0x30: {  	[tilespmem:s25+$0xA450] =	vst v1  }
0x31: {  	[tilespmem:s25+$0xA460] =	vst v1;
	s25 =	sshra.s32 s26, $0x2;
	s26 =	sadd.s32 $0x200, s26  }
0x32: {  	[tilespmem:s25+$0xA470] =	vst v1  }
0x33: {  	[tilespmem:s25+$0xA400] =	vst v1  }
0x34: {  	[tilespmem:s25+$0xA410] =	vst v1  }
0x35: {  	[tilespmem:s25+$0xA420] =	vst v1  }
0x36: {  	[tilespmem:s25+$0xA430] =	vst v1  }
0x37: {  	[tilespmem:s25+$0xA440] =	vst v1  }
0x38: {  	[tilespmem:s25+$0xA450] =	vst v1  }
0x39: {  	[tilespmem:s25+$0xA460] =	vst v1  }
0x3a: {  	[bflag:$0x0] =	sbarrier.arrive $0xFFFF  }
0x3b: {  	[tilespmem:s4], [sflag:$0x1] =	stream.linear.gather [hbm4b:s7+s4], $0xA000, $0x38;
	[tilespmem:$0xF400] =	vst v63  }
0x3c: {  	_ =	swait.ge [sflag:s13], $0xA000  }
0x3d: {  	[sflag:s13] =	ssyncset.done $0x0  }
0x3e: {  	[sflag:s13] =	ssyncadd.s32 $0xFFFF6000  }
0x3f: {  	[tilespmem:s14], [sflag:$0x1] =	stream.linear.gather [hbm4b:s8+s4], $0x280, $0x38;
	[tilespmem:$0xF400] =	vst v63  }
0x40: {  	_ =	swait.ge [sflag:s13], $0x280  }
0x41: {  	[sflag:s13] =	ssyncset.done $0x0  }
0x42: {  	[sflag:s13] =	ssyncadd.s32 $0xFFFFFD80  }
0x43: {  	[spmem:s2] =	stream.indirect.scatter.add.f32 [tilespmem:s4], [sflag:$0x1], $0x80, s14, s15, $0xb8;
	[tilespmem:$0xF400] =	vst v63  }
0x44: {  	_ =	swait.ge [sflag:s13], $0x2000  }
0x45: {  	[sflag:s13] =	ssyncset.done $0x0  }
0x46: {  	[sflag:s13] =	ssyncadd.s32 $0xFFFFE000  }
0x47: {  	[spmem:s3] =	stream.indirect.scatter.add.f32 [tilespmem:s12], [sflag:$0x1], $0x80, s14, s15, $0xb8;
	[tilespmem:$0xF400] =	vst v63  }
0x48: {  	_ =	swait.ge [sflag:s13], $0x2000  }
0x49: {  	[sflag:s13] =	ssyncset.done $0x0  }
0x4a: {  	[sflag:s13] =	ssyncadd.s32 $0xFFFFE000  }
0x4b: {  	[spmem:s2] =	stream.indirect.scatter.add.f32 [tilespmem:s17], [sflag:$0x1], $0x80, s16, s15, $0xb8;
	[tilespmem:$0xF400] =	vst v63  }
0x4c: {  	_ =	swait.ge [sflag:s13], $0x2000  }
0x4d: {  	[sflag:s13] =	ssyncset.done $0x0  }
0x4e: {  	[sflag:s13] =	ssyncadd.s32 $0xFFFFE000  }
0x4f: {  	[spmem:s3] =	stream.indirect.scatter.add.f32 [tilespmem:s12], [sflag:$0x1], $0x80, s16, s15, $0xb8;
	[tilespmem:$0xF400] =	vst v63  }
0x50: {  	_ =	swait.ge [sflag:s13], $0x2000  }
0x51: {  	[sflag:s13] =	ssyncset.done $0x0  }
0x52: {  	[sflag:s13] =	ssyncadd.s32 $0xFFFFE000  }
0x53: {  	[spmem:s2] =	stream.indirect.scatter.add.f32 [tilespmem:s19], [sflag:$0x1], $0x80, s18, s15, $0xb8;
	[tilespmem:$0xF400] =	vst v63  }
0x54: {  	_ =	swait.ge [sflag:s13], $0x2000  }
0x55: {  	[sflag:s13] =	ssyncset.done $0x0  }
0x56: {  	[sflag:s13] =	ssyncadd.s32 $0xFFFFE000  }
0x57: {  	[spmem:s3] =	stream.indirect.scatter.add.f32 [tilespmem:s12], [sflag:$0x1], $0x80, s18, s15, $0xb8;
	[tilespmem:$0xF400] =	vst v63  }
0x58: {  	_ =	swait.ge [sflag:s13], $0x2000  }
0x59: {  	[sflag:s13] =	ssyncset.done $0x0  }
0x5a: {  	[sflag:s13] =	ssyncadd.s32 $0xFFFFE000  }
0x5b: {  	[spmem:s2] =	stream.indirect.scatter.add.f32 [tilespmem:s21], [sflag:$0x1], $0x80, s20, s15, $0xb8;
	[tilespmem:$0xF400] =	vst v63  }
0x5c: {  	_ =	swait.ge [sflag:s13], $0x2000  }
0x5d: {  	[sflag:s13] =	ssyncset.done $0x0  }
0x5e: {  	[sflag:s13] =	ssyncadd.s32 $0xFFFFE000  }
0x5f: {  	[spmem:s3] =	stream.indirect.scatter.add.f32 [tilespmem:s12], [sflag:$0x1], $0x80, s20, s15, $0xb8;
	[tilespmem:$0xF400] =	vst v63  }
0x60: {  	_ =	swait.ge [sflag:s13], $0x2000  }
0x61: {  	[sflag:s13] =	ssyncset.done $0x0  }
0x62: {  	[sflag:s13] =	ssyncadd.s32 $0xFFFFE000  }
0x63: {  	[spmem:s2] =	stream.indirect.scatter.add.f32 [tilespmem:s23], [sflag:$0x1], $0x80, s22, s15, $0xb8;
	[tilespmem:$0xF400] =	vst v63  }
0x64: {  	_ =	swait.ge [sflag:s13], $0x2000  }
0x65: {  	[sflag:s13] =	ssyncset.done $0x0  }
0x66: {  	[sflag:s13] =	ssyncadd.s32 $0xFFFFE000  }
0x67: {  	[spmem:s3] =	stream.indirect.scatter.add.f32 [tilespmem:s12], [sflag:$0x1], $0x80, s22, s15, $0xb8;
	[tilespmem:$0xF400] =	vst v63  }
0x68: {  	_ =	swait.ge [sflag:s13], $0x2000  }
0x69: {  	[sflag:s13] =	ssyncset.done $0x0  }
0x6a: {  	s30 =	sshll.u32 s0, $0x6;
	[sflag:s13] =	ssyncadd.s32 $0xFFFFE000  }
0x6b: {  	s26 =	sshrl.u32 s5, $0x3;
	s25 =	sor.u32 $0x1C01, s30;
	[bflag:$0x0] =	sbarrier.arrive $0xFFFF  }
0x6c: {  	[hbm:s9], [sflag:s25] =	dma.local [spmem:s26], $0x300  }
0x6d: {  	s24 =	sadd.s32 $0x1, s24;
	_ =	swait.ge [sflag:s13], $0x300  }
0x6e: {  	p0 =	sne.s32 s24, s11;
	[sflag:s13] =	ssyncset.done $0x0  }
.Ltmp2:
0x6f: {  	s31 =	sshrl.u32 s6, $0x3;
	[sflag:s13] =	ssyncadd.s32 $0xFFFFFD00;
	(pc) =	sbr.rel @p0 .LBB2_1-.Ltmp2, $4  }
0x70: {  	[hbm:s10], [sflag:s25] =	dma.local [spmem:s31], $0x300  }
0x71: {  	_ =	swait.ge [sflag:s13], $0x300  }
0x72: {  	[sflag:s13] =	ssyncset.done $0x0  }
0x73: {  	[sflag:s13] =	ssyncadd.s32 $0xFFFFFD00  }
0x74: {  	_ =	sfence.sel $0x180000  }
0x75: {  	[bflag:$0x0] =	sbarrier.arrive $0xFFFF  }
0x76: {  	p0 =	sne.s32 s0, $0x0;
	_ =	strace $0x90000050  }
0x77: {  	s0 =	sadd.s32 @!p0 $0x100000, s1;
	[bflag:$0x2] =	sbarrier.arrive $0xFFFF  }
0x78: {  	[sflag:s0] =	ssyncadd.tile.s32 @!p0 $0x1;
	_ =	shalt  }
.Lfunc_end2:
_tile_overlayer_lowered:
.L_overlay_start_2:
0x79: {  	(tag) =	ssettag $0x2  }
0x7a: {  	s0 =	rddreg [dreg:$0x0];
	s2 =	stileid.u32  }
0x7b: {  	s1 =	rddreg [dreg:$0x1];
	p0 =	sne.s32 s2, $0x0  }
0x7c: {  	s3 =	rddreg [dreg:$0x2];
	[bflag:$0x3] =	sbarrier.arrive $0xFFFF;
	s2 =	simm.s32 @!p0 $0x1C01  }
0x7d: {  	[timem:s3], [sflag:s2] =	dma.local @!p0 [hbm:s0], s1  }
0x7e: {  	s0 =	simm.s32 @!p0 $0x1  }
0x7f: {  	_ =	swait.ge @!p0 [sflag:s0], s1  }
0x80: {  	s1 =	ssub.s32 @!p0 $0x0, s1;
	[sflag:s0] =	ssyncset.done @!p0 $0x0  }
0x81: {  	[sflag:s0] =	ssyncadd.s32 @!p0 s1  }
0x82: {  	[bflag:$0x3] =	sbarrier.arrive $0xFFFF  }
0x83: {  	_ =	shalt  }

</sc_bundles>
